<compile_context>
chip_gen: v7x
topology: tpu7x:2x2x1
jax: 0.10.2.dev20260603
libtpu: 0.0.44.dev20260713+nightly
codegen_flags: <defaults>
</compile_context>

<pallas_src>
import functools

import jax
import jax.numpy as jnp
from jax import lax
from jax.experimental import pallas as pl
from jax.experimental.pallas import tpu as pltpu
from jax.experimental.pallas import tpu_sc as plsc

N = 320000
B = 10000
E = 128
H = 256
LANES = 16
NC = 2
NS = 16
ROWS = 128
UNITS = N // ROWS
S_HALF = B // NC
ACC_ROWS = 5008
TRASH1 = ACC_ROWS - 1
ROWS_PER_TILE = 312
LAST_ROWS = ACC_ROWS - (NS - 1) * ROWS_PER_TILE


def _sc_segment_sums(ids, x, zsum):
    mesh = plsc.VectorSubcoreMesh(core_axis_name="c", subcore_axis_name="s",
                                  num_cores=NC)

    @functools.partial(
        pl.kernel,
        mesh=mesh,
        out_type=[
            jax.ShapeDtypeStruct((NC, ACC_ROWS, E), jnp.float32),
            jax.ShapeDtypeStruct((NC, ACC_ROWS, E), jnp.float32),
        ],
        scratch_types=[
            pltpu.VMEM((ROWS,), jnp.int32),
            pltpu.VMEM((ROWS,), jnp.int32),
            pltpu.VMEM((ROWS, E), jnp.float32),
            pltpu.VMEM((ROWS, E), jnp.float32),
            pltpu.VMEM((ROWS, E), jnp.float32),
            pltpu.VMEM((LANES,), jnp.int32),
            pltpu.VMEM_SHARED((ACC_ROWS, E), jnp.float32),
            pltpu.SemaphoreType.DMA,
            pltpu.SemaphoreType.DMA,
            pltpu.SemaphoreType.DMA,
            pltpu.SemaphoreType.DMA,
            pltpu.SemaphoreType.DMA,
            pltpu.SemaphoreType.DMA,
        ],
    )
    def k(ids_hbm, x_hbm, zsum_hbm, sums_hbm, cnts_hbm,
          idx0_v, idx1_v, rows0_v, rows1_v, ones_v, probe_v, acc_s,
          si0, si1, sr0, sr1, ss0, ss1):
        idx_b = (idx0_v, idx1_v)
        rows_b = (rows0_v, rows1_v)
        si_b = (si0, si1)
        sr_b = (sr0, sr1)
        ss_b = (ss0, ss1)
        cid = lax.axis_index("c")
        sid = lax.axis_index("s")
        one16 = jnp.ones((LANES,), jnp.float32)

        def orow(r, carry):
            for c in range(E // LANES):
                ones_v[r, pl.ds(c * LANES, LANES)] = one16
            return carry

        lax.fori_loop(0, ROWS, orow, 0)

        def zero_acc():
            base = sid * ROWS_PER_TILE

            @pl.when(sid == NS - 1)
            def _():
                pltpu.sync_copy(zsum_hbm.at[pl.ds(base, LAST_ROWS)],
                                acc_s.at[pl.ds(base, LAST_ROWS)])

            @pl.when(sid != NS - 1)
            def _():
                pltpu.sync_copy(zsum_hbm.at[pl.ds(base, ROWS_PER_TILE)],
                                acc_s.at[pl.ds(base, ROWS_PER_TILE)])

        zero_acc()

        def bs_step(_, lohi):
            lo, hi = lohi
            mid = jnp.minimum((lo + hi) // 2, UNITS - 1)
            pltpu.sync_copy(ids_hbm.at[pl.ds(mid * ROWS, LANES)], probe_v)
            pv = probe_v[...]
            p = pv[0] >= S_HALF
            active = lo < hi
            new_lo = jnp.where(active & jnp.logical_not(p), mid + 1, lo)
            new_hi = jnp.where(active & p, mid, hi)
            return new_lo, new_hi

        lo, hi = lax.fori_loop(0, 12, bs_step, (jnp.int32(0), jnp.int32(UNITS)))
        u_hi = hi

        u_start = jnp.where(cid == 0, 0, jnp.maximum(u_hi - 1, 0))
        u_end = jnp.where(cid == 0, u_hi, UNITS)
        nloc = jnp.maximum((u_end - u_start - sid + NS - 1) // NS, 0)

        def transform_idx(idx_v):
            @pl.when(cid == 0)
            def _():
                for c in range(ROWS // LANES):
                    v = idx_v[pl.ds(c * LANES, LANES)]
                    idx_v[pl.ds(c * LANES, LANES)] = jnp.minimum(v, S_HALF)

            @pl.when(cid != 0)
            def _():
                for c in range(ROWS // LANES):
                    v = idx_v[pl.ds(c * LANES, LANES)]
                    idx_v[pl.ds(c * LANES, LANES)] = jnp.where(
                        v >= S_HALF, v - S_HALF, TRASH1)

        def writeout(dst_hbm):
            base = sid * ROWS_PER_TILE

            @pl.when(sid == NS - 1)
            def _():
                pltpu.sync_copy(acc_s.at[pl.ds(base, LAST_ROWS)],
                                dst_hbm.at[cid].at[pl.ds(base, LAST_ROWS)])

            @pl.when(sid != NS - 1)
            def _():
                pltpu.sync_copy(acc_s.at[pl.ds(base, ROWS_PER_TILE)],
                                dst_hbm.at[cid].at[pl.ds(base, ROWS_PER_TILE)])

        def phase(with_rows):
            def u_of(j):
                return u_start + sid + NS * j

            def stage(j, k):
                u = u_of(j)
                pltpu.async_copy(ids_hbm.at[pl.ds(u * ROWS, ROWS)],
                                 idx_b[k], si_b[k])
                if with_rows:
                    pltpu.async_copy(x_hbm.at[pl.ds(u * ROWS, ROWS)],
                                     rows_b[k], sr_b[k])

            def wait_idx(k):
                pltpu.make_async_copy(ids_hbm.at[pl.ds(0, ROWS)],
                                      idx_b[k], si_b[k]).wait()

            def wait_rows(k):
                pltpu.make_async_copy(x_hbm.at[pl.ds(0, ROWS)],
                                      rows_b[k], sr_b[k]).wait()

            def wait_scatter(k):
                pltpu.make_async_copy(x_hbm.at[pl.ds(0, ROWS)],
                                      rows_b[k], ss_b[k]).wait()

            @pl.when(nloc > 0)
            def _():
                stage(0, 0)

            def pair(g, carry):
                for k in (0, 1):
                    j = 2 * g + k

                    @pl.when(j < nloc)
                    def _():
                        wait_idx(k)
                        transform_idx(idx_b[k])
                        if with_rows:
                            wait_rows(k)

                        @pl.when((j + 1 < nloc) & (j >= 1))
                        def _():
                            wait_scatter(1 - k)

                        @pl.when(j + 1 < nloc)
                        def _():
                            stage(j + 1, 1 - k)

                        src = rows_b[k] if with_rows else ones_v
                        pltpu.async_copy(src, acc_s.at[idx_b[k]], ss_b[k],
                                         add=True)

                return carry

            lax.fori_loop(0, (nloc + 1) // 2, pair, 0)

            for k in (0, 1):
                @pl.when((nloc >= 1) & ((nloc - 1) % 2 == k))
                def _():
                    wait_scatter(k)

                @pl.when((nloc >= 2) & ((nloc - 2) % 2 == k))
                def _():
                    wait_scatter(k)

        plsc.subcore_barrier()

        phase(with_rows=True)
        plsc.subcore_barrier()
        writeout(sums_hbm)
        plsc.subcore_barrier()
        zero_acc()
        plsc.subcore_barrier()

        phase(with_rows=False)
        plsc.subcore_barrier()
        writeout(cnts_hbm)

    return k(ids, x, zsum)


def _tc_mlp(sums3, cnts3, xvc, w1a, w1b, b1, w2, b2):
    BS = 1000
    grid = (B // BS,)
    nb = S_HALF // BS

    def body(sums_ref, cnt_ref, xvc_ref, w1a_ref, w1b_ref, b1_ref, w2_ref,
             b2_ref, out_ref):
        s = sums_ref[0]
        c = cnt_ref[0, :, 0:1]
        m = s / jnp.maximum(c, 1.0)
        h = (jnp.dot(m, w1a_ref[...], preferred_element_type=jnp.float32,
                     precision=lax.Precision.HIGHEST)
             + jnp.dot(xvc_ref[...], w1b_ref[...],
                       preferred_element_type=jnp.float32,
                       precision=lax.Precision.HIGHEST)
             + b1_ref[...])
        h = jnp.maximum(h, 0.0)
        out_ref[...] = (jnp.dot(h, w2_ref[...],
                                preferred_element_type=jnp.float32,
                                precision=lax.Precision.HIGHEST)
                        + b2_ref[...])

    return pl.pallas_call(
        body,
        grid=grid,
        in_specs=[
            pl.BlockSpec((1, BS, E), lambda i: (i // nb, i % nb, 0)),
            pl.BlockSpec((1, BS, E), lambda i: (i // nb, i % nb, 0)),
            pl.BlockSpec((BS, E), lambda i: (i, 0)),
            pl.BlockSpec((E, H), lambda i: (0, 0)),
            pl.BlockSpec((E, H), lambda i: (0, 0)),
            pl.BlockSpec((1, H), lambda i: (0, 0)),
            pl.BlockSpec((H, E), lambda i: (0, 0)),
            pl.BlockSpec((1, E), lambda i: (0, 0)),
        ],
        out_specs=pl.BlockSpec((BS, E), lambda i: (i, 0)),
        out_shape=jax.ShapeDtypeStruct((B, E), jnp.float32),
    )(sums3, cnts3, xvc, w1a, w1b, b1, w2, b2)


def kernel(x_variables, x_virtual_constraints, x_variables_batch, W1, b1, W2, b2):
    ids = x_variables_batch.astype(jnp.int32)
    zsum = jnp.zeros((ACC_ROWS, E), jnp.float32)
    sums3, cnts3 = _sc_segment_sums(ids, x_variables, zsum)
    w1a = W1[:E]
    w1b = W1[E:]
    return _tc_mlp(sums3, cnts3, x_virtual_constraints, w1a, w1b,
                   b1.reshape(1, H), W2, b2.reshape(1, E))

# --- scband reference (transcript-rebuilt; emitter-appended) ---
"""Pipeline reference for scband-virtual-aggr-33818572489172 (READ-ONLY COPY).

The authoritative reference and input builder live on the scoring server;
editing this copy changes nothing except your own understanding.
"""

import jax, jax.numpy as jnp
import numpy as np

N = 320000
B = 10000
EMBD = 128
HIDDEN = 256

def setup_inputs(seed: int = 0) -> dict:
    key = jax.random.key(seed)
    k1, k2, k3, k4, k5 = jax.random.split(key, 5)
    x_variables = jax.random.normal(k1, (N, EMBD), dtype=jnp.float32)
    x_virtual_constraints = jax.random.normal(k2, (B, EMBD), dtype=jnp.float32)
    x_variables_batch = jnp.sort(jax.random.randint(k3, (N,), 0, B, dtype=jnp.int64))
    W1 = jax.random.normal(k4, (2 * EMBD, HIDDEN), dtype=jnp.float32) * 0.02
    b1 = jnp.zeros((HIDDEN,), dtype=jnp.float32)
    W2 = jax.random.normal(k5, (HIDDEN, EMBD), dtype=jnp.float32) * 0.02
    b2 = jnp.zeros((EMBD,), dtype=jnp.float32)
    return {"x_variables": x_variables, "x_virtual_constraints": x_virtual_constraints,
            "x_variables_batch": x_variables_batch, "W1": W1, "b1": b1, "W2": W2, "b2": b2}

def reference(x_variables, x_virtual_constraints, x_variables_batch, W1, b1, W2, b2):
    # scatter mean over dim 0
    sums = jax.ops.segment_sum(x_variables, x_variables_batch, num_segments=B)
    ones = jnp.ones((x_variables.shape[0], 1), dtype=x_variables.dtype)
    counts = jax.ops.segment_sum(ones, x_variables_batch, num_segments=B)
    x_mean = sums / jnp.maximum(counts, 1.0)
    h = jnp.concatenate([x_mean, x_virtual_constraints], axis=-1)
    h = jnp.maximum(h @ W1 + b1, 0.0)
    out = h @ W2 + b2
    return out

if __name__ == "__main__":
    import jax
    _d = setup_inputs()
    print(jax.jit(kernel)(*tuple(_d.values())))

</pallas_src>

<mosaic_0001>
#map = affine_map<(d0, d1) -> (0)>
#map1 = affine_map<(d0, d1) -> (0, 0)>
#map2 = affine_map<(d0, d1) -> (0, 0, 0)>
module attributes {stable_mosaic.version = 14 : i64} {
  func.func @k(%arg0: i32, %arg1: i32, %arg2: memref<320000xi32, #tpu.memory_space<hbm>>, %arg3: memref<320000x128xf32, #tpu.memory_space<hbm>>, %arg4: memref<5008x128xf32, #tpu.memory_space<hbm>>, %arg5: memref<2x5008x128xf32, #tpu.memory_space<hbm>>, %arg6: memref<2x5008x128xf32, #tpu.memory_space<hbm>>, %arg7: memref<128xi32, #tpu.memory_space<vmem>>, %arg8: memref<128xi32, #tpu.memory_space<vmem>>, %arg9: memref<128x128xf32, #tpu.memory_space<vmem>>, %arg10: memref<128x128xf32, #tpu.memory_space<vmem>>, %arg11: memref<128x128xf32, #tpu.memory_space<vmem>>, %arg12: memref<16xi32, #tpu.memory_space<vmem>>, %arg13: memref<5008x128xf32, #tpu.memory_space<vmem_shared>>, %arg14: memref<!tpu.dma_semaphore, #tpu.memory_space<semaphore_mem>>, %arg15: memref<!tpu.dma_semaphore, #tpu.memory_space<semaphore_mem>>, %arg16: memref<!tpu.dma_semaphore, #tpu.memory_space<semaphore_mem>>, %arg17: memref<!tpu.dma_semaphore, #tpu.memory_space<semaphore_mem>>, %arg18: memref<!tpu.dma_semaphore, #tpu.memory_space<semaphore_mem>>, %arg19: memref<!tpu.dma_semaphore, #tpu.memory_space<semaphore_mem>>) attributes {dimension_semantics = [#tpu.dimension_semantics<core_parallel>, #tpu.dimension_semantics<subcore_parallel>], iteration_bounds = array<i64: 2, 16>, scalar_prefetch = 0 : i64, scratch_operands = 13 : i64, tpu.core_type = #tpu.core_type<sc_vector_subcore>, window_params = [{transform_indices = #map}, {transform_indices = #map1}, {transform_indices = #map1}, {transform_indices = #map2}, {transform_indices = #map2}]} {
    %broadcast_in_dim3A = arith.constant 1.000000e+00 : f32
    %broadcast_in_dim3A_0 = vector.broadcast %broadcast_in_dim3A : f32 to vector<16xf32>
    %scan3A = arith.constant 0 : i32
    %scan3A_1 = arith.constant 0 : i32
    %scan3A_2 = arith.constant 128 : i32
    %scan3A_3 = arith.addi %scan3A_1, %scan3A_2 : i32
    %scan3A_4 = arith.constant 1 : i32
    scf.for %scan3A_382 = %scan3A_1 to %scan3A_3 step %scan3A_4  : i32 {
      %swap3A = arith.index_cast %scan3A_382 : i32 to index
      %swap3A_383 = arith.constant 0 : index
      %swap3A_384 = tpu.vector_load %arg11[%swap3A, %swap3A_383] {strides = array<i32>} : memref<128x128xf32, #tpu.memory_space<vmem>>, vector<1x16xf32>,
      %swap3A_385 = vector.shape_cast %swap3A_384 : vector<1x16xf32> to vector<16xf32>
      %swap3A_386 = vector.shape_cast %broadcast_in_dim3A_0 : vector<16xf32> to vector<1x16xf32>
      tpu.vector_store %arg11[%swap3A, %swap3A_383], %swap3A_386 {strides = array<i32>} : memref<128x128xf32, #tpu.memory_space<vmem>>, vector<1x16xf32>,
      %swap3A_387 = arith.index_cast %scan3A_382 : i32 to index
      %swap3A_388 = arith.constant 16 : index
      %swap3A_389 = tpu.vector_load %arg11[%swap3A_387, %swap3A_388] {strides = array<i32>} : memref<128x128xf32, #tpu.memory_space<vmem>>, vector<1x16xf32>,
      %swap3A_390 = vector.shape_cast %swap3A_389 : vector<1x16xf32> to vector<16xf32>
      %swap3A_391 = vector.shape_cast %broadcast_in_dim3A_0 : vector<16xf32> to vector<1x16xf32>
      tpu.vector_store %arg11[%swap3A_387, %swap3A_388], %swap3A_391 {strides = array<i32>} : memref<128x128xf32, #tpu.memory_space<vmem>>, vector<1x16xf32>,
      %swap3A_392 = arith.index_cast %scan3A_382 : i32 to index
      %swap3A_393 = arith.constant 32 : index
      %swap3A_394 = tpu.vector_load %arg11[%swap3A_392, %swap3A_393] {strides = array<i32>} : memref<128x128xf32, #tpu.memory_space<vmem>>, vector<1x16xf32>,
      %swap3A_395 = vector.shape_cast %swap3A_394 : vector<1x16xf32> to vector<16xf32>
      %swap3A_396 = vector.shape_cast %broadcast_in_dim3A_0 : vector<16xf32> to vector<1x16xf32>
      tpu.vector_store %arg11[%swap3A_392, %swap3A_393], %swap3A_396 {strides = array<i32>} : memref<128x128xf32, #tpu.memory_space<vmem>>, vector<1x16xf32>,
      %swap3A_397 = arith.index_cast %scan3A_382 : i32 to index
      %swap3A_398 = arith.constant 48 : index
      %swap3A_399 = tpu.vector_load %arg11[%swap3A_397, %swap3A_398] {strides = array<i32>} : memref<128x128xf32, #tpu.memory_space<vmem>>, vector<1x16xf32>,
      %swap3A_400 = vector.shape_cast %swap3A_399 : vector<1x16xf32> to vector<16xf32>
      %swap3A_401 = vector.shape_cast %broadcast_in_dim3A_0 : vector<16xf32> to vector<1x16xf32>
      tpu.vector_store %arg11[%swap3A_397, %swap3A_398], %swap3A_401 {strides = array<i32>} : memref<128x128xf32, #tpu.memory_space<vmem>>, vector<1x16xf32>,
      %swap3A_402 = arith.index_cast %scan3A_382 : i32 to index
      %swap3A_403 = arith.constant 64 : index
      %swap3A_404 = tpu.vector_load %arg11[%swap3A_402, %swap3A_403] {strides = array<i32>} : memref<128x128xf32, #tpu.memory_space<vmem>>, vector<1x16xf32>,
      %swap3A_405 = vector.shape_cast %swap3A_404 : vector<1x16xf32> to vector<16xf32>
      %swap3A_406 = vector.shape_cast %broadcast_in_dim3A_0 : vector<16xf32> to vector<1x16xf32>
      tpu.vector_store %arg11[%swap3A_402, %swap3A_403], %swap3A_406 {strides = array<i32>} : memref<128x128xf32, #tpu.memory_space<vmem>>, vector<1x16xf32>,
      %swap3A_407 = arith.index_cast %scan3A_382 : i32 to index
      %swap3A_408 = arith.constant 80 : index
      %swap3A_409 = tpu.vector_load %arg11[%swap3A_407, %swap3A_408] {strides = array<i32>} : memref<128x128xf32, #tpu.memory_space<vmem>>, vector<1x16xf32>,
      %swap3A_410 = vector.shape_cast %swap3A_409 : vector<1x16xf32> to vector<16xf32>
      %swap3A_411 = vector.shape_cast %broadcast_in_dim3A_0 : vector<16xf32> to vector<1x16xf32>
      tpu.vector_store %arg11[%swap3A_407, %swap3A_408], %swap3A_411 {strides = array<i32>} : memref<128x128xf32, #tpu.memory_space<vmem>>, vector<1x16xf32>,
      %swap3A_412 = arith.index_cast %scan3A_382 : i32 to index
      %swap3A_413 = arith.constant 96 : index
      %swap3A_414 = tpu.vector_load %arg11[%swap3A_412, %swap3A_413] {strides = array<i32>} : memref<128x128xf32, #tpu.memory_space<vmem>>, vector<1x16xf32>,
      %swap3A_415 = vector.shape_cast %swap3A_414 : vector<1x16xf32> to vector<16xf32>
      %swap3A_416 = vector.shape_cast %broadcast_in_dim3A_0 : vector<16xf32> to vector<1x16xf32>
      tpu.vector_store %arg11[%swap3A_412, %swap3A_413], %swap3A_416 {strides = array<i32>} : memref<128x128xf32, #tpu.memory_space<vmem>>, vector<1x16xf32>,
      %swap3A_417 = arith.index_cast %scan3A_382 : i32 to index
      %swap3A_418 = arith.constant 112 : index
      %swap3A_419 = tpu.vector_load %arg11[%swap3A_417, %swap3A_418] {strides = array<i32>} : memref<128x128xf32, #tpu.memory_space<vmem>>, vector<1x16xf32>,
      %swap3A_420 = vector.shape_cast %swap3A_419 : vector<1x16xf32> to vector<16xf32>
      %swap3A_421 = vector.shape_cast %broadcast_in_dim3A_0 : vector<16xf32> to vector<1x16xf32>
      tpu.vector_store %arg11[%swap3A_417, %swap3A_418], %swap3A_421 {strides = array<i32>} : memref<128x128xf32, #tpu.memory_space<vmem>>, vector<1x16xf32>,
    }
    %scan3A_5 = arith.constant 128 : i32
    %mul3A = arith.constant 312 : i32
    %mul3A_6 = arith.muli %arg1, %mul3A : i32
    %eq3A = arith.constant 15 : i32
    %eq3A_7 = arith.cmpi eq, %arg1, %eq3A : i32
    %convert_element_type3A = arith.extui %eq3A_7 : i1 to i32
    %cond3A = arith.constant 0 : i32
    %cond3A_8 = arith.cmpi ne, %convert_element_type3A, %cond3A : i32
    scf.if %cond3A_8 {
      "tpu.region"() ({
        %run_scoped3A = tpu.sem_alloc : memref<!tpu.dma_semaphore, #tpu.memory_space<semaphore_mem>>
        %dma_start3A = arith.constant 0 : i32
        %dma_start3A_382 = tpu.memref_slice %arg13[%mul3A_6, %dma_start3A] : memref<5008x128xf32, #tpu.memory_space<vmem_shared>> -> memref<328x128xf32, #tpu.memory_space<vmem_shared>>
        %dma_start3A_383 = arith.constant 0 : i32
        %dma_start3A_384 = tpu.memref_slice %arg4[%mul3A_6, %dma_start3A_383] : memref<5008x128xf32, #tpu.memory_space<hbm>> -> memref<328x128xf32, #tpu.memory_space<hbm>>
        tpu.enqueue_dma source(%dma_start3A_384 : memref<328x128xf32, #tpu.memory_space<hbm>>) target(%dma_start3A_382 : memref<328x128xf32, #tpu.memory_space<vmem_shared>>) target_semaphore(%run_scoped3A : memref<!tpu.dma_semaphore, #tpu.memory_space<semaphore_mem>>)
        %dma_wait3A = arith.constant 0 : i32
        %dma_wait3A_385 = tpu.memref_slice %arg13[%mul3A_6, %dma_wait3A] : memref<5008x128xf32, #tpu.memory_space<vmem_shared>> -> memref<328x128xf32, #tpu.memory_space<vmem_shared>>
        %dma_wait3A_386 = arith.constant 0 : i32
        %dma_wait3A_387 = tpu.memref_slice %arg4[%mul3A_6, %dma_wait3A_386] : memref<5008x128xf32, #tpu.memory_space<hbm>> -> memref<328x128xf32, #tpu.memory_space<hbm>>
        tpu.wait_dma2 semaphore(%run_scoped3A : memref<!tpu.dma_semaphore, #tpu.memory_space<semaphore_mem>>) src(%dma_wait3A_387 : memref<328x128xf32, #tpu.memory_space<hbm>>) dst(%dma_wait3A_385 : memref<328x128xf32, #tpu.memory_space<vmem_shared>>)
        tpu.yield
      }) : () -> ()
    } else {
    }
    %ne3A = arith.constant 15 : i32
    %ne3A_9 = arith.cmpi ne, %arg1, %ne3A : i32
    %convert_element_type3A_10 = arith.extui %ne3A_9 : i1 to i32
    %cond3A_11 = arith.constant 0 : i32
    %cond3A_12 = arith.cmpi ne, %convert_element_type3A_10, %cond3A_11 : i32
    scf.if %cond3A_12 {
      "tpu.region"() ({
        %run_scoped3A = tpu.sem_alloc : memref<!tpu.dma_semaphore, #tpu.memory_space<semaphore_mem>>
        %dma_start3A = arith.constant 0 : i32
        %dma_start3A_382 = tpu.memref_slice %arg13[%mul3A_6, %dma_start3A] : memref<5008x128xf32, #tpu.memory_space<vmem_shared>> -> memref<312x128xf32, #tpu.memory_space<vmem_shared>>
        %dma_start3A_383 = arith.constant 0 : i32
        %dma_start3A_384 = tpu.memref_slice %arg4[%mul3A_6, %dma_start3A_383] : memref<5008x128xf32, #tpu.memory_space<hbm>> -> memref<312x128xf32, #tpu.memory_space<hbm>>
        tpu.enqueue_dma source(%dma_start3A_384 : memref<312x128xf32, #tpu.memory_space<hbm>>) target(%dma_start3A_382 : memref<312x128xf32, #tpu.memory_space<vmem_shared>>) target_semaphore(%run_scoped3A : memref<!tpu.dma_semaphore, #tpu.memory_space<semaphore_mem>>)
        %dma_wait3A = arith.constant 0 : i32
        %dma_wait3A_385 = tpu.memref_slice %arg13[%mul3A_6, %dma_wait3A] : memref<5008x128xf32, #tpu.memory_space<vmem_shared>> -> memref<312x128xf32, #tpu.memory_space<vmem_shared>>
        %dma_wait3A_386 = arith.constant 0 : i32
        %dma_wait3A_387 = tpu.memref_slice %arg4[%mul3A_6, %dma_wait3A_386] : memref<5008x128xf32, #tpu.memory_space<hbm>> -> memref<312x128xf32, #tpu.memory_space<hbm>>
        tpu.wait_dma2 semaphore(%run_scoped3A : memref<!tpu.dma_semaphore, #tpu.memory_space<semaphore_mem>>) src(%dma_wait3A_387 : memref<312x128xf32, #tpu.memory_space<hbm>>) dst(%dma_wait3A_385 : memref<312x128xf32, #tpu.memory_space<vmem_shared>>)
        tpu.yield
      }) : () -> ()
    } else {
    }
    %scan3A_13 = arith.constant 0 : i32
    %scan3A_14 = arith.constant 2500 : i32
    %scan3A_15 = arith.constant 0 : i32
    %scan3A_16 = arith.constant 12 : i32
    %scan3A_17 = arith.addi %scan3A_15, %scan3A_16 : i32
    %scan3A_18 = arith.constant 1 : i32
    %scan3A_19:2 = scf.for %scan3A_382 = %scan3A_15 to %scan3A_17 step %scan3A_18 iter_args(%scan3A_383 = %scan3A_13, %scan3A_384 = %scan3A_14) -> (i32, i32)  : i32 {
      %add3A_385 = arith.addi %scan3A_383, %scan3A_384 : i32
      %jit3A_386 = arith.constant 2 : i32
      %div3A_387 = arith.divsi %add3A_385, %jit3A_386 : i32
      %sign3A_388 = arith.constant 0 : i32
      %sign3A_389 = arith.cmpi sgt, %add3A_385, %sign3A_388 : i32
      %sign3A_390 = arith.extui %sign3A_389 : i1 to i32
      %sign3A_391 = arith.constant 0 : i32
      %sign3A_392 = arith.cmpi slt, %add3A_385, %sign3A_391 : i32
      %sign3A_393 = arith.extui %sign3A_392 : i1 to i32
      %sign3A_394 = arith.subi %sign3A_390, %sign3A_393 : i32
      %sign3A_395 = arith.constant 0 : i32
      %sign3A_396 = arith.cmpi sgt, %jit3A_386, %sign3A_395 : i32
      %sign3A_397 = arith.extui %sign3A_396 : i1 to i32
      %sign3A_398 = arith.constant 0 : i32
      %sign3A_399 = arith.cmpi slt, %jit3A_386, %sign3A_398 : i32
      %sign3A_400 = arith.extui %sign3A_399 : i1 to i32
      %sign3A_401 = arith.subi %sign3A_397, %sign3A_400 : i32
      %ne3A_402 = arith.cmpi ne, %sign3A_394, %sign3A_401 : i32
      %rem3A_403 = arith.remsi %add3A_385, %jit3A_386 : i32
      %ne3A_404 = arith.constant 0 : i32
      %ne3A_405 = arith.cmpi ne, %rem3A_403, %ne3A_404 : i32
      %and3A_406 = arith.andi %ne3A_402, %ne3A_405 : i1
      %sub3A_407 = arith.constant 1 : i32
      %sub3A_408 = arith.subi %div3A_387, %sub3A_407 : i32
      %select_n3A_409 = arith.select %and3A_406, %sub3A_408, %div3A_387 : i32
      %min3A = arith.constant 2499 : i32
      %min3A_410 = arith.minsi %select_n3A_409, %min3A : i32
      %mul3A_411 = arith.constant 128 : i32
      %mul3A_412 = arith.muli %min3A_410, %mul3A_411 : i32
      "tpu.region"() ({
        %run_scoped3A = tpu.sem_alloc : memref<!tpu.dma_semaphore, #tpu.memory_space<semaphore_mem>>
        %dma_start3A = tpu.memref_slice %arg2[%mul3A_412] : memref<320000xi32, #tpu.memory_space<hbm>> -> memref<16xi32, #tpu.memory_space<hbm>>
        %dma_start3A_425 = tpu.memref_slice %arg2[%mul3A_412] : memref<320000xi32, #tpu.memory_space<hbm>> -> memref<16xi32, #tpu.memory_space<hbm>>
        tpu.enqueue_dma source(%dma_start3A_425 : memref<16xi32, #tpu.memory_space<hbm>>) target(%arg12 : memref<16xi32, #tpu.memory_space<vmem>>) target_semaphore(%run_scoped3A : memref<!tpu.dma_semaphore, #tpu.memory_space<semaphore_mem>>)
        %dma_wait3A = tpu.memref_slice %arg2[%mul3A_412] : memref<320000xi32, #tpu.memory_space<hbm>> -> memref<16xi32, #tpu.memory_space<hbm>>
        %dma_wait3A_426 = tpu.memref_slice %arg2[%mul3A_412] : memref<320000xi32, #tpu.memory_space<hbm>> -> memref<16xi32, #tpu.memory_space<hbm>>
        tpu.wait_dma2 semaphore(%run_scoped3A : memref<!tpu.dma_semaphore, #tpu.memory_space<semaphore_mem>>) src(%dma_wait3A_426 : memref<16xi32, #tpu.memory_space<hbm>>) dst(%arg12 : memref<16xi32, #tpu.memory_space<vmem>>)
        tpu.yield
      }) : () -> ()
      %get3A = arith.constant 0 : index
      %get3A_413 = tpu.vector_load %arg12[%get3A] {strides = array<i32>} : memref<16xi32, #tpu.memory_space<vmem>>, vector<16xi32>,
      %get3A_414 = vector.shape_cast %get3A_413 : vector<16xi32> to vector<16xi32>
      %slice3A = vector.extract_strided_slice %get3A_414 {offsets = [0], sizes = [1], strides = [1]} : vector<16xi32> to vector<1xi32>
      %squeeze3A = vector.extract %slice3A[0] : i32 from vector<1xi32>
      %ge3A_415 = arith.constant 5000 : i32
      %ge3A_416 = arith.cmpi sge, %squeeze3A, %ge3A_415 : i32
      %lt3A_417 = arith.cmpi slt, %scan3A_383, %scan3A_384 : i32
      %not3A = arith.constant true
      %not3A_418 = arith.xori %ge3A_416, %not3A : i1
      %and3A_419 = arith.andi %lt3A_417, %not3A_418 : i1
      %add3A_420 = arith.constant 1 : i32
      %add3A_421 = arith.addi %min3A_410, %add3A_420 : i32
      %select_n3A_422 = arith.select %and3A_419, %add3A_421, %scan3A_383 : i32
      %and3A_423 = arith.andi %lt3A_417, %ge3A_416 : i1
      %select_n3A_424 = arith.select %and3A_423, %min3A_410, %scan3A_384 : i32
      scf.yield %select_n3A_422, %select_n3A_424 : i32, i32
    }
    %scan3A_20 = arith.constant 12 : i32
    %eq3A_21 = arith.constant 0 : i32
    %eq3A_22 = arith.cmpi eq, %arg0, %eq3A_21 : i32
    %sub3A = arith.constant 1 : i32
    %sub3A_23 = arith.subi %scan3A_19#1, %sub3A : i32
    %max3A = arith.constant 0 : i32
    %max3A_24 = arith.maxsi %sub3A_23, %max3A : i32
    %jit3A = arith.constant 0 : i32
    %select_n3A = arith.select %eq3A_22, %jit3A, %max3A_24 : i32
    %eq3A_25 = arith.constant 0 : i32
    %eq3A_26 = arith.cmpi eq, %arg0, %eq3A_25 : i32
    %jit3A_27 = arith.constant 2500 : i32
    %select_n3A_28 = arith.select %eq3A_26, %scan3A_19#1, %jit3A_27 : i32
    %sub3A_29 = arith.subi %select_n3A_28, %select_n3A : i32
    %sub3A_30 = arith.subi %sub3A_29, %arg1 : i32
    %add3A = arith.constant 16 : i32
    %add3A_31 = arith.addi %sub3A_30, %add3A : i32
    %sub3A_32 = arith.constant 1 : i32
    %sub3A_33 = arith.subi %add3A_31, %sub3A_32 : i32
    %jit3A_34 = arith.constant 16 : i32
    %div3A = arith.divsi %sub3A_33, %jit3A_34 : i32
    %sign3A = arith.constant 0 : i32
    %sign3A_35 = arith.cmpi sgt, %sub3A_33, %sign3A : i32
    %sign3A_36 = arith.extui %sign3A_35 : i1 to i32
    %sign3A_37 = arith.constant 0 : i32
    %sign3A_38 = arith.cmpi slt, %sub3A_33, %sign3A_37 : i32
    %sign3A_39 = arith.extui %sign3A_38 : i1 to i32
    %sign3A_40 = arith.subi %sign3A_36, %sign3A_39 : i32
    %sign3A_41 = arith.constant 0 : i32
    %sign3A_42 = arith.cmpi sgt, %jit3A_34, %sign3A_41 : i32
    %sign3A_43 = arith.extui %sign3A_42 : i1 to i32
    %sign3A_44 = arith.constant 0 : i32
    %sign3A_45 = arith.cmpi slt, %jit3A_34, %sign3A_44 : i32
    %sign3A_46 = arith.extui %sign3A_45 : i1 to i32
    %sign3A_47 = arith.subi %sign3A_43, %sign3A_46 : i32
    %ne3A_48 = arith.cmpi ne, %sign3A_40, %sign3A_47 : i32
    %rem3A = arith.remsi %sub3A_33, %jit3A_34 : i32
    %ne3A_49 = arith.constant 0 : i32
    %ne3A_50 = arith.cmpi ne, %rem3A, %ne3A_49 : i32
    %and3A = arith.andi %ne3A_48, %ne3A_50 : i1
    %sub3A_51 = arith.constant 1 : i32
    %sub3A_52 = arith.subi %div3A, %sub3A_51 : i32
    %select_n3A_53 = arith.select %and3A, %sub3A_52, %div3A : i32
    %max3A_54 = arith.constant 0 : i32
    %max3A_55 = arith.maxsi %select_n3A_53, %max3A_54 : i32
    %barrier3A = arith.constant 0 : index
    tpu.barrier barrier_id(%barrier3A)
    %gt3A = arith.constant 0 : i32
    %gt3A_56 = arith.cmpi sgt, %max3A_55, %gt3A : i32
    %convert_element_type3A_57 = arith.extui %gt3A_56 : i1 to i32
    %cond3A_58 = arith.constant 0 : i32
    %cond3A_59 = arith.cmpi ne, %convert_element_type3A_57, %cond3A_58 : i32
    scf.if %cond3A_59 {
      %add3A_382 = arith.addi %select_n3A, %arg1 : i32
      %add3A_383 = arith.constant 0 : i32
      %add3A_384 = arith.addi %add3A_382, %add3A_383 : i32
      %mul3A_385 = arith.constant 128 : i32
      %mul3A_386 = arith.muli %add3A_384, %mul3A_385 : i32
      %dma_start3A = tpu.memref_slice %arg2[%mul3A_386] : memref<320000xi32, #tpu.memory_space<hbm>> -> memref<128xi32, #tpu.memory_space<hbm>>
      %dma_start3A_387 = tpu.memref_slice %arg2[%mul3A_386] : memref<320000xi32, #tpu.memory_space<hbm>> -> memref<128xi32, #tpu.memory_space<hbm>>
      tpu.enqueue_dma source(%dma_start3A_387 : memref<128xi32, #tpu.memory_space<hbm>>) target(%arg7 : memref<128xi32, #tpu.memory_space<vmem>>) target_semaphore(%arg14 : memref<!tpu.dma_semaphore, #tpu.memory_space<semaphore_mem>>)
      %mul3A_388 = arith.constant 128 : i32
      %mul3A_389 = arith.muli %add3A_384, %mul3A_388 : i32
      %dma_start3A_390 = arith.constant 0 : i32
      %dma_start3A_391 = tpu.memref_slice %arg3[%mul3A_389, %dma_start3A_390] : memref<320000x128xf32, #tpu.memory_space<hbm>> -> memref<128x128xf32, #tpu.memory_space<hbm>>
      %dma_start3A_392 = arith.constant 0 : i32
      %dma_start3A_393 = tpu.memref_slice %arg3[%mul3A_389, %dma_start3A_392] : memref<320000x128xf32, #tpu.memory_space<hbm>> -> memref<128x128xf32, #tpu.memory_space<hbm>>
      tpu.enqueue_dma source(%dma_start3A_393 : memref<128x128xf32, #tpu.memory_space<hbm>>) target(%arg9 : memref<128x128xf32, #tpu.memory_space<vmem>>) target_semaphore(%arg16 : memref<!tpu.dma_semaphore, #tpu.memory_space<semaphore_mem>>)
    } else {
    }
    %add3A_60 = arith.constant 1 : i32
    %add3A_61 = arith.addi %max3A_55, %add3A_60 : i32
    %jit3A_62 = arith.constant 2 : i32
    %div3A_63 = arith.divsi %add3A_61, %jit3A_62 : i32
    %sign3A_64 = arith.constant 0 : i32
    %sign3A_65 = arith.cmpi sgt, %add3A_61, %sign3A_64 : i32
    %sign3A_66 = arith.extui %sign3A_65 : i1 to i32
    %sign3A_67 = arith.constant 0 : i32
    %sign3A_68 = arith.cmpi slt, %add3A_61, %sign3A_67 : i32
    %sign3A_69 = arith.extui %sign3A_68 : i1 to i32
    %sign3A_70 = arith.subi %sign3A_66, %sign3A_69 : i32
    %sign3A_71 = arith.constant 0 : i32
    %sign3A_72 = arith.cmpi sgt, %jit3A_62, %sign3A_71 : i32
    %sign3A_73 = arith.extui %sign3A_72 : i1 to i32
    %sign3A_74 = arith.constant 0 : i32
    %sign3A_75 = arith.cmpi slt, %jit3A_62, %sign3A_74 : i32
    %sign3A_76 = arith.extui %sign3A_75 : i1 to i32
    %sign3A_77 = arith.subi %sign3A_73, %sign3A_76 : i32
    %ne3A_78 = arith.cmpi ne, %sign3A_70, %sign3A_77 : i32
    %rem3A_79 = arith.remsi %add3A_61, %jit3A_62 : i32
    %ne3A_80 = arith.constant 0 : i32
    %ne3A_81 = arith.cmpi ne, %rem3A_79, %ne3A_80 : i32
    %and3A_82 = arith.andi %ne3A_78, %ne3A_81 : i1
    %sub3A_83 = arith.constant 1 : i32
    %sub3A_84 = arith.subi %div3A_63, %sub3A_83 : i32
    %select_n3A_85 = arith.select %and3A_82, %sub3A_84, %div3A_63 : i32
    %while3A = arith.constant 0 : i32
    %while3A_86 = arith.constant 0 : i32
    %while3A_87 = arith.subi %select_n3A_85, %while3A_86 : i32
    %while3A_88 = arith.addi %while3A_86, %while3A_87 : i32
    %while3A_89 = arith.constant 1 : i32
    %while3A_90 = arith.divsi %while3A_87, %while3A_89 : i32
    %while3A_91 = arith.muli %while3A_90, %while3A_89 : i32
    %while3A_92 = arith.addi %while3A_86, %while3A_91 : i32
    %while3A_93 = arith.constant 1 : i32
    scf.for %while3A_382 = %while3A_86 to %while3A_92 step %while3A_93  : i32 {
      %mul3A_383 = arith.constant 2 : i32
      %mul3A_384 = arith.muli %mul3A_383, %while3A_382 : i32
      %add3A_385 = arith.constant 0 : i32
      %add3A_386 = arith.addi %mul3A_384, %add3A_385 : i32
      %lt3A_387 = arith.cmpi slt, %add3A_386, %max3A_55 : i32
      %convert_element_type3A_388 = arith.extui %lt3A_387 : i1 to i32
      %cond3A_389 = arith.constant 0 : i32
      %cond3A_390 = arith.cmpi ne, %convert_element_type3A_388, %cond3A_389 : i32
      scf.if %cond3A_390 {
        %dma_wait3A = arith.constant 0 : i32
        %dma_wait3A_399 = tpu.memref_slice %arg2[%dma_wait3A] : memref<320000xi32, #tpu.memory_space<hbm>> -> memref<128xi32, #tpu.memory_space<hbm>>
        %dma_wait3A_400 = arith.constant 0 : i32
        %dma_wait3A_401 = tpu.memref_slice %arg2[%dma_wait3A_400] : memref<320000xi32, #tpu.memory_space<hbm>> -> memref<128xi32, #tpu.memory_space<hbm>>
        tpu.wait_dma2 semaphore(%arg14 : memref<!tpu.dma_semaphore, #tpu.memory_space<semaphore_mem>>) src(%dma_wait3A_401 : memref<128xi32, #tpu.memory_space<hbm>>) dst(%arg7 : memref<128xi32, #tpu.memory_space<vmem>>)
        %eq3A_402 = arith.constant 0 : i32
        %eq3A_403 = arith.cmpi eq, %arg0, %eq3A_402 : i32
        %convert_element_type3A_404 = arith.extui %eq3A_403 : i1 to i32
        %cond3A_405 = arith.constant 0 : i32
        %cond3A_406 = arith.cmpi ne, %convert_element_type3A_404, %cond3A_405 : i32
        scf.if %cond3A_406 {
          %get3A = arith.constant 0 : index
          %get3A_435 = tpu.vector_load %arg7[%get3A] {strides = array<i32>} : memref<128xi32, #tpu.memory_space<vmem>>, vector<16xi32>,
          %get3A_436 = vector.shape_cast %get3A_435 : vector<16xi32> to vector<16xi32>
          %min3A = arith.constant 5000 : i32
          %min3A_437 = vector.broadcast %min3A : i32 to vector<16xi32>
          %min3A_438 = arith.minsi %get3A_436, %min3A_437 : vector<16xi32>
          %swap3A = arith.constant 0 : index
          %swap3A_439 = tpu.vector_load %arg7[%swap3A] {strides = array<i32>} : memref<128xi32, #tpu.memory_space<vmem>>, vector<16xi32>,
          %swap3A_440 = vector.shape_cast %swap3A_439 : vector<16xi32> to vector<16xi32>
          %swap3A_441 = vector.shape_cast %min3A_438 : vector<16xi32> to vector<16xi32>
          tpu.vector_store %arg7[%swap3A], %swap3A_441 {strides = array<i32>} : memref<128xi32, #tpu.memory_space<vmem>>, vector<16xi32>,
          %get3A_442 = arith.constant 16 : index
          %get3A_443 = tpu.vector_load %arg7[%get3A_442] {strides = array<i32>} : memref<128xi32, #tpu.memory_space<vmem>>, vector<16xi32>,
          %get3A_444 = vector.shape_cast %get3A_443 : vector<16xi32> to vector<16xi32>
          %min3A_445 = arith.constant 5000 : i32
          %min3A_446 = vector.broadcast %min3A_445 : i32 to vector<16xi32>
          %min3A_447 = arith.minsi %get3A_444, %min3A_446 : vector<16xi32>
          %swap3A_448 = arith.constant 16 : index
          %swap3A_449 = tpu.vector_load %arg7[%swap3A_448] {strides = array<i32>} : memref<128xi32, #tpu.memory_space<vmem>>, vector<16xi32>,
          %swap3A_450 = vector.shape_cast %swap3A_449 : vector<16xi32> to vector<16xi32>
          %swap3A_451 = vector.shape_cast %min3A_447 : vector<16xi32> to vector<16xi32>
          tpu.vector_store %arg7[%swap3A_448], %swap3A_451 {strides = array<i32>} : memref<128xi32, #tpu.memory_space<vmem>>, vector<16xi32>,
          %get3A_452 = arith.constant 32 : index
          %get3A_453 = tpu.vector_load %arg7[%get3A_452] {strides = array<i32>} : memref<128xi32, #tpu.memory_space<vmem>>, vector<16xi32>,
          %get3A_454 = vector.shape_cast %get3A_453 : vector<16xi32> to vector<16xi32>
          %min3A_455 = arith.constant 5000 : i32
          %min3A_456 = vector.broadcast %min3A_455 : i32 to vector<16xi32>
          %min3A_457 = arith.minsi %get3A_454, %min3A_456 : vector<16xi32>
          %swap3A_458 = arith.constant 32 : index
          %swap3A_459 = tpu.vector_load %arg7[%swap3A_458] {strides = array<i32>} : memref<128xi32, #tpu.memory_space<vmem>>, vector<16xi32>,
          %swap3A_460 = vector.shape_cast %swap3A_459 : vector<16xi32> to vector<16xi32>
          %swap3A_461 = vector.shape_cast %min3A_457 : vector<16xi32> to vector<16xi32>
          tpu.vector_store %arg7[%swap3A_458], %swap3A_461 {strides = array<i32>} : memref<128xi32, #tpu.memory_space<vmem>>, vector<16xi32>,
          %get3A_462 = arith.constant 48 : index
          %get3A_463 = tpu.vector_load %arg7[%get3A_462] {strides = array<i32>} : memref<128xi32, #tpu.memory_space<vmem>>, vector<16xi32>,
          %get3A_464 = vector.shape_cast %get3A_463 : vector<16xi32> to vector<16xi32>
          %min3A_465 = arith.constant 5000 : i32
          %min3A_466 = vector.broadcast %min3A_465 : i32 to vector<16xi32>
          %min3A_467 = arith.minsi %get3A_464, %min3A_466 : vector<16xi32>
          %swap3A_468 = arith.constant 48 : index
          %swap3A_469 = tpu.vector_load %arg7[%swap3A_468] {strides = array<i32>} : memref<128xi32, #tpu.memory_space<vmem>>, vector<16xi32>,
          %swap3A_470 = vector.shape_cast %swap3A_469 : vector<16xi32> to vector<16xi32>
          %swap3A_471 = vector.shape_cast %min3A_467 : vector<16xi32> to vector<16xi32>
          tpu.vector_store %arg7[%swap3A_468], %swap3A_471 {strides = array<i32>} : memref<128xi32, #tpu.memory_space<vmem>>, vector<16xi32>,
          %get3A_472 = arith.constant 64 : index
          %get3A_473 = tpu.vector_load %arg7[%get3A_472] {strides = array<i32>} : memref<128xi32, #tpu.memory_space<vmem>>, vector<16xi32>,
          %get3A_474 = vector.shape_cast %get3A_473 : vector<16xi32> to vector<16xi32>
          %min3A_475 = arith.constant 5000 : i32
          %min3A_476 = vector.broadcast %min3A_475 : i32 to vector<16xi32>
          %min3A_477 = arith.minsi %get3A_474, %min3A_476 : vector<16xi32>
          %swap3A_478 = arith.constant 64 : index
          %swap3A_479 = tpu.vector_load %arg7[%swap3A_478] {strides = array<i32>} : memref<128xi32, #tpu.memory_space<vmem>>, vector<16xi32>,
          %swap3A_480 = vector.shape_cast %swap3A_479 : vector<16xi32> to vector<16xi32>
          %swap3A_481 = vector.shape_cast %min3A_477 : vector<16xi32> to vector<16xi32>
          tpu.vector_store %arg7[%swap3A_478], %swap3A_481 {strides = array<i32>} : memref<128xi32, #tpu.memory_space<vmem>>, vector<16xi32>,
          %get3A_482 = arith.constant 80 : index
          %get3A_483 = tpu.vector_load %arg7[%get3A_482] {strides = array<i32>} : memref<128xi32, #tpu.memory_space<vmem>>, vector<16xi32>,
          %get3A_484 = vector.shape_cast %get3A_483 : vector<16xi32> to vector<16xi32>
          %min3A_485 = arith.constant 5000 : i32
          %min3A_486 = vector.broadcast %min3A_485 : i32 to vector<16xi32>
          %min3A_487 = arith.minsi %get3A_484, %min3A_486 : vector<16xi32>
          %swap3A_488 = arith.constant 80 : index
          %swap3A_489 = tpu.vector_load %arg7[%swap3A_488] {strides = array<i32>} : memref<128xi32, #tpu.memory_space<vmem>>, vector<16xi32>,
          %swap3A_490 = vector.shape_cast %swap3A_489 : vector<16xi32> to vector<16xi32>
          %swap3A_491 = vector.shape_cast %min3A_487 : vector<16xi32> to vector<16xi32>
          tpu.vector_store %arg7[%swap3A_488], %swap3A_491 {strides = array<i32>} : memref<128xi32, #tpu.memory_space<vmem>>, vector<16xi32>,
          %get3A_492 = arith.constant 96 : index
          %get3A_493 = tpu.vector_load %arg7[%get3A_492] {strides = array<i32>} : memref<128xi32, #tpu.memory_space<vmem>>, vector<16xi32>,
          %get3A_494 = vector.shape_cast %get3A_493 : vector<16xi32> to vector<16xi32>
          %min3A_495 = arith.constant 5000 : i32
          %min3A_496 = vector.broadcast %min3A_495 : i32 to vector<16xi32>
          %min3A_497 = arith.minsi %get3A_494, %min3A_496 : vector<16xi32>
          %swap3A_498 = arith.constant 96 : index
          %swap3A_499 = tpu.vector_load %arg7[%swap3A_498] {strides = array<i32>} : memref<128xi32, #tpu.memory_space<vmem>>, vector<16xi32>,
          %swap3A_500 = vector.shape_cast %swap3A_499 : vector<16xi32> to vector<16xi32>
          %swap3A_501 = vector.shape_cast %min3A_497 : vector<16xi32> to vector<16xi32>
          tpu.vector_store %arg7[%swap3A_498], %swap3A_501 {strides = array<i32>} : memref<128xi32, #tpu.memory_space<vmem>>, vector<16xi32>,
          %get3A_502 = arith.constant 112 : index
          %get3A_503 = tpu.vector_load %arg7[%get3A_502] {strides = array<i32>} : memref<128xi32, #tpu.memory_space<vmem>>, vector<16xi32>,
          %get3A_504 = vector.shape_cast %get3A_503 : vector<16xi32> to vector<16xi32>
          %min3A_505 = arith.constant 5000 : i32
          %min3A_506 = vector.broadcast %min3A_505 : i32 to vector<16xi32>
          %min3A_507 = arith.minsi %get3A_504, %min3A_506 : vector<16xi32>
          %swap3A_508 = arith.constant 112 : index
          %swap3A_509 = tpu.vector_load %arg7[%swap3A_508] {strides = array<i32>} : memref<128xi32, #tpu.memory_space<vmem>>, vector<16xi32>,
          %swap3A_510 = vector.shape_cast %swap3A_509 : vector<16xi32> to vector<16xi32>
          %swap3A_511 = vector.shape_cast %min3A_507 : vector<16xi32> to vector<16xi32>
          tpu.vector_store %arg7[%swap3A_508], %swap3A_511 {strides = array<i32>} : memref<128xi32, #tpu.memory_space<vmem>>, vector<16xi32>,
        } else {
        }
        %ne3A_407 = arith.constant 0 : i32
        %ne3A_408 = arith.cmpi ne, %arg0, %ne3A_407 : i32
        %convert_element_type3A_409 = arith.extui %ne3A_408 : i1 to i32
        %cond3A_410 = arith.constant 0 : i32
        %cond3A_411 = arith.cmpi ne, %convert_element_type3A_409, %cond3A_410 : i32
        scf.if %cond3A_411 {
          %get3A = arith.constant 0 : index
          %get3A_435 = tpu.vector_load %arg7[%get3A] {strides = array<i32>} : memref<128xi32, #tpu.memory_space<vmem>>, vector<16xi32>,
          %get3A_436 = vector.shape_cast %get3A_435 : vector<16xi32> to vector<16xi32>
          %ge3A_437 = arith.constant 5000 : i32
          %ge3A_438 = vector.broadcast %ge3A_437 : i32 to vector<16xi32>
          %ge3A_439 = arith.cmpi sge, %get3A_436, %ge3A_438 : vector<16xi32>
          %sub3A_440 = arith.constant 5000 : i32
          %sub3A_441 = vector.broadcast %sub3A_440 : i32 to vector<16xi32>
          %sub3A_442 = arith.subi %get3A_436, %sub3A_441 : vector<16xi32>
          %jit3A_443 = arith.constant 5007 : i32
          %broadcast_in_dim3A_444 = vector.broadcast %jit3A_443 : i32 to vector<16xi32>
          %select_n3A_445 = arith.select %ge3A_439, %sub3A_442, %broadcast_in_dim3A_444 : vector<16xi1>, vector<16xi32>
          %swap3A = arith.constant 0 : index
          %swap3A_446 = tpu.vector_load %arg7[%swap3A] {strides = array<i32>} : memref<128xi32, #tpu.memory_space<vmem>>, vector<16xi32>,
          %swap3A_447 = vector.shape_cast %swap3A_446 : vector<16xi32> to vector<16xi32>
          %swap3A_448 = vector.shape_cast %select_n3A_445 : vector<16xi32> to vector<16xi32>
          tpu.vector_store %arg7[%swap3A], %swap3A_448 {strides = array<i32>} : memref<128xi32, #tpu.memory_space<vmem>>, vector<16xi32>,
          %get3A_449 = arith.constant 16 : index
          %get3A_450 = tpu.vector_load %arg7[%get3A_449] {strides = array<i32>} : memref<128xi32, #tpu.memory_space<vmem>>, vector<16xi32>,
          %get3A_451 = vector.shape_cast %get3A_450 : vector<16xi32> to vector<16xi32>
          %ge3A_452 = arith.constant 5000 : i32
          %ge3A_453 = vector.broadcast %ge3A_452 : i32 to vector<16xi32>
          %ge3A_454 = arith.cmpi sge, %get3A_451, %ge3A_453 : vector<16xi32>
          %sub3A_455 = arith.constant 5000 : i32
          %sub3A_456 = vector.broadcast %sub3A_455 : i32 to vector<16xi32>
          %sub3A_457 = arith.subi %get3A_451, %sub3A_456 : vector<16xi32>
          %jit3A_458 = arith.constant 5007 : i32
          %broadcast_in_dim3A_459 = vector.broadcast %jit3A_458 : i32 to vector<16xi32>
          %select_n3A_460 = arith.select %ge3A_454, %sub3A_457, %broadcast_in_dim3A_459 : vector<16xi1>, vector<16xi32>
          %swap3A_461 = arith.constant 16 : index
          %swap3A_462 = tpu.vector_load %arg7[%swap3A_461] {strides = array<i32>} : memref<128xi32, #tpu.memory_space<vmem>>, vector<16xi32>,
          %swap3A_463 = vector.shape_cast %swap3A_462 : vector<16xi32> to vector<16xi32>
          %swap3A_464 = vector.shape_cast %select_n3A_460 : vector<16xi32> to vector<16xi32>
          tpu.vector_store %arg7[%swap3A_461], %swap3A_464 {strides = array<i32>} : memref<128xi32, #tpu.memory_space<vmem>>, vector<16xi32>,
          %get3A_465 = arith.constant 32 : index
          %get3A_466 = tpu.vector_load %arg7[%get3A_465] {strides = array<i32>} : memref<128xi32, #tpu.memory_space<vmem>>, vector<16xi32>,
          %get3A_467 = vector.shape_cast %get3A_466 : vector<16xi32> to vector<16xi32>
          %ge3A_468 = arith.constant 5000 : i32
          %ge3A_469 = vector.broadcast %ge3A_468 : i32 to vector<16xi32>
          %ge3A_470 = arith.cmpi sge, %get3A_467, %ge3A_469 : vector<16xi32>
          %sub3A_471 = arith.constant 5000 : i32
          %sub3A_472 = vector.broadcast %sub3A_471 : i32 to vector<16xi32>
          %sub3A_473 = arith.subi %get3A_467, %sub3A_472 : vector<16xi32>
          %jit3A_474 = arith.constant 5007 : i32
          %broadcast_in_dim3A_475 = vector.broadcast %jit3A_474 : i32 to vector<16xi32>
          %select_n3A_476 = arith.select %ge3A_470, %sub3A_473, %broadcast_in_dim3A_475 : vector<16xi1>, vector<16xi32>
          %swap3A_477 = arith.constant 32 : index
          %swap3A_478 = tpu.vector_load %arg7[%swap3A_477] {strides = array<i32>} : memref<128xi32, #tpu.memory_space<vmem>>, vector<16xi32>,
          %swap3A_479 = vector.shape_cast %swap3A_478 : vector<16xi32> to vector<16xi32>
          %swap3A_480 = vector.shape_cast %select_n3A_476 : vector<16xi32> to vector<16xi32>
          tpu.vector_store %arg7[%swap3A_477], %swap3A_480 {strides = array<i32>} : memref<128xi32, #tpu.memory_space<vmem>>, vector<16xi32>,
          %get3A_481 = arith.constant 48 : index
          %get3A_482 = tpu.vector_load %arg7[%get3A_481] {strides = array<i32>} : memref<128xi32, #tpu.memory_space<vmem>>, vector<16xi32>,
          %get3A_483 = vector.shape_cast %get3A_482 : vector<16xi32> to vector<16xi32>
          %ge3A_484 = arith.constant 5000 : i32
          %ge3A_485 = vector.broadcast %ge3A_484 : i32 to vector<16xi32>
          %ge3A_486 = arith.cmpi sge, %get3A_483, %ge3A_485 : vector<16xi32>
          %sub3A_487 = arith.constant 5000 : i32
          %sub3A_488 = vector.broadcast %sub3A_487 : i32 to vector<16xi32>
          %sub3A_489 = arith.subi %get3A_483, %sub3A_488 : vector<16xi32>
          %jit3A_490 = arith.constant 5007 : i32
          %broadcast_in_dim3A_491 = vector.broadcast %jit3A_490 : i32 to vector<16xi32>
          %select_n3A_492 = arith.select %ge3A_486, %sub3A_489, %broadcast_in_dim3A_491 : vector<16xi1>, vector<16xi32>
          %swap3A_493 = arith.constant 48 : index
          %swap3A_494 = tpu.vector_load %arg7[%swap3A_493] {strides = array<i32>} : memref<128xi32, #tpu.memory_space<vmem>>, vector<16xi32>,
          %swap3A_495 = vector.shape_cast %swap3A_494 : vector<16xi32> to vector<16xi32>
          %swap3A_496 = vector.shape_cast %select_n3A_492 : vector<16xi32> to vector<16xi32>
          tpu.vector_store %arg7[%swap3A_493], %swap3A_496 {strides = array<i32>} : memref<128xi32, #tpu.memory_space<vmem>>, vector<16xi32>,
          %get3A_497 = arith.constant 64 : index
          %get3A_498 = tpu.vector_load %arg7[%get3A_497] {strides = array<i32>} : memref<128xi32, #tpu.memory_space<vmem>>, vector<16xi32>,
          %get3A_499 = vector.shape_cast %get3A_498 : vector<16xi32> to vector<16xi32>
          %ge3A_500 = arith.constant 5000 : i32
          %ge3A_501 = vector.broadcast %ge3A_500 : i32 to vector<16xi32>
          %ge3A_502 = arith.cmpi sge, %get3A_499, %ge3A_501 : vector<16xi32>
          %sub3A_503 = arith.constant 5000 : i32
          %sub3A_504 = vector.broadcast %sub3A_503 : i32 to vector<16xi32>
          %sub3A_505 = arith.subi %get3A_499, %sub3A_504 : vector<16xi32>
          %jit3A_506 = arith.constant 5007 : i32
          %broadcast_in_dim3A_507 = vector.broadcast %jit3A_506 : i32 to vector<16xi32>
          %select_n3A_508 = arith.select %ge3A_502, %sub3A_505, %broadcast_in_dim3A_507 : vector<16xi1>, vector<16xi32>
          %swap3A_509 = arith.constant 64 : index
          %swap3A_510 = tpu.vector_load %arg7[%swap3A_509] {strides = array<i32>} : memref<128xi32, #tpu.memory_space<vmem>>, vector<16xi32>,
          %swap3A_511 = vector.shape_cast %swap3A_510 : vector<16xi32> to vector<16xi32>
          %swap3A_512 = vector.shape_cast %select_n3A_508 : vector<16xi32> to vector<16xi32>
          tpu.vector_store %arg7[%swap3A_509], %swap3A_512 {strides = array<i32>} : memref<128xi32, #tpu.memory_space<vmem>>, vector<16xi32>,
          %get3A_513 = arith.constant 80 : index
          %get3A_514 = tpu.vector_load %arg7[%get3A_513] {strides = array<i32>} : memref<128xi32, #tpu.memory_space<vmem>>, vector<16xi32>,
          %get3A_515 = vector.shape_cast %get3A_514 : vector<16xi32> to vector<16xi32>
          %ge3A_516 = arith.constant 5000 : i32
          %ge3A_517 = vector.broadcast %ge3A_516 : i32 to vector<16xi32>
          %ge3A_518 = arith.cmpi sge, %get3A_515, %ge3A_517 : vector<16xi32>
          %sub3A_519 = arith.constant 5000 : i32
          %sub3A_520 = vector.broadcast %sub3A_519 : i32 to vector<16xi32>
          %sub3A_521 = arith.subi %get3A_515, %sub3A_520 : vector<16xi32>
          %jit3A_522 = arith.constant 5007 : i32
          %broadcast_in_dim3A_523 = vector.broadcast %jit3A_522 : i32 to vector<16xi32>
          %select_n3A_524 = arith.select %ge3A_518, %sub3A_521, %broadcast_in_dim3A_523 : vector<16xi1>, vector<16xi32>
          %swap3A_525 = arith.constant 80 : index
          %swap3A_526 = tpu.vector_load %arg7[%swap3A_525] {strides = array<i32>} : memref<128xi32, #tpu.memory_space<vmem>>, vector<16xi32>,
          %swap3A_527 = vector.shape_cast %swap3A_526 : vector<16xi32> to vector<16xi32>
          %swap3A_528 = vector.shape_cast %select_n3A_524 : vector<16xi32> to vector<16xi32>
          tpu.vector_store %arg7[%swap3A_525], %swap3A_528 {strides = array<i32>} : memref<128xi32, #tpu.memory_space<vmem>>, vector<16xi32>,
          %get3A_529 = arith.constant 96 : index
          %get3A_530 = tpu.vector_load %arg7[%get3A_529] {strides = array<i32>} : memref<128xi32, #tpu.memory_space<vmem>>, vector<16xi32>,
          %get3A_531 = vector.shape_cast %get3A_530 : vector<16xi32> to vector<16xi32>
          %ge3A_532 = arith.constant 5000 : i32
          %ge3A_533 = vector.broadcast %ge3A_532 : i32 to vector<16xi32>
          %ge3A_534 = arith.cmpi sge, %get3A_531, %ge3A_533 : vector<16xi32>
          %sub3A_535 = arith.constant 5000 : i32
          %sub3A_536 = vector.broadcast %sub3A_535 : i32 to vector<16xi32>
          %sub3A_537 = arith.subi %get3A_531, %sub3A_536 : vector<16xi32>
          %jit3A_538 = arith.constant 5007 : i32
          %broadcast_in_dim3A_539 = vector.broadcast %jit3A_538 : i32 to vector<16xi32>
          %select_n3A_540 = arith.select %ge3A_534, %sub3A_537, %broadcast_in_dim3A_539 : vector<16xi1>, vector<16xi32>
          %swap3A_541 = arith.constant 96 : index
          %swap3A_542 = tpu.vector_load %arg7[%swap3A_541] {strides = array<i32>} : memref<128xi32, #tpu.memory_space<vmem>>, vector<16xi32>,
          %swap3A_543 = vector.shape_cast %swap3A_542 : vector<16xi32> to vector<16xi32>
          %swap3A_544 = vector.shape_cast %select_n3A_540 : vector<16xi32> to vector<16xi32>
          tpu.vector_store %arg7[%swap3A_541], %swap3A_544 {strides = array<i32>} : memref<128xi32, #tpu.memory_space<vmem>>, vector<16xi32>,
          %get3A_545 = arith.constant 112 : index
          %get3A_546 = tpu.vector_load %arg7[%get3A_545] {strides = array<i32>} : memref<128xi32, #tpu.memory_space<vmem>>, vector<16xi32>,
          %get3A_547 = vector.shape_cast %get3A_546 : vector<16xi32> to vector<16xi32>
          %ge3A_548 = arith.constant 5000 : i32
          %ge3A_549 = vector.broadcast %ge3A_548 : i32 to vector<16xi32>
          %ge3A_550 = arith.cmpi sge, %get3A_547, %ge3A_549 : vector<16xi32>
          %sub3A_551 = arith.constant 5000 : i32
          %sub3A_552 = vector.broadcast %sub3A_551 : i32 to vector<16xi32>
          %sub3A_553 = arith.subi %get3A_547, %sub3A_552 : vector<16xi32>
          %jit3A_554 = arith.constant 5007 : i32
          %broadcast_in_dim3A_555 = vector.broadcast %jit3A_554 : i32 to vector<16xi32>
          %select_n3A_556 = arith.select %ge3A_550, %sub3A_553, %broadcast_in_dim3A_555 : vector<16xi1>, vector<16xi32>
          %swap3A_557 = arith.constant 112 : index
          %swap3A_558 = tpu.vector_load %arg7[%swap3A_557] {strides = array<i32>} : memref<128xi32, #tpu.memory_space<vmem>>, vector<16xi32>,
          %swap3A_559 = vector.shape_cast %swap3A_558 : vector<16xi32> to vector<16xi32>
          %swap3A_560 = vector.shape_cast %select_n3A_556 : vector<16xi32> to vector<16xi32>
          tpu.vector_store %arg7[%swap3A_557], %swap3A_560 {strides = array<i32>} : memref<128xi32, #tpu.memory_space<vmem>>, vector<16xi32>,
        } else {
        }
        %dma_wait3A_412 = arith.constant 0 : i32
        %dma_wait3A_413 = arith.constant 0 : i32
        %dma_wait3A_414 = tpu.memref_slice %arg3[%dma_wait3A_412, %dma_wait3A_413] : memref<320000x128xf32, #tpu.memory_space<hbm>> -> memref<128x128xf32, #tpu.memory_space<hbm>>
        %dma_wait3A_415 = arith.constant 0 : i32
        %dma_wait3A_416 = arith.constant 0 : i32
        %dma_wait3A_417 = tpu.memref_slice %arg3[%dma_wait3A_415, %dma_wait3A_416] : memref<320000x128xf32, #tpu.memory_space<hbm>> -> memref<128x128xf32, #tpu.memory_space<hbm>>
        tpu.wait_dma2 semaphore(%arg16 : memref<!tpu.dma_semaphore, #tpu.memory_space<semaphore_mem>>) src(%dma_wait3A_417 : memref<128x128xf32, #tpu.memory_space<hbm>>) dst(%arg9 : memref<128x128xf32, #tpu.memory_space<vmem>>)
        %add3A_418 = arith.constant 1 : i32
        %add3A_419 = arith.addi %add3A_386, %add3A_418 : i32
        %lt3A_420 = arith.cmpi slt, %add3A_419, %max3A_55 : i32
        %ge3A_421 = arith.constant 1 : i32
        %ge3A_422 = arith.cmpi sge, %add3A_386, %ge3A_421 : i32
        %and3A_423 = arith.andi %lt3A_420, %ge3A_422 : i1
        %convert_element_type3A_424 = arith.extui %and3A_423 : i1 to i32
        %cond3A_425 = arith.constant 0 : i32
        %cond3A_426 = arith.cmpi ne, %convert_element_type3A_424, %cond3A_425 : i32
        scf.if %cond3A_426 {
          %dma_wait3A_435 = arith.constant 0 : i32
          %dma_wait3A_436 = arith.constant 0 : i32
          %dma_wait3A_437 = tpu.memref_slice %arg3[%dma_wait3A_435, %dma_wait3A_436] : memref<320000x128xf32, #tpu.memory_space<hbm>> -> memref<128x128xf32, #tpu.memory_space<hbm>>
          %dma_wait3A_438 = arith.constant 0 : i32
          %dma_wait3A_439 = arith.constant 0 : i32
          %dma_wait3A_440 = tpu.memref_slice %arg3[%dma_wait3A_438, %dma_wait3A_439] : memref<320000x128xf32, #tpu.memory_space<hbm>> -> memref<128x128xf32, #tpu.memory_space<hbm>>
          tpu.wait_dma2 semaphore(%arg19 : memref<!tpu.dma_semaphore, #tpu.memory_space<semaphore_mem>>) src(%dma_wait3A_440 : memref<128x128xf32, #tpu.memory_space<hbm>>) dst(%arg10 : memref<128x128xf32, #tpu.memory_space<vmem>>)
        } else {
        }
        %add3A_427 = arith.constant 1 : i32
        %add3A_428 = arith.addi %add3A_386, %add3A_427 : i32
        %lt3A_429 = arith.cmpi slt, %add3A_428, %max3A_55 : i32
        %convert_element_type3A_430 = arith.extui %lt3A_429 : i1 to i32
        %cond3A_431 = arith.constant 0 : i32
        %cond3A_432 = arith.cmpi ne, %convert_element_type3A_430, %cond3A_431 : i32
        scf.if %cond3A_432 {
          %add3A_435 = arith.constant 1 : i32
          %add3A_436 = arith.addi %add3A_386, %add3A_435 : i32
          %add3A_437 = arith.addi %select_n3A, %arg1 : i32
          %mul3A_438 = arith.constant 16 : i32
          %mul3A_439 = arith.muli %mul3A_438, %add3A_436 : i32
          %add3A_440 = arith.addi %add3A_437, %mul3A_439 : i32
          %mul3A_441 = arith.constant 128 : i32
          %mul3A_442 = arith.muli %add3A_440, %mul3A_441 : i32
          %dma_start3A_443 = tpu.memref_slice %arg2[%mul3A_442] : memref<320000xi32, #tpu.memory_space<hbm>> -> memref<128xi32, #tpu.memory_space<hbm>>
          %dma_start3A_444 = tpu.memref_slice %arg2[%mul3A_442] : memref<320000xi32, #tpu.memory_space<hbm>> -> memref<128xi32, #tpu.memory_space<hbm>>
          tpu.enqueue_dma source(%dma_start3A_444 : memref<128xi32, #tpu.memory_space<hbm>>) target(%arg8 : memref<128xi32, #tpu.memory_space<vmem>>) target_semaphore(%arg15 : memref<!tpu.dma_semaphore, #tpu.memory_space<semaphore_mem>>)
          %mul3A_445 = arith.constant 128 : i32
          %mul3A_446 = arith.muli %add3A_440, %mul3A_445 : i32
          %dma_start3A_447 = arith.constant 0 : i32
          %dma_start3A_448 = tpu.memref_slice %arg3[%mul3A_446, %dma_start3A_447] : memref<320000x128xf32, #tpu.memory_space<hbm>> -> memref<128x128xf32, #tpu.memory_space<hbm>>
          %dma_start3A_449 = arith.constant 0 : i32
          %dma_start3A_450 = tpu.memref_slice %arg3[%mul3A_446, %dma_start3A_449] : memref<320000x128xf32, #tpu.memory_space<hbm>> -> memref<128x128xf32, #tpu.memory_space<hbm>>
          tpu.enqueue_dma source(%dma_start3A_450 : memref<128x128xf32, #tpu.memory_space<hbm>>) target(%arg10 : memref<128x128xf32, #tpu.memory_space<vmem>>) target_semaphore(%arg17 : memref<!tpu.dma_semaphore, #tpu.memory_space<semaphore_mem>>)
        } else {
        }
        %dma_start3A = arith.constant 0 : i32
        %dma_start3A_433 = arith.constant 0 : i32
        %dma_start3A_434 = tpu.memref_slice %arg13[%dma_start3A, %dma_start3A_433] : memref<5008x128xf32, #tpu.memory_space<vmem_shared>> -> memref<5008x128xf32, #tpu.memory_space<vmem_shared>>
        tpu.enqueue_indirect_dma source(%arg9 : memref<128x128xf32, #tpu.memory_space<vmem>>) target(%dma_start3A_434 : memref<5008x128xf32, #tpu.memory_space<vmem_shared>>) offsets(%arg7 : memref<128xi32, #tpu.memory_space<vmem>>) semaphore(%arg18 : memref<!tpu.dma_semaphore, #tpu.memory_space<semaphore_mem>>) {add = true}
      } else {
      }
      %mul3A_391 = arith.constant 2 : i32
      %mul3A_392 = arith.muli %mul3A_391, %while3A_382 : i32
      %add3A_393 = arith.constant 1 : i32
      %add3A_394 = arith.addi %mul3A_392, %add3A_393 : i32
      %lt3A_395 = arith.cmpi slt, %add3A_394, %max3A_55 : i32
      %convert_element_type3A_396 = arith.extui %lt3A_395 : i1 to i32
      %cond3A_397 = arith.constant 0 : i32
      %cond3A_398 = arith.cmpi ne, %convert_element_type3A_396, %cond3A_397 : i32
      scf.if %cond3A_398 {
        %dma_wait3A = arith.constant 0 : i32
        %dma_wait3A_399 = tpu.memref_slice %arg2[%dma_wait3A] : memref<320000xi32, #tpu.memory_space<hbm>> -> memref<128xi32, #tpu.memory_space<hbm>>
        %dma_wait3A_400 = arith.constant 0 : i32
        %dma_wait3A_401 = tpu.memref_slice %arg2[%dma_wait3A_400] : memref<320000xi32, #tpu.memory_space<hbm>> -> memref<128xi32, #tpu.memory_space<hbm>>
        tpu.wait_dma2 semaphore(%arg15 : memref<!tpu.dma_semaphore, #tpu.memory_space<semaphore_mem>>) src(%dma_wait3A_401 : memref<128xi32, #tpu.memory_space<hbm>>) dst(%arg8 : memref<128xi32, #tpu.memory_space<vmem>>)
        %eq3A_402 = arith.constant 0 : i32
        %eq3A_403 = arith.cmpi eq, %arg0, %eq3A_402 : i32
        %convert_element_type3A_404 = arith.extui %eq3A_403 : i1 to i32
        %cond3A_405 = arith.constant 0 : i32
        %cond3A_406 = arith.cmpi ne, %convert_element_type3A_404, %cond3A_405 : i32
        scf.if %cond3A_406 {
          %get3A = arith.constant 0 : index
          %get3A_435 = tpu.vector_load %arg8[%get3A] {strides = array<i32>} : memref<128xi32, #tpu.memory_space<vmem>>, vector<16xi32>,
          %get3A_436 = vector.shape_cast %get3A_435 : vector<16xi32> to vector<16xi32>
          %min3A = arith.constant 5000 : i32
          %min3A_437 = vector.broadcast %min3A : i32 to vector<16xi32>
          %min3A_438 = arith.minsi %get3A_436, %min3A_437 : vector<16xi32>
          %swap3A = arith.constant 0 : index
          %swap3A_439 = tpu.vector_load %arg8[%swap3A] {strides = array<i32>} : memref<128xi32, #tpu.memory_space<vmem>>, vector<16xi32>,
          %swap3A_440 = vector.shape_cast %swap3A_439 : vector<16xi32> to vector<16xi32>
          %swap3A_441 = vector.shape_cast %min3A_438 : vector<16xi32> to vector<16xi32>
          tpu.vector_store %arg8[%swap3A], %swap3A_441 {strides = array<i32>} : memref<128xi32, #tpu.memory_space<vmem>>, vector<16xi32>,
          %get3A_442 = arith.constant 16 : index
          %get3A_443 = tpu.vector_load %arg8[%get3A_442] {strides = array<i32>} : memref<128xi32, #tpu.memory_space<vmem>>, vector<16xi32>,
          %get3A_444 = vector.shape_cast %get3A_443 : vector<16xi32> to vector<16xi32>
          %min3A_445 = arith.constant 5000 : i32
          %min3A_446 = vector.broadcast %min3A_445 : i32 to vector<16xi32>
          %min3A_447 = arith.minsi %get3A_444, %min3A_446 : vector<16xi32>
          %swap3A_448 = arith.constant 16 : index
          %swap3A_449 = tpu.vector_load %arg8[%swap3A_448] {strides = array<i32>} : memref<128xi32, #tpu.memory_space<vmem>>, vector<16xi32>,
          %swap3A_450 = vector.shape_cast %swap3A_449 : vector<16xi32> to vector<16xi32>
          %swap3A_451 = vector.shape_cast %min3A_447 : vector<16xi32> to vector<16xi32>
          tpu.vector_store %arg8[%swap3A_448], %swap3A_451 {strides = array<i32>} : memref<128xi32, #tpu.memory_space<vmem>>, vector<16xi32>,
          %get3A_452 = arith.constant 32 : index
          %get3A_453 = tpu.vector_load %arg8[%get3A_452] {strides = array<i32>} : memref<128xi32, #tpu.memory_space<vmem>>, vector<16xi32>,
          %get3A_454 = vector.shape_cast %get3A_453 : vector<16xi32> to vector<16xi32>
          %min3A_455 = arith.constant 5000 : i32
          %min3A_456 = vector.broadcast %min3A_455 : i32 to vector<16xi32>
          %min3A_457 = arith.minsi %get3A_454, %min3A_456 : vector<16xi32>
          %swap3A_458 = arith.constant 32 : index
          %swap3A_459 = tpu.vector_load %arg8[%swap3A_458] {strides = array<i32>} : memref<128xi32, #tpu.memory_space<vmem>>, vector<16xi32>,
          %swap3A_460 = vector.shape_cast %swap3A_459 : vector<16xi32> to vector<16xi32>
          %swap3A_461 = vector.shape_cast %min3A_457 : vector<16xi32> to vector<16xi32>
          tpu.vector_store %arg8[%swap3A_458], %swap3A_461 {strides = array<i32>} : memref<128xi32, #tpu.memory_space<vmem>>, vector<16xi32>,
          %get3A_462 = arith.constant 48 : index
          %get3A_463 = tpu.vector_load %arg8[%get3A_462] {strides = array<i32>} : memref<128xi32, #tpu.memory_space<vmem>>, vector<16xi32>,
          %get3A_464 = vector.shape_cast %get3A_463 : vector<16xi32> to vector<16xi32>
          %min3A_465 = arith.constant 5000 : i32
          %min3A_466 = vector.broadcast %min3A_465 : i32 to vector<16xi32>
          %min3A_467 = arith.minsi %get3A_464, %min3A_466 : vector<16xi32>
          %swap3A_468 = arith.constant 48 : index
          %swap3A_469 = tpu.vector_load %arg8[%swap3A_468] {strides = array<i32>} : memref<128xi32, #tpu.memory_space<vmem>>, vector<16xi32>,
          %swap3A_470 = vector.shape_cast %swap3A_469 : vector<16xi32> to vector<16xi32>
          %swap3A_471 = vector.shape_cast %min3A_467 : vector<16xi32> to vector<16xi32>
          tpu.vector_store %arg8[%swap3A_468], %swap3A_471 {strides = array<i32>} : memref<128xi32, #tpu.memory_space<vmem>>, vector<16xi32>,
          %get3A_472 = arith.constant 64 : index
          %get3A_473 = tpu.vector_load %arg8[%get3A_472] {strides = array<i32>} : memref<128xi32, #tpu.memory_space<vmem>>, vector<16xi32>,
          %get3A_474 = vector.shape_cast %get3A_473 : vector<16xi32> to vector<16xi32>
          %min3A_475 = arith.constant 5000 : i32
          %min3A_476 = vector.broadcast %min3A_475 : i32 to vector<16xi32>
          %min3A_477 = arith.minsi %get3A_474, %min3A_476 : vector<16xi32>
          %swap3A_478 = arith.constant 64 : index
          %swap3A_479 = tpu.vector_load %arg8[%swap3A_478] {strides = array<i32>} : memref<128xi32, #tpu.memory_space<vmem>>, vector<16xi32>,
          %swap3A_480 = vector.shape_cast %swap3A_479 : vector<16xi32> to vector<16xi32>
          %swap3A_481 = vector.shape_cast %min3A_477 : vector<16xi32> to vector<16xi32>
          tpu.vector_store %arg8[%swap3A_478], %swap3A_481 {strides = array<i32>} : memref<128xi32, #tpu.memory_space<vmem>>, vector<16xi32>,
          %get3A_482 = arith.constant 80 : index
          %get3A_483 = tpu.vector_load %arg8[%get3A_482] {strides = array<i32>} : memref<128xi32, #tpu.memory_space<vmem>>, vector<16xi32>,
          %get3A_484 = vector.shape_cast %get3A_483 : vector<16xi32> to vector<16xi32>
          %min3A_485 = arith.constant 5000 : i32
          %min3A_486 = vector.broadcast %min3A_485 : i32 to vector<16xi32>
          %min3A_487 = arith.minsi %get3A_484, %min3A_486 : vector<16xi32>
          %swap3A_488 = arith.constant 80 : index
          %swap3A_489 = tpu.vector_load %arg8[%swap3A_488] {strides = array<i32>} : memref<128xi32, #tpu.memory_space<vmem>>, vector<16xi32>,
          %swap3A_490 = vector.shape_cast %swap3A_489 : vector<16xi32> to vector<16xi32>
          %swap3A_491 = vector.shape_cast %min3A_487 : vector<16xi32> to vector<16xi32>
          tpu.vector_store %arg8[%swap3A_488], %swap3A_491 {strides = array<i32>} : memref<128xi32, #tpu.memory_space<vmem>>, vector<16xi32>,
          %get3A_492 = arith.constant 96 : index
          %get3A_493 = tpu.vector_load %arg8[%get3A_492] {strides = array<i32>} : memref<128xi32, #tpu.memory_space<vmem>>, vector<16xi32>,
          %get3A_494 = vector.shape_cast %get3A_493 : vector<16xi32> to vector<16xi32>
          %min3A_495 = arith.constant 5000 : i32
          %min3A_496 = vector.broadcast %min3A_495 : i32 to vector<16xi32>
          %min3A_497 = arith.minsi %get3A_494, %min3A_496 : vector<16xi32>
          %swap3A_498 = arith.constant 96 : index
          %swap3A_499 = tpu.vector_load %arg8[%swap3A_498] {strides = array<i32>} : memref<128xi32, #tpu.memory_space<vmem>>, vector<16xi32>,
          %swap3A_500 = vector.shape_cast %swap3A_499 : vector<16xi32> to vector<16xi32>
          %swap3A_501 = vector.shape_cast %min3A_497 : vector<16xi32> to vector<16xi32>
          tpu.vector_store %arg8[%swap3A_498], %swap3A_501 {strides = array<i32>} : memref<128xi32, #tpu.memory_space<vmem>>, vector<16xi32>,
          %get3A_502 = arith.constant 112 : index
          %get3A_503 = tpu.vector_load %arg8[%get3A_502] {strides = array<i32>} : memref<128xi32, #tpu.memory_space<vmem>>, vector<16xi32>,
          %get3A_504 = vector.shape_cast %get3A_503 : vector<16xi32> to vector<16xi32>
          %min3A_505 = arith.constant 5000 : i32
          %min3A_506 = vector.broadcast %min3A_505 : i32 to vector<16xi32>
          %min3A_507 = arith.minsi %get3A_504, %min3A_506 : vector<16xi32>
          %swap3A_508 = arith.constant 112 : index
          %swap3A_509 = tpu.vector_load %arg8[%swap3A_508] {strides = array<i32>} : memref<128xi32, #tpu.memory_space<vmem>>, vector<16xi32>,
          %swap3A_510 = vector.shape_cast %swap3A_509 : vector<16xi32> to vector<16xi32>
          %swap3A_511 = vector.shape_cast %min3A_507 : vector<16xi32> to vector<16xi32>
          tpu.vector_store %arg8[%swap3A_508], %swap3A_511 {strides = array<i32>} : memref<128xi32, #tpu.memory_space<vmem>>, vector<16xi32>,
        } else {
        }
        %ne3A_407 = arith.constant 0 : i32
        %ne3A_408 = arith.cmpi ne, %arg0, %ne3A_407 : i32
        %convert_element_type3A_409 = arith.extui %ne3A_408 : i1 to i32
        %cond3A_410 = arith.constant 0 : i32
        %cond3A_411 = arith.cmpi ne, %convert_element_type3A_409, %cond3A_410 : i32
        scf.if %cond3A_411 {
          %get3A = arith.constant 0 : index
          %get3A_435 = tpu.vector_load %arg8[%get3A] {strides = array<i32>} : memref<128xi32, #tpu.memory_space<vmem>>, vector<16xi32>,
          %get3A_436 = vector.shape_cast %get3A_435 : vector<16xi32> to vector<16xi32>
          %ge3A_437 = arith.constant 5000 : i32
          %ge3A_438 = vector.broadcast %ge3A_437 : i32 to vector<16xi32>
          %ge3A_439 = arith.cmpi sge, %get3A_436, %ge3A_438 : vector<16xi32>
          %sub3A_440 = arith.constant 5000 : i32
          %sub3A_441 = vector.broadcast %sub3A_440 : i32 to vector<16xi32>
          %sub3A_442 = arith.subi %get3A_436, %sub3A_441 : vector<16xi32>
          %jit3A_443 = arith.constant 5007 : i32
          %broadcast_in_dim3A_444 = vector.broadcast %jit3A_443 : i32 to vector<16xi32>
          %select_n3A_445 = arith.select %ge3A_439, %sub3A_442, %broadcast_in_dim3A_444 : vector<16xi1>, vector<16xi32>
          %swap3A = arith.constant 0 : index
          %swap3A_446 = tpu.vector_load %arg8[%swap3A] {strides = array<i32>} : memref<128xi32, #tpu.memory_space<vmem>>, vector<16xi32>,
          %swap3A_447 = vector.shape_cast %swap3A_446 : vector<16xi32> to vector<16xi32>
          %swap3A_448 = vector.shape_cast %select_n3A_445 : vector<16xi32> to vector<16xi32>
          tpu.vector_store %arg8[%swap3A], %swap3A_448 {strides = array<i32>} : memref<128xi32, #tpu.memory_space<vmem>>, vector<16xi32>,
          %get3A_449 = arith.constant 16 : index
          %get3A_450 = tpu.vector_load %arg8[%get3A_449] {strides = array<i32>} : memref<128xi32, #tpu.memory_space<vmem>>, vector<16xi32>,
          %get3A_451 = vector.shape_cast %get3A_450 : vector<16xi32> to vector<16xi32>
          %ge3A_452 = arith.constant 5000 : i32
          %ge3A_453 = vector.broadcast %ge3A_452 : i32 to vector<16xi32>
          %ge3A_454 = arith.cmpi sge, %get3A_451, %ge3A_453 : vector<16xi32>
          %sub3A_455 = arith.constant 5000 : i32
          %sub3A_456 = vector.broadcast %sub3A_455 : i32 to vector<16xi32>
          %sub3A_457 = arith.subi %get3A_451, %sub3A_456 : vector<16xi32>
          %jit3A_458 = arith.constant 5007 : i32
          %broadcast_in_dim3A_459 = vector.broadcast %jit3A_458 : i32 to vector<16xi32>
          %select_n3A_460 = arith.select %ge3A_454, %sub3A_457, %broadcast_in_dim3A_459 : vector<16xi1>, vector<16xi32>
          %swap3A_461 = arith.constant 16 : index
          %swap3A_462 = tpu.vector_load %arg8[%swap3A_461] {strides = array<i32>} : memref<128xi32, #tpu.memory_space<vmem>>, vector<16xi32>,
          %swap3A_463 = vector.shape_cast %swap3A_462 : vector<16xi32> to vector<16xi32>
          %swap3A_464 = vector.shape_cast %select_n3A_460 : vector<16xi32> to vector<16xi32>
          tpu.vector_store %arg8[%swap3A_461], %swap3A_464 {strides = array<i32>} : memref<128xi32, #tpu.memory_space<vmem>>, vector<16xi32>,
          %get3A_465 = arith.constant 32 : index
          %get3A_466 = tpu.vector_load %arg8[%get3A_465] {strides = array<i32>} : memref<128xi32, #tpu.memory_space<vmem>>, vector<16xi32>,
          %get3A_467 = vector.shape_cast %get3A_466 : vector<16xi32> to vector<16xi32>
          %ge3A_468 = arith.constant 5000 : i32
          %ge3A_469 = vector.broadcast %ge3A_468 : i32 to vector<16xi32>
          %ge3A_470 = arith.cmpi sge, %get3A_467, %ge3A_469 : vector<16xi32>
          %sub3A_471 = arith.constant 5000 : i32
          %sub3A_472 = vector.broadcast %sub3A_471 : i32 to vector<16xi32>
          %sub3A_473 = arith.subi %get3A_467, %sub3A_472 : vector<16xi32>
          %jit3A_474 = arith.constant 5007 : i32
          %broadcast_in_dim3A_475 = vector.broadcast %jit3A_474 : i32 to vector<16xi32>
          %select_n3A_476 = arith.select %ge3A_470, %sub3A_473, %broadcast_in_dim3A_475 : vector<16xi1>, vector<16xi32>
          %swap3A_477 = arith.constant 32 : index
          %swap3A_478 = tpu.vector_load %arg8[%swap3A_477] {strides = array<i32>} : memref<128xi32, #tpu.memory_space<vmem>>, vector<16xi32>,
          %swap3A_479 = vector.shape_cast %swap3A_478 : vector<16xi32> to vector<16xi32>
          %swap3A_480 = vector.shape_cast %select_n3A_476 : vector<16xi32> to vector<16xi32>
          tpu.vector_store %arg8[%swap3A_477], %swap3A_480 {strides = array<i32>} : memref<128xi32, #tpu.memory_space<vmem>>, vector<16xi32>,
          %get3A_481 = arith.constant 48 : index
          %get3A_482 = tpu.vector_load %arg8[%get3A_481] {strides = array<i32>} : memref<128xi32, #tpu.memory_space<vmem>>, vector<16xi32>,
          %get3A_483 = vector.shape_cast %get3A_482 : vector<16xi32> to vector<16xi32>
          %ge3A_484 = arith.constant 5000 : i32
          %ge3A_485 = vector.broadcast %ge3A_484 : i32 to vector<16xi32>
          %ge3A_486 = arith.cmpi sge, %get3A_483, %ge3A_485 : vector<16xi32>
          %sub3A_487 = arith.constant 5000 : i32
          %sub3A_488 = vector.broadcast %sub3A_487 : i32 to vector<16xi32>
          %sub3A_489 = arith.subi %get3A_483, %sub3A_488 : vector<16xi32>
          %jit3A_490 = arith.constant 5007 : i32
          %broadcast_in_dim3A_491 = vector.broadcast %jit3A_490 : i32 to vector<16xi32>
          %select_n3A_492 = arith.select %ge3A_486, %sub3A_489, %broadcast_in_dim3A_491 : vector<16xi1>, vector<16xi32>
          %swap3A_493 = arith.constant 48 : index
          %swap3A_494 = tpu.vector_load %arg8[%swap3A_493] {strides = array<i32>} : memref<128xi32, #tpu.memory_space<vmem>>, vector<16xi32>,
          %swap3A_495 = vector.shape_cast %swap3A_494 : vector<16xi32> to vector<16xi32>
          %swap3A_496 = vector.shape_cast %select_n3A_492 : vector<16xi32> to vector<16xi32>
          tpu.vector_store %arg8[%swap3A_493], %swap3A_496 {strides = array<i32>} : memref<128xi32, #tpu.memory_space<vmem>>, vector<16xi32>,
          %get3A_497 = arith.constant 64 : index
          %get3A_498 = tpu.vector_load %arg8[%get3A_497] {strides = array<i32>} : memref<128xi32, #tpu.memory_space<vmem>>, vector<16xi32>,
          %get3A_499 = vector.shape_cast %get3A_498 : vector<16xi32> to vector<16xi32>
          %ge3A_500 = arith.constant 5000 : i32
          %ge3A_501 = vector.broadcast %ge3A_500 : i32 to vector<16xi32>
          %ge3A_502 = arith.cmpi sge, %get3A_499, %ge3A_501 : vector<16xi32>
          %sub3A_503 = arith.constant 5000 : i32
          %sub3A_504 = vector.broadcast %sub3A_503 : i32 to vector<16xi32>
          %sub3A_505 = arith.subi %get3A_499, %sub3A_504 : vector<16xi32>
          %jit3A_506 = arith.constant 5007 : i32
          %broadcast_in_dim3A_507 = vector.broadcast %jit3A_506 : i32 to vector<16xi32>
          %select_n3A_508 = arith.select %ge3A_502, %sub3A_505, %broadcast_in_dim3A_507 : vector<16xi1>, vector<16xi32>
          %swap3A_509 = arith.constant 64 : index
          %swap3A_510 = tpu.vector_load %arg8[%swap3A_509] {strides = array<i32>} : memref<128xi32, #tpu.memory_space<vmem>>, vector<16xi32>,
          %swap3A_511 = vector.shape_cast %swap3A_510 : vector<16xi32> to vector<16xi32>
          %swap3A_512 = vector.shape_cast %select_n3A_508 : vector<16xi32> to vector<16xi32>
          tpu.vector_store %arg8[%swap3A_509], %swap3A_512 {strides = array<i32>} : memref<128xi32, #tpu.memory_space<vmem>>, vector<16xi32>,
          %get3A_513 = arith.constant 80 : index
          %get3A_514 = tpu.vector_load %arg8[%get3A_513] {strides = array<i32>} : memref<128xi32, #tpu.memory_space<vmem>>, vector<16xi32>,
          %get3A_515 = vector.shape_cast %get3A_514 : vector<16xi32> to vector<16xi32>
          %ge3A_516 = arith.constant 5000 : i32
          %ge3A_517 = vector.broadcast %ge3A_516 : i32 to vector<16xi32>
          %ge3A_518 = arith.cmpi sge, %get3A_515, %ge3A_517 : vector<16xi32>
          %sub3A_519 = arith.constant 5000 : i32
          %sub3A_520 = vector.broadcast %sub3A_519 : i32 to vector<16xi32>
          %sub3A_521 = arith.subi %get3A_515, %sub3A_520 : vector<16xi32>
          %jit3A_522 = arith.constant 5007 : i32
          %broadcast_in_dim3A_523 = vector.broadcast %jit3A_522 : i32 to vector<16xi32>
          %select_n3A_524 = arith.select %ge3A_518, %sub3A_521, %broadcast_in_dim3A_523 : vector<16xi1>, vector<16xi32>
          %swap3A_525 = arith.constant 80 : index
          %swap3A_526 = tpu.vector_load %arg8[%swap3A_525] {strides = array<i32>} : memref<128xi32, #tpu.memory_space<vmem>>, vector<16xi32>,
          %swap3A_527 = vector.shape_cast %swap3A_526 : vector<16xi32> to vector<16xi32>
          %swap3A_528 = vector.shape_cast %select_n3A_524 : vector<16xi32> to vector<16xi32>
          tpu.vector_store %arg8[%swap3A_525], %swap3A_528 {strides = array<i32>} : memref<128xi32, #tpu.memory_space<vmem>>, vector<16xi32>,
          %get3A_529 = arith.constant 96 : index
          %get3A_530 = tpu.vector_load %arg8[%get3A_529] {strides = array<i32>} : memref<128xi32, #tpu.memory_space<vmem>>, vector<16xi32>,
          %get3A_531 = vector.shape_cast %get3A_530 : vector<16xi32> to vector<16xi32>
          %ge3A_532 = arith.constant 5000 : i32
          %ge3A_533 = vector.broadcast %ge3A_532 : i32 to vector<16xi32>
          %ge3A_534 = arith.cmpi sge, %get3A_531, %ge3A_533 : vector<16xi32>
          %sub3A_535 = arith.constant 5000 : i32
          %sub3A_536 = vector.broadcast %sub3A_535 : i32 to vector<16xi32>
          %sub3A_537 = arith.subi %get3A_531, %sub3A_536 : vector<16xi32>
          %jit3A_538 = arith.constant 5007 : i32
          %broadcast_in_dim3A_539 = vector.broadcast %jit3A_538 : i32 to vector<16xi32>
          %select_n3A_540 = arith.select %ge3A_534, %sub3A_537, %broadcast_in_dim3A_539 : vector<16xi1>, vector<16xi32>
          %swap3A_541 = arith.constant 96 : index
          %swap3A_542 = tpu.vector_load %arg8[%swap3A_541] {strides = array<i32>} : memref<128xi32, #tpu.memory_space<vmem>>, vector<16xi32>,
          %swap3A_543 = vector.shape_cast %swap3A_542 : vector<16xi32> to vector<16xi32>
          %swap3A_544 = vector.shape_cast %select_n3A_540 : vector<16xi32> to vector<16xi32>
          tpu.vector_store %arg8[%swap3A_541], %swap3A_544 {strides = array<i32>} : memref<128xi32, #tpu.memory_space<vmem>>, vector<16xi32>,
          %get3A_545 = arith.constant 112 : index
          %get3A_546 = tpu.vector_load %arg8[%get3A_545] {strides = array<i32>} : memref<128xi32, #tpu.memory_space<vmem>>, vector<16xi32>,
          %get3A_547 = vector.shape_cast %get3A_546 : vector<16xi32> to vector<16xi32>
          %ge3A_548 = arith.constant 5000 : i32
          %ge3A_549 = vector.broadcast %ge3A_548 : i32 to vector<16xi32>
          %ge3A_550 = arith.cmpi sge, %get3A_547, %ge3A_549 : vector<16xi32>
          %sub3A_551 = arith.constant 5000 : i32
          %sub3A_552 = vector.broadcast %sub3A_551 : i32 to vector<16xi32>
          %sub3A_553 = arith.subi %get3A_547, %sub3A_552 : vector<16xi32>
          %jit3A_554 = arith.constant 5007 : i32
          %broadcast_in_dim3A_555 = vector.broadcast %jit3A_554 : i32 to vector<16xi32>
          %select_n3A_556 = arith.select %ge3A_550, %sub3A_553, %broadcast_in_dim3A_555 : vector<16xi1>, vector<16xi32>
          %swap3A_557 = arith.constant 112 : index
          %swap3A_558 = tpu.vector_load %arg8[%swap3A_557] {strides = array<i32>} : memref<128xi32, #tpu.memory_space<vmem>>, vector<16xi32>,
          %swap3A_559 = vector.shape_cast %swap3A_558 : vector<16xi32> to vector<16xi32>
          %swap3A_560 = vector.shape_cast %select_n3A_556 : vector<16xi32> to vector<16xi32>
          tpu.vector_store %arg8[%swap3A_557], %swap3A_560 {strides = array<i32>} : memref<128xi32, #tpu.memory_space<vmem>>, vector<16xi32>,
        } else {
        }
        %dma_wait3A_412 = arith.constant 0 : i32
        %dma_wait3A_413 = arith.constant 0 : i32
        %dma_wait3A_414 = tpu.memref_slice %arg3[%dma_wait3A_412, %dma_wait3A_413] : memref<320000x128xf32, #tpu.memory_space<hbm>> -> memref<128x128xf32, #tpu.memory_space<hbm>>
        %dma_wait3A_415 = arith.constant 0 : i32
        %dma_wait3A_416 = arith.constant 0 : i32
        %dma_wait3A_417 = tpu.memref_slice %arg3[%dma_wait3A_415, %dma_wait3A_416] : memref<320000x128xf32, #tpu.memory_space<hbm>> -> memref<128x128xf32, #tpu.memory_space<hbm>>
        tpu.wait_dma2 semaphore(%arg17 : memref<!tpu.dma_semaphore, #tpu.memory_space<semaphore_mem>>) src(%dma_wait3A_417 : memref<128x128xf32, #tpu.memory_space<hbm>>) dst(%arg10 : memref<128x128xf32, #tpu.memory_space<vmem>>)
        %add3A_418 = arith.constant 1 : i32
        %add3A_419 = arith.addi %add3A_394, %add3A_418 : i32
        %lt3A_420 = arith.cmpi slt, %add3A_419, %max3A_55 : i32
        %ge3A_421 = arith.constant 1 : i32
        %ge3A_422 = arith.cmpi sge, %add3A_394, %ge3A_421 : i32
        %and3A_423 = arith.andi %lt3A_420, %ge3A_422 : i1
        %convert_element_type3A_424 = arith.extui %and3A_423 : i1 to i32
        %cond3A_425 = arith.constant 0 : i32
        %cond3A_426 = arith.cmpi ne, %convert_element_type3A_424, %cond3A_425 : i32
        scf.if %cond3A_426 {
          %dma_wait3A_435 = arith.constant 0 : i32
          %dma_wait3A_436 = arith.constant 0 : i32
          %dma_wait3A_437 = tpu.memref_slice %arg3[%dma_wait3A_435, %dma_wait3A_436] : memref<320000x128xf32, #tpu.memory_space<hbm>> -> memref<128x128xf32, #tpu.memory_space<hbm>>
          %dma_wait3A_438 = arith.constant 0 : i32
          %dma_wait3A_439 = arith.constant 0 : i32
          %dma_wait3A_440 = tpu.memref_slice %arg3[%dma_wait3A_438, %dma_wait3A_439] : memref<320000x128xf32, #tpu.memory_space<hbm>> -> memref<128x128xf32, #tpu.memory_space<hbm>>
          tpu.wait_dma2 semaphore(%arg18 : memref<!tpu.dma_semaphore, #tpu.memory_space<semaphore_mem>>) src(%dma_wait3A_440 : memref<128x128xf32, #tpu.memory_space<hbm>>) dst(%arg9 : memref<128x128xf32, #tpu.memory_space<vmem>>)
        } else {
        }
        %add3A_427 = arith.constant 1 : i32
        %add3A_428 = arith.addi %add3A_394, %add3A_427 : i32
        %lt3A_429 = arith.cmpi slt, %add3A_428, %max3A_55 : i32
        %convert_element_type3A_430 = arith.extui %lt3A_429 : i1 to i32
        %cond3A_431 = arith.constant 0 : i32
        %cond3A_432 = arith.cmpi ne, %convert_element_type3A_430, %cond3A_431 : i32
        scf.if %cond3A_432 {
          %add3A_435 = arith.constant 1 : i32
          %add3A_436 = arith.addi %add3A_394, %add3A_435 : i32
          %add3A_437 = arith.addi %select_n3A, %arg1 : i32
          %mul3A_438 = arith.constant 16 : i32
          %mul3A_439 = arith.muli %mul3A_438, %add3A_436 : i32
          %add3A_440 = arith.addi %add3A_437, %mul3A_439 : i32
          %mul3A_441 = arith.constant 128 : i32
          %mul3A_442 = arith.muli %add3A_440, %mul3A_441 : i32
          %dma_start3A_443 = tpu.memref_slice %arg2[%mul3A_442] : memref<320000xi32, #tpu.memory_space<hbm>> -> memref<128xi32, #tpu.memory_space<hbm>>
          %dma_start3A_444 = tpu.memref_slice %arg2[%mul3A_442] : memref<320000xi32, #tpu.memory_space<hbm>> -> memref<128xi32, #tpu.memory_space<hbm>>
          tpu.enqueue_dma source(%dma_start3A_444 : memref<128xi32, #tpu.memory_space<hbm>>) target(%arg7 : memref<128xi32, #tpu.memory_space<vmem>>) target_semaphore(%arg14 : memref<!tpu.dma_semaphore, #tpu.memory_space<semaphore_mem>>)
          %mul3A_445 = arith.constant 128 : i32
          %mul3A_446 = arith.muli %add3A_440, %mul3A_445 : i32
          %dma_start3A_447 = arith.constant 0 : i32
          %dma_start3A_448 = tpu.memref_slice %arg3[%mul3A_446, %dma_start3A_447] : memref<320000x128xf32, #tpu.memory_space<hbm>> -> memref<128x128xf32, #tpu.memory_space<hbm>>
          %dma_start3A_449 = arith.constant 0 : i32
          %dma_start3A_450 = tpu.memref_slice %arg3[%mul3A_446, %dma_start3A_449] : memref<320000x128xf32, #tpu.memory_space<hbm>> -> memref<128x128xf32, #tpu.memory_space<hbm>>
          tpu.enqueue_dma source(%dma_start3A_450 : memref<128x128xf32, #tpu.memory_space<hbm>>) target(%arg9 : memref<128x128xf32, #tpu.memory_space<vmem>>) target_semaphore(%arg16 : memref<!tpu.dma_semaphore, #tpu.memory_space<semaphore_mem>>)
        } else {
        }
        %dma_start3A = arith.constant 0 : i32
        %dma_start3A_433 = arith.constant 0 : i32
        %dma_start3A_434 = tpu.memref_slice %arg13[%dma_start3A, %dma_start3A_433] : memref<5008x128xf32, #tpu.memory_space<vmem_shared>> -> memref<5008x128xf32, #tpu.memory_space<vmem_shared>>
        tpu.enqueue_indirect_dma source(%arg10 : memref<128x128xf32, #tpu.memory_space<vmem>>) target(%dma_start3A_434 : memref<5008x128xf32, #tpu.memory_space<vmem_shared>>) offsets(%arg8 : memref<128xi32, #tpu.memory_space<vmem>>) semaphore(%arg19 : memref<!tpu.dma_semaphore, #tpu.memory_space<semaphore_mem>>) {add = true}
      } else {
      }
    }
    %while3A_94 = arith.constant 1 : i32
    scf.for %while3A_382 = %while3A_92 to %while3A_88 step %while3A_94  : i32 {
      %mul3A_383 = arith.constant 2 : i32
      %mul3A_384 = arith.muli %mul3A_383, %while3A_382 : i32
      %add3A_385 = arith.constant 0 : i32
      %add3A_386 = arith.addi %mul3A_384, %add3A_385 : i32
      %lt3A_387 = arith.cmpi slt, %add3A_386, %max3A_55 : i32
      %convert_element_type3A_388 = arith.extui %lt3A_387 : i1 to i32
      %cond3A_389 = arith.constant 0 : i32
      %cond3A_390 = arith.cmpi ne, %convert_element_type3A_388, %cond3A_389 : i32
      scf.if %cond3A_390 {
        %dma_wait3A = arith.constant 0 : i32
        %dma_wait3A_399 = tpu.memref_slice %arg2[%dma_wait3A] : memref<320000xi32, #tpu.memory_space<hbm>> -> memref<128xi32, #tpu.memory_space<hbm>>
        %dma_wait3A_400 = arith.constant 0 : i32
        %dma_wait3A_401 = tpu.memref_slice %arg2[%dma_wait3A_400] : memref<320000xi32, #tpu.memory_space<hbm>> -> memref<128xi32, #tpu.memory_space<hbm>>
        tpu.wait_dma2 semaphore(%arg14 : memref<!tpu.dma_semaphore, #tpu.memory_space<semaphore_mem>>) src(%dma_wait3A_401 : memref<128xi32, #tpu.memory_space<hbm>>) dst(%arg7 : memref<128xi32, #tpu.memory_space<vmem>>)
        %eq3A_402 = arith.constant 0 : i32
        %eq3A_403 = arith.cmpi eq, %arg0, %eq3A_402 : i32
        %convert_element_type3A_404 = arith.extui %eq3A_403 : i1 to i32
        %cond3A_405 = arith.constant 0 : i32
        %cond3A_406 = arith.cmpi ne, %convert_element_type3A_404, %cond3A_405 : i32
        scf.if %cond3A_406 {
          %get3A = arith.constant 0 : index
          %get3A_435 = tpu.vector_load %arg7[%get3A] {strides = array<i32>} : memref<128xi32, #tpu.memory_space<vmem>>, vector<16xi32>,
          %get3A_436 = vector.shape_cast %get3A_435 : vector<16xi32> to vector<16xi32>
          %min3A = arith.constant 5000 : i32
          %min3A_437 = vector.broadcast %min3A : i32 to vector<16xi32>
          %min3A_438 = arith.minsi %get3A_436, %min3A_437 : vector<16xi32>
          %swap3A = arith.constant 0 : index
          %swap3A_439 = tpu.vector_load %arg7[%swap3A] {strides = array<i32>} : memref<128xi32, #tpu.memory_space<vmem>>, vector<16xi32>,
          %swap3A_440 = vector.shape_cast %swap3A_439 : vector<16xi32> to vector<16xi32>
          %swap3A_441 = vector.shape_cast %min3A_438 : vector<16xi32> to vector<16xi32>
          tpu.vector_store %arg7[%swap3A], %swap3A_441 {strides = array<i32>} : memref<128xi32, #tpu.memory_space<vmem>>, vector<16xi32>,
          %get3A_442 = arith.constant 16 : index
          %get3A_443 = tpu.vector_load %arg7[%get3A_442] {strides = array<i32>} : memref<128xi32, #tpu.memory_space<vmem>>, vector<16xi32>,
          %get3A_444 = vector.shape_cast %get3A_443 : vector<16xi32> to vector<16xi32>
          %min3A_445 = arith.constant 5000 : i32
          %min3A_446 = vector.broadcast %min3A_445 : i32 to vector<16xi32>
          %min3A_447 = arith.minsi %get3A_444, %min3A_446 : vector<16xi32>
          %swap3A_448 = arith.constant 16 : index
          %swap3A_449 = tpu.vector_load %arg7[%swap3A_448] {strides = array<i32>} : memref<128xi32, #tpu.memory_space<vmem>>, vector<16xi32>,
          %swap3A_450 = vector.shape_cast %swap3A_449 : vector<16xi32> to vector<16xi32>
          %swap3A_451 = vector.shape_cast %min3A_447 : vector<16xi32> to vector<16xi32>
          tpu.vector_store %arg7[%swap3A_448], %swap3A_451 {strides = array<i32>} : memref<128xi32, #tpu.memory_space<vmem>>, vector<16xi32>,
          %get3A_452 = arith.constant 32 : index
          %get3A_453 = tpu.vector_load %arg7[%get3A_452] {strides = array<i32>} : memref<128xi32, #tpu.memory_space<vmem>>, vector<16xi32>,
          %get3A_454 = vector.shape_cast %get3A_453 : vector<16xi32> to vector<16xi32>
          %min3A_455 = arith.constant 5000 : i32
          %min3A_456 = vector.broadcast %min3A_455 : i32 to vector<16xi32>
          %min3A_457 = arith.minsi %get3A_454, %min3A_456 : vector<16xi32>
          %swap3A_458 = arith.constant 32 : index
          %swap3A_459 = tpu.vector_load %arg7[%swap3A_458] {strides = array<i32>} : memref<128xi32, #tpu.memory_space<vmem>>, vector<16xi32>,
          %swap3A_460 = vector.shape_cast %swap3A_459 : vector<16xi32> to vector<16xi32>
          %swap3A_461 = vector.shape_cast %min3A_457 : vector<16xi32> to vector<16xi32>
          tpu.vector_store %arg7[%swap3A_458], %swap3A_461 {strides = array<i32>} : memref<128xi32, #tpu.memory_space<vmem>>, vector<16xi32>,
          %get3A_462 = arith.constant 48 : index
          %get3A_463 = tpu.vector_load %arg7[%get3A_462] {strides = array<i32>} : memref<128xi32, #tpu.memory_space<vmem>>, vector<16xi32>,
          %get3A_464 = vector.shape_cast %get3A_463 : vector<16xi32> to vector<16xi32>
          %min3A_465 = arith.constant 5000 : i32
          %min3A_466 = vector.broadcast %min3A_465 : i32 to vector<16xi32>
          %min3A_467 = arith.minsi %get3A_464, %min3A_466 : vector<16xi32>
          %swap3A_468 = arith.constant 48 : index
          %swap3A_469 = tpu.vector_load %arg7[%swap3A_468] {strides = array<i32>} : memref<128xi32, #tpu.memory_space<vmem>>, vector<16xi32>,
          %swap3A_470 = vector.shape_cast %swap3A_469 : vector<16xi32> to vector<16xi32>
          %swap3A_471 = vector.shape_cast %min3A_467 : vector<16xi32> to vector<16xi32>
          tpu.vector_store %arg7[%swap3A_468], %swap3A_471 {strides = array<i32>} : memref<128xi32, #tpu.memory_space<vmem>>, vector<16xi32>,
          %get3A_472 = arith.constant 64 : index
          %get3A_473 = tpu.vector_load %arg7[%get3A_472] {strides = array<i32>} : memref<128xi32, #tpu.memory_space<vmem>>, vector<16xi32>,
          %get3A_474 = vector.shape_cast %get3A_473 : vector<16xi32> to vector<16xi32>
          %min3A_475 = arith.constant 5000 : i32
          %min3A_476 = vector.broadcast %min3A_475 : i32 to vector<16xi32>
          %min3A_477 = arith.minsi %get3A_474, %min3A_476 : vector<16xi32>
          %swap3A_478 = arith.constant 64 : index
          %swap3A_479 = tpu.vector_load %arg7[%swap3A_478] {strides = array<i32>} : memref<128xi32, #tpu.memory_space<vmem>>, vector<16xi32>,
          %swap3A_480 = vector.shape_cast %swap3A_479 : vector<16xi32> to vector<16xi32>
          %swap3A_481 = vector.shape_cast %min3A_477 : vector<16xi32> to vector<16xi32>
          tpu.vector_store %arg7[%swap3A_478], %swap3A_481 {strides = array<i32>} : memref<128xi32, #tpu.memory_space<vmem>>, vector<16xi32>,
          %get3A_482 = arith.constant 80 : index
          %get3A_483 = tpu.vector_load %arg7[%get3A_482] {strides = array<i32>} : memref<128xi32, #tpu.memory_space<vmem>>, vector<16xi32>,
          %get3A_484 = vector.shape_cast %get3A_483 : vector<16xi32> to vector<16xi32>
          %min3A_485 = arith.constant 5000 : i32
          %min3A_486 = vector.broadcast %min3A_485 : i32 to vector<16xi32>
          %min3A_487 = arith.minsi %get3A_484, %min3A_486 : vector<16xi32>
          %swap3A_488 = arith.constant 80 : index
          %swap3A_489 = tpu.vector_load %arg7[%swap3A_488] {strides = array<i32>} : memref<128xi32, #tpu.memory_space<vmem>>, vector<16xi32>,
          %swap3A_490 = vector.shape_cast %swap3A_489 : vector<16xi32> to vector<16xi32>
          %swap3A_491 = vector.shape_cast %min3A_487 : vector<16xi32> to vector<16xi32>
          tpu.vector_store %arg7[%swap3A_488], %swap3A_491 {strides = array<i32>} : memref<128xi32, #tpu.memory_space<vmem>>, vector<16xi32>,
          %get3A_492 = arith.constant 96 : index
          %get3A_493 = tpu.vector_load %arg7[%get3A_492] {strides = array<i32>} : memref<128xi32, #tpu.memory_space<vmem>>, vector<16xi32>,
          %get3A_494 = vector.shape_cast %get3A_493 : vector<16xi32> to vector<16xi32>
          %min3A_495 = arith.constant 5000 : i32
          %min3A_496 = vector.broadcast %min3A_495 : i32 to vector<16xi32>
          %min3A_497 = arith.minsi %get3A_494, %min3A_496 : vector<16xi32>
          %swap3A_498 = arith.constant 96 : index
          %swap3A_499 = tpu.vector_load %arg7[%swap3A_498] {strides = array<i32>} : memref<128xi32, #tpu.memory_space<vmem>>, vector<16xi32>,
          %swap3A_500 = vector.shape_cast %swap3A_499 : vector<16xi32> to vector<16xi32>
          %swap3A_501 = vector.shape_cast %min3A_497 : vector<16xi32> to vector<16xi32>
          tpu.vector_store %arg7[%swap3A_498], %swap3A_501 {strides = array<i32>} : memref<128xi32, #tpu.memory_space<vmem>>, vector<16xi32>,
          %get3A_502 = arith.constant 112 : index
          %get3A_503 = tpu.vector_load %arg7[%get3A_502] {strides = array<i32>} : memref<128xi32, #tpu.memory_space<vmem>>, vector<16xi32>,
          %get3A_504 = vector.shape_cast %get3A_503 : vector<16xi32> to vector<16xi32>
          %min3A_505 = arith.constant 5000 : i32
          %min3A_506 = vector.broadcast %min3A_505 : i32 to vector<16xi32>
          %min3A_507 = arith.minsi %get3A_504, %min3A_506 : vector<16xi32>
          %swap3A_508 = arith.constant 112 : index
          %swap3A_509 = tpu.vector_load %arg7[%swap3A_508] {strides = array<i32>} : memref<128xi32, #tpu.memory_space<vmem>>, vector<16xi32>,
          %swap3A_510 = vector.shape_cast %swap3A_509 : vector<16xi32> to vector<16xi32>
          %swap3A_511 = vector.shape_cast %min3A_507 : vector<16xi32> to vector<16xi32>
          tpu.vector_store %arg7[%swap3A_508], %swap3A_511 {strides = array<i32>} : memref<128xi32, #tpu.memory_space<vmem>>, vector<16xi32>,
        } else {
        }
        %ne3A_407 = arith.constant 0 : i32
        %ne3A_408 = arith.cmpi ne, %arg0, %ne3A_407 : i32
        %convert_element_type3A_409 = arith.extui %ne3A_408 : i1 to i32
        %cond3A_410 = arith.constant 0 : i32
        %cond3A_411 = arith.cmpi ne, %convert_element_type3A_409, %cond3A_410 : i32
        scf.if %cond3A_411 {
          %get3A = arith.constant 0 : index
          %get3A_435 = tpu.vector_load %arg7[%get3A] {strides = array<i32>} : memref<128xi32, #tpu.memory_space<vmem>>, vector<16xi32>,
          %get3A_436 = vector.shape_cast %get3A_435 : vector<16xi32> to vector<16xi32>
          %ge3A_437 = arith.constant 5000 : i32
          %ge3A_438 = vector.broadcast %ge3A_437 : i32 to vector<16xi32>
          %ge3A_439 = arith.cmpi sge, %get3A_436, %ge3A_438 : vector<16xi32>
          %sub3A_440 = arith.constant 5000 : i32
          %sub3A_441 = vector.broadcast %sub3A_440 : i32 to vector<16xi32>
          %sub3A_442 = arith.subi %get3A_436, %sub3A_441 : vector<16xi32>
          %jit3A_443 = arith.constant 5007 : i32
          %broadcast_in_dim3A_444 = vector.broadcast %jit3A_443 : i32 to vector<16xi32>
          %select_n3A_445 = arith.select %ge3A_439, %sub3A_442, %broadcast_in_dim3A_444 : vector<16xi1>, vector<16xi32>
          %swap3A = arith.constant 0 : index
          %swap3A_446 = tpu.vector_load %arg7[%swap3A] {strides = array<i32>} : memref<128xi32, #tpu.memory_space<vmem>>, vector<16xi32>,
          %swap3A_447 = vector.shape_cast %swap3A_446 : vector<16xi32> to vector<16xi32>
          %swap3A_448 = vector.shape_cast %select_n3A_445 : vector<16xi32> to vector<16xi32>
          tpu.vector_store %arg7[%swap3A], %swap3A_448 {strides = array<i32>} : memref<128xi32, #tpu.memory_space<vmem>>, vector<16xi32>,
          %get3A_449 = arith.constant 16 : index
          %get3A_450 = tpu.vector_load %arg7[%get3A_449] {strides = array<i32>} : memref<128xi32, #tpu.memory_space<vmem>>, vector<16xi32>,
          %get3A_451 = vector.shape_cast %get3A_450 : vector<16xi32> to vector<16xi32>
          %ge3A_452 = arith.constant 5000 : i32
          %ge3A_453 = vector.broadcast %ge3A_452 : i32 to vector<16xi32>
          %ge3A_454 = arith.cmpi sge, %get3A_451, %ge3A_453 : vector<16xi32>
          %sub3A_455 = arith.constant 5000 : i32
          %sub3A_456 = vector.broadcast %sub3A_455 : i32 to vector<16xi32>
          %sub3A_457 = arith.subi %get3A_451, %sub3A_456 : vector<16xi32>
          %jit3A_458 = arith.constant 5007 : i32
          %broadcast_in_dim3A_459 = vector.broadcast %jit3A_458 : i32 to vector<16xi32>
          %select_n3A_460 = arith.select %ge3A_454, %sub3A_457, %broadcast_in_dim3A_459 : vector<16xi1>, vector<16xi32>
          %swap3A_461 = arith.constant 16 : index
          %swap3A_462 = tpu.vector_load %arg7[%swap3A_461] {strides = array<i32>} : memref<128xi32, #tpu.memory_space<vmem>>, vector<16xi32>,
          %swap3A_463 = vector.shape_cast %swap3A_462 : vector<16xi32> to vector<16xi32>
          %swap3A_464 = vector.shape_cast %select_n3A_460 : vector<16xi32> to vector<16xi32>
          tpu.vector_store %arg7[%swap3A_461], %swap3A_464 {strides = array<i32>} : memref<128xi32, #tpu.memory_space<vmem>>, vector<16xi32>,
          %get3A_465 = arith.constant 32 : index
          %get3A_466 = tpu.vector_load %arg7[%get3A_465] {strides = array<i32>} : memref<128xi32, #tpu.memory_space<vmem>>, vector<16xi32>,
          %get3A_467 = vector.shape_cast %get3A_466 : vector<16xi32> to vector<16xi32>
          %ge3A_468 = arith.constant 5000 : i32
          %ge3A_469 = vector.broadcast %ge3A_468 : i32 to vector<16xi32>
          %ge3A_470 = arith.cmpi sge, %get3A_467, %ge3A_469 : vector<16xi32>
          %sub3A_471 = arith.constant 5000 : i32
          %sub3A_472 = vector.broadcast %sub3A_471 : i32 to vector<16xi32>
          %sub3A_473 = arith.subi %get3A_467, %sub3A_472 : vector<16xi32>
          %jit3A_474 = arith.constant 5007 : i32
          %broadcast_in_dim3A_475 = vector.broadcast %jit3A_474 : i32 to vector<16xi32>
          %select_n3A_476 = arith.select %ge3A_470, %sub3A_473, %broadcast_in_dim3A_475 : vector<16xi1>, vector<16xi32>
          %swap3A_477 = arith.constant 32 : index
          %swap3A_478 = tpu.vector_load %arg7[%swap3A_477] {strides = array<i32>} : memref<128xi32, #tpu.memory_space<vmem>>, vector<16xi32>,
          %swap3A_479 = vector.shape_cast %swap3A_478 : vector<16xi32> to vector<16xi32>
          %swap3A_480 = vector.shape_cast %select_n3A_476 : vector<16xi32> to vector<16xi32>
          tpu.vector_store %arg7[%swap3A_477], %swap3A_480 {strides = array<i32>} : memref<128xi32, #tpu.memory_space<vmem>>, vector<16xi32>,
          %get3A_481 = arith.constant 48 : index
          %get3A_482 = tpu.vector_load %arg7[%get3A_481] {strides = array<i32>} : memref<128xi32, #tpu.memory_space<vmem>>, vector<16xi32>,
          %get3A_483 = vector.shape_cast %get3A_482 : vector<16xi32> to vector<16xi32>
          %ge3A_484 = arith.constant 5000 : i32
          %ge3A_485 = vector.broadcast %ge3A_484 : i32 to vector<16xi32>
          %ge3A_486 = arith.cmpi sge, %get3A_483, %ge3A_485 : vector<16xi32>
          %sub3A_487 = arith.constant 5000 : i32
          %sub3A_488 = vector.broadcast %sub3A_487 : i32 to vector<16xi32>
          %sub3A_489 = arith.subi %get3A_483, %sub3A_488 : vector<16xi32>
          %jit3A_490 = arith.constant 5007 : i32
          %broadcast_in_dim3A_491 = vector.broadcast %jit3A_490 : i32 to vector<16xi32>
          %select_n3A_492 = arith.select %ge3A_486, %sub3A_489, %broadcast_in_dim3A_491 : vector<16xi1>, vector<16xi32>
          %swap3A_493 = arith.constant 48 : index
          %swap3A_494 = tpu.vector_load %arg7[%swap3A_493] {strides = array<i32>} : memref<128xi32, #tpu.memory_space<vmem>>, vector<16xi32>,
          %swap3A_495 = vector.shape_cast %swap3A_494 : vector<16xi32> to vector<16xi32>
          %swap3A_496 = vector.shape_cast %select_n3A_492 : vector<16xi32> to vector<16xi32>
          tpu.vector_store %arg7[%swap3A_493], %swap3A_496 {strides = array<i32>} : memref<128xi32, #tpu.memory_space<vmem>>, vector<16xi32>,
          %get3A_497 = arith.constant 64 : index
          %get3A_498 = tpu.vector_load %arg7[%get3A_497] {strides = array<i32>} : memref<128xi32, #tpu.memory_space<vmem>>, vector<16xi32>,
          %get3A_499 = vector.shape_cast %get3A_498 : vector<16xi32> to vector<16xi32>
          %ge3A_500 = arith.constant 5000 : i32
          %ge3A_501 = vector.broadcast %ge3A_500 : i32 to vector<16xi32>
          %ge3A_502 = arith.cmpi sge, %get3A_499, %ge3A_501 : vector<16xi32>
          %sub3A_503 = arith.constant 5000 : i32
          %sub3A_504 = vector.broadcast %sub3A_503 : i32 to vector<16xi32>
          %sub3A_505 = arith.subi %get3A_499, %sub3A_504 : vector<16xi32>
          %jit3A_506 = arith.constant 5007 : i32
          %broadcast_in_dim3A_507 = vector.broadcast %jit3A_506 : i32 to vector<16xi32>
          %select_n3A_508 = arith.select %ge3A_502, %sub3A_505, %broadcast_in_dim3A_507 : vector<16xi1>, vector<16xi32>
          %swap3A_509 = arith.constant 64 : index
          %swap3A_510 = tpu.vector_load %arg7[%swap3A_509] {strides = array<i32>} : memref<128xi32, #tpu.memory_space<vmem>>, vector<16xi32>,
          %swap3A_511 = vector.shape_cast %swap3A_510 : vector<16xi32> to vector<16xi32>
          %swap3A_512 = vector.shape_cast %select_n3A_508 : vector<16xi32> to vector<16xi32>
          tpu.vector_store %arg7[%swap3A_509], %swap3A_512 {strides = array<i32>} : memref<128xi32, #tpu.memory_space<vmem>>, vector<16xi32>,
          %get3A_513 = arith.constant 80 : index
          %get3A_514 = tpu.vector_load %arg7[%get3A_513] {strides = array<i32>} : memref<128xi32, #tpu.memory_space<vmem>>, vector<16xi32>,
          %get3A_515 = vector.shape_cast %get3A_514 : vector<16xi32> to vector<16xi32>
          %ge3A_516 = arith.constant 5000 : i32
          %ge3A_517 = vector.broadcast %ge3A_516 : i32 to vector<16xi32>
          %ge3A_518 = arith.cmpi sge, %get3A_515, %ge3A_517 : vector<16xi32>
          %sub3A_519 = arith.constant 5000 : i32
          %sub3A_520 = vector.broadcast %sub3A_519 : i32 to vector<16xi32>
          %sub3A_521 = arith.subi %get3A_515, %sub3A_520 : vector<16xi32>
          %jit3A_522 = arith.constant 5007 : i32
          %broadcast_in_dim3A_523 = vector.broadcast %jit3A_522 : i32 to vector<16xi32>
          %select_n3A_524 = arith.select %ge3A_518, %sub3A_521, %broadcast_in_dim3A_523 : vector<16xi1>, vector<16xi32>
          %swap3A_525 = arith.constant 80 : index
          %swap3A_526 = tpu.vector_load %arg7[%swap3A_525] {strides = array<i32>} : memref<128xi32, #tpu.memory_space<vmem>>, vector<16xi32>,
          %swap3A_527 = vector.shape_cast %swap3A_526 : vector<16xi32> to vector<16xi32>
          %swap3A_528 = vector.shape_cast %select_n3A_524 : vector<16xi32> to vector<16xi32>
          tpu.vector_store %arg7[%swap3A_525], %swap3A_528 {strides = array<i32>} : memref<128xi32, #tpu.memory_space<vmem>>, vector<16xi32>,
          %get3A_529 = arith.constant 96 : index
          %get3A_530 = tpu.vector_load %arg7[%get3A_529] {strides = array<i32>} : memref<128xi32, #tpu.memory_space<vmem>>, vector<16xi32>,
          %get3A_531 = vector.shape_cast %get3A_530 : vector<16xi32> to vector<16xi32>
          %ge3A_532 = arith.constant 5000 : i32
          %ge3A_533 = vector.broadcast %ge3A_532 : i32 to vector<16xi32>
          %ge3A_534 = arith.cmpi sge, %get3A_531, %ge3A_533 : vector<16xi32>
          %sub3A_535 = arith.constant 5000 : i32
          %sub3A_536 = vector.broadcast %sub3A_535 : i32 to vector<16xi32>
          %sub3A_537 = arith.subi %get3A_531, %sub3A_536 : vector<16xi32>
          %jit3A_538 = arith.constant 5007 : i32
          %broadcast_in_dim3A_539 = vector.broadcast %jit3A_538 : i32 to vector<16xi32>
          %select_n3A_540 = arith.select %ge3A_534, %sub3A_537, %broadcast_in_dim3A_539 : vector<16xi1>, vector<16xi32>
          %swap3A_541 = arith.constant 96 : index
          %swap3A_542 = tpu.vector_load %arg7[%swap3A_541] {strides = array<i32>} : memref<128xi32, #tpu.memory_space<vmem>>, vector<16xi32>,
          %swap3A_543 = vector.shape_cast %swap3A_542 : vector<16xi32> to vector<16xi32>
          %swap3A_544 = vector.shape_cast %select_n3A_540 : vector<16xi32> to vector<16xi32>
          tpu.vector_store %arg7[%swap3A_541], %swap3A_544 {strides = array<i32>} : memref<128xi32, #tpu.memory_space<vmem>>, vector<16xi32>,
          %get3A_545 = arith.constant 112 : index
          %get3A_546 = tpu.vector_load %arg7[%get3A_545] {strides = array<i32>} : memref<128xi32, #tpu.memory_space<vmem>>, vector<16xi32>,
          %get3A_547 = vector.shape_cast %get3A_546 : vector<16xi32> to vector<16xi32>
          %ge3A_548 = arith.constant 5000 : i32
          %ge3A_549 = vector.broadcast %ge3A_548 : i32 to vector<16xi32>
          %ge3A_550 = arith.cmpi sge, %get3A_547, %ge3A_549 : vector<16xi32>
          %sub3A_551 = arith.constant 5000 : i32
          %sub3A_552 = vector.broadcast %sub3A_551 : i32 to vector<16xi32>
          %sub3A_553 = arith.subi %get3A_547, %sub3A_552 : vector<16xi32>
          %jit3A_554 = arith.constant 5007 : i32
          %broadcast_in_dim3A_555 = vector.broadcast %jit3A_554 : i32 to vector<16xi32>
          %select_n3A_556 = arith.select %ge3A_550, %sub3A_553, %broadcast_in_dim3A_555 : vector<16xi1>, vector<16xi32>
          %swap3A_557 = arith.constant 112 : index
          %swap3A_558 = tpu.vector_load %arg7[%swap3A_557] {strides = array<i32>} : memref<128xi32, #tpu.memory_space<vmem>>, vector<16xi32>,
          %swap3A_559 = vector.shape_cast %swap3A_558 : vector<16xi32> to vector<16xi32>
          %swap3A_560 = vector.shape_cast %select_n3A_556 : vector<16xi32> to vector<16xi32>
          tpu.vector_store %arg7[%swap3A_557], %swap3A_560 {strides = array<i32>} : memref<128xi32, #tpu.memory_space<vmem>>, vector<16xi32>,
        } else {
        }
        %dma_wait3A_412 = arith.constant 0 : i32
        %dma_wait3A_413 = arith.constant 0 : i32
        %dma_wait3A_414 = tpu.memref_slice %arg3[%dma_wait3A_412, %dma_wait3A_413] : memref<320000x128xf32, #tpu.memory_space<hbm>> -> memref<128x128xf32, #tpu.memory_space<hbm>>
        %dma_wait3A_415 = arith.constant 0 : i32
        %dma_wait3A_416 = arith.constant 0 : i32
        %dma_wait3A_417 = tpu.memref_slice %arg3[%dma_wait3A_415, %dma_wait3A_416] : memref<320000x128xf32, #tpu.memory_space<hbm>> -> memref<128x128xf32, #tpu.memory_space<hbm>>
        tpu.wait_dma2 semaphore(%arg16 : memref<!tpu.dma_semaphore, #tpu.memory_space<semaphore_mem>>) src(%dma_wait3A_417 : memref<128x128xf32, #tpu.memory_space<hbm>>) dst(%arg9 : memref<128x128xf32, #tpu.memory_space<vmem>>)
        %add3A_418 = arith.constant 1 : i32
        %add3A_419 = arith.addi %add3A_386, %add3A_418 : i32
        %lt3A_420 = arith.cmpi slt, %add3A_419, %max3A_55 : i32
        %ge3A_421 = arith.constant 1 : i32
        %ge3A_422 = arith.cmpi sge, %add3A_386, %ge3A_421 : i32
        %and3A_423 = arith.andi %lt3A_420, %ge3A_422 : i1
        %convert_element_type3A_424 = arith.extui %and3A_423 : i1 to i32
        %cond3A_425 = arith.constant 0 : i32
        %cond3A_426 = arith.cmpi ne, %convert_element_type3A_424, %cond3A_425 : i32
        scf.if %cond3A_426 {
          %dma_wait3A_435 = arith.constant 0 : i32
          %dma_wait3A_436 = arith.constant 0 : i32
          %dma_wait3A_437 = tpu.memref_slice %arg3[%dma_wait3A_435, %dma_wait3A_436] : memref<320000x128xf32, #tpu.memory_space<hbm>> -> memref<128x128xf32, #tpu.memory_space<hbm>>
          %dma_wait3A_438 = arith.constant 0 : i32
          %dma_wait3A_439 = arith.constant 0 : i32
          %dma_wait3A_440 = tpu.memref_slice %arg3[%dma_wait3A_438, %dma_wait3A_439] : memref<320000x128xf32, #tpu.memory_space<hbm>> -> memref<128x128xf32, #tpu.memory_space<hbm>>
          tpu.wait_dma2 semaphore(%arg19 : memref<!tpu.dma_semaphore, #tpu.memory_space<semaphore_mem>>) src(%dma_wait3A_440 : memref<128x128xf32, #tpu.memory_space<hbm>>) dst(%arg10 : memref<128x128xf32, #tpu.memory_space<vmem>>)
        } else {
        }
        %add3A_427 = arith.constant 1 : i32
        %add3A_428 = arith.addi %add3A_386, %add3A_427 : i32
        %lt3A_429 = arith.cmpi slt, %add3A_428, %max3A_55 : i32
        %convert_element_type3A_430 = arith.extui %lt3A_429 : i1 to i32
        %cond3A_431 = arith.constant 0 : i32
        %cond3A_432 = arith.cmpi ne, %convert_element_type3A_430, %cond3A_431 : i32
        scf.if %cond3A_432 {
          %add3A_435 = arith.constant 1 : i32
          %add3A_436 = arith.addi %add3A_386, %add3A_435 : i32
          %add3A_437 = arith.addi %select_n3A, %arg1 : i32
          %mul3A_438 = arith.constant 16 : i32
          %mul3A_439 = arith.muli %mul3A_438, %add3A_436 : i32
          %add3A_440 = arith.addi %add3A_437, %mul3A_439 : i32
          %mul3A_441 = arith.constant 128 : i32
          %mul3A_442 = arith.muli %add3A_440, %mul3A_441 : i32
          %dma_start3A_443 = tpu.memref_slice %arg2[%mul3A_442] : memref<320000xi32, #tpu.memory_space<hbm>> -> memref<128xi32, #tpu.memory_space<hbm>>
          %dma_start3A_444 = tpu.memref_slice %arg2[%mul3A_442] : memref<320000xi32, #tpu.memory_space<hbm>> -> memref<128xi32, #tpu.memory_space<hbm>>
          tpu.enqueue_dma source(%dma_start3A_444 : memref<128xi32, #tpu.memory_space<hbm>>) target(%arg8 : memref<128xi32, #tpu.memory_space<vmem>>) target_semaphore(%arg15 : memref<!tpu.dma_semaphore, #tpu.memory_space<semaphore_mem>>)
          %mul3A_445 = arith.constant 128 : i32
          %mul3A_446 = arith.muli %add3A_440, %mul3A_445 : i32
          %dma_start3A_447 = arith.constant 0 : i32
          %dma_start3A_448 = tpu.memref_slice %arg3[%mul3A_446, %dma_start3A_447] : memref<320000x128xf32, #tpu.memory_space<hbm>> -> memref<128x128xf32, #tpu.memory_space<hbm>>
          %dma_start3A_449 = arith.constant 0 : i32
          %dma_start3A_450 = tpu.memref_slice %arg3[%mul3A_446, %dma_start3A_449] : memref<320000x128xf32, #tpu.memory_space<hbm>> -> memref<128x128xf32, #tpu.memory_space<hbm>>
          tpu.enqueue_dma source(%dma_start3A_450 : memref<128x128xf32, #tpu.memory_space<hbm>>) target(%arg10 : memref<128x128xf32, #tpu.memory_space<vmem>>) target_semaphore(%arg17 : memref<!tpu.dma_semaphore, #tpu.memory_space<semaphore_mem>>)
        } else {
        }
        %dma_start3A = arith.constant 0 : i32
        %dma_start3A_433 = arith.constant 0 : i32
        %dma_start3A_434 = tpu.memref_slice %arg13[%dma_start3A, %dma_start3A_433] : memref<5008x128xf32, #tpu.memory_space<vmem_shared>> -> memref<5008x128xf32, #tpu.memory_space<vmem_shared>>
        tpu.enqueue_indirect_dma source(%arg9 : memref<128x128xf32, #tpu.memory_space<vmem>>) target(%dma_start3A_434 : memref<5008x128xf32, #tpu.memory_space<vmem_shared>>) offsets(%arg7 : memref<128xi32, #tpu.memory_space<vmem>>) semaphore(%arg18 : memref<!tpu.dma_semaphore, #tpu.memory_space<semaphore_mem>>) {add = true}
      } else {
      }
      %mul3A_391 = arith.constant 2 : i32
      %mul3A_392 = arith.muli %mul3A_391, %while3A_382 : i32
      %add3A_393 = arith.constant 1 : i32
      %add3A_394 = arith.addi %mul3A_392, %add3A_393 : i32
      %lt3A_395 = arith.cmpi slt, %add3A_394, %max3A_55 : i32
      %convert_element_type3A_396 = arith.extui %lt3A_395 : i1 to i32
      %cond3A_397 = arith.constant 0 : i32
      %cond3A_398 = arith.cmpi ne, %convert_element_type3A_396, %cond3A_397 : i32
      scf.if %cond3A_398 {
        %dma_wait3A = arith.constant 0 : i32
        %dma_wait3A_399 = tpu.memref_slice %arg2[%dma_wait3A] : memref<320000xi32, #tpu.memory_space<hbm>> -> memref<128xi32, #tpu.memory_space<hbm>>
        %dma_wait3A_400 = arith.constant 0 : i32
        %dma_wait3A_401 = tpu.memref_slice %arg2[%dma_wait3A_400] : memref<320000xi32, #tpu.memory_space<hbm>> -> memref<128xi32, #tpu.memory_space<hbm>>
        tpu.wait_dma2 semaphore(%arg15 : memref<!tpu.dma_semaphore, #tpu.memory_space<semaphore_mem>>) src(%dma_wait3A_401 : memref<128xi32, #tpu.memory_space<hbm>>) dst(%arg8 : memref<128xi32, #tpu.memory_space<vmem>>)
        %eq3A_402 = arith.constant 0 : i32
        %eq3A_403 = arith.cmpi eq, %arg0, %eq3A_402 : i32
        %convert_element_type3A_404 = arith.extui %eq3A_403 : i1 to i32
        %cond3A_405 = arith.constant 0 : i32
        %cond3A_406 = arith.cmpi ne, %convert_element_type3A_404, %cond3A_405 : i32
        scf.if %cond3A_406 {
          %get3A = arith.constant 0 : index
          %get3A_435 = tpu.vector_load %arg8[%get3A] {strides = array<i32>} : memref<128xi32, #tpu.memory_space<vmem>>, vector<16xi32>,
          %get3A_436 = vector.shape_cast %get3A_435 : vector<16xi32> to vector<16xi32>
          %min3A = arith.constant 5000 : i32
          %min3A_437 = vector.broadcast %min3A : i32 to vector<16xi32>
          %min3A_438 = arith.minsi %get3A_436, %min3A_437 : vector<16xi32>
          %swap3A = arith.constant 0 : index
          %swap3A_439 = tpu.vector_load %arg8[%swap3A] {strides = array<i32>} : memref<128xi32, #tpu.memory_space<vmem>>, vector<16xi32>,
          %swap3A_440 = vector.shape_cast %swap3A_439 : vector<16xi32> to vector<16xi32>
          %swap3A_441 = vector.shape_cast %min3A_438 : vector<16xi32> to vector<16xi32>
          tpu.vector_store %arg8[%swap3A], %swap3A_441 {strides = array<i32>} : memref<128xi32, #tpu.memory_space<vmem>>, vector<16xi32>,
          %get3A_442 = arith.constant 16 : index
          %get3A_443 = tpu.vector_load %arg8[%get3A_442] {strides = array<i32>} : memref<128xi32, #tpu.memory_space<vmem>>, vector<16xi32>,
          %get3A_444 = vector.shape_cast %get3A_443 : vector<16xi32> to vector<16xi32>
          %min3A_445 = arith.constant 5000 : i32
          %min3A_446 = vector.broadcast %min3A_445 : i32 to vector<16xi32>
          %min3A_447 = arith.minsi %get3A_444, %min3A_446 : vector<16xi32>
          %swap3A_448 = arith.constant 16 : index
          %swap3A_449 = tpu.vector_load %arg8[%swap3A_448] {strides = array<i32>} : memref<128xi32, #tpu.memory_space<vmem>>, vector<16xi32>,
          %swap3A_450 = vector.shape_cast %swap3A_449 : vector<16xi32> to vector<16xi32>
          %swap3A_451 = vector.shape_cast %min3A_447 : vector<16xi32> to vector<16xi32>
          tpu.vector_store %arg8[%swap3A_448], %swap3A_451 {strides = array<i32>} : memref<128xi32, #tpu.memory_space<vmem>>, vector<16xi32>,
          %get3A_452 = arith.constant 32 : index
          %get3A_453 = tpu.vector_load %arg8[%get3A_452] {strides = array<i32>} : memref<128xi32, #tpu.memory_space<vmem>>, vector<16xi32>,
          %get3A_454 = vector.shape_cast %get3A_453 : vector<16xi32> to vector<16xi32>
          %min3A_455 = arith.constant 5000 : i32
          %min3A_456 = vector.broadcast %min3A_455 : i32 to vector<16xi32>
          %min3A_457 = arith.minsi %get3A_454, %min3A_456 : vector<16xi32>
          %swap3A_458 = arith.constant 32 : index
          %swap3A_459 = tpu.vector_load %arg8[%swap3A_458] {strides = array<i32>} : memref<128xi32, #tpu.memory_space<vmem>>, vector<16xi32>,
          %swap3A_460 = vector.shape_cast %swap3A_459 : vector<16xi32> to vector<16xi32>
          %swap3A_461 = vector.shape_cast %min3A_457 : vector<16xi32> to vector<16xi32>
          tpu.vector_store %arg8[%swap3A_458], %swap3A_461 {strides = array<i32>} : memref<128xi32, #tpu.memory_space<vmem>>, vector<16xi32>,
          %get3A_462 = arith.constant 48 : index
          %get3A_463 = tpu.vector_load %arg8[%get3A_462] {strides = array<i32>} : memref<128xi32, #tpu.memory_space<vmem>>, vector<16xi32>,
          %get3A_464 = vector.shape_cast %get3A_463 : vector<16xi32> to vector<16xi32>
          %min3A_465 = arith.constant 5000 : i32
          %min3A_466 = vector.broadcast %min3A_465 : i32 to vector<16xi32>
          %min3A_467 = arith.minsi %get3A_464, %min3A_466 : vector<16xi32>
          %swap3A_468 = arith.constant 48 : index
          %swap3A_469 = tpu.vector_load %arg8[%swap3A_468] {strides = array<i32>} : memref<128xi32, #tpu.memory_space<vmem>>, vector<16xi32>,
          %swap3A_470 = vector.shape_cast %swap3A_469 : vector<16xi32> to vector<16xi32>
          %swap3A_471 = vector.shape_cast %min3A_467 : vector<16xi32> to vector<16xi32>
          tpu.vector_store %arg8[%swap3A_468], %swap3A_471 {strides = array<i32>} : memref<128xi32, #tpu.memory_space<vmem>>, vector<16xi32>,
          %get3A_472 = arith.constant 64 : index
          %get3A_473 = tpu.vector_load %arg8[%get3A_472] {strides = array<i32>} : memref<128xi32, #tpu.memory_space<vmem>>, vector<16xi32>,
          %get3A_474 = vector.shape_cast %get3A_473 : vector<16xi32> to vector<16xi32>
          %min3A_475 = arith.constant 5000 : i32
          %min3A_476 = vector.broadcast %min3A_475 : i32 to vector<16xi32>
          %min3A_477 = arith.minsi %get3A_474, %min3A_476 : vector<16xi32>
          %swap3A_478 = arith.constant 64 : index
          %swap3A_479 = tpu.vector_load %arg8[%swap3A_478] {strides = array<i32>} : memref<128xi32, #tpu.memory_space<vmem>>, vector<16xi32>,
          %swap3A_480 = vector.shape_cast %swap3A_479 : vector<16xi32> to vector<16xi32>
          %swap3A_481 = vector.shape_cast %min3A_477 : vector<16xi32> to vector<16xi32>
          tpu.vector_store %arg8[%swap3A_478], %swap3A_481 {strides = array<i32>} : memref<128xi32, #tpu.memory_space<vmem>>, vector<16xi32>,
          %get3A_482 = arith.constant 80 : index
          %get3A_483 = tpu.vector_load %arg8[%get3A_482] {strides = array<i32>} : memref<128xi32, #tpu.memory_space<vmem>>, vector<16xi32>,
          %get3A_484 = vector.shape_cast %get3A_483 : vector<16xi32> to vector<16xi32>
          %min3A_485 = arith.constant 5000 : i32
          %min3A_486 = vector.broadcast %min3A_485 : i32 to vector<16xi32>
          %min3A_487 = arith.minsi %get3A_484, %min3A_486 : vector<16xi32>
          %swap3A_488 = arith.constant 80 : index
          %swap3A_489 = tpu.vector_load %arg8[%swap3A_488] {strides = array<i32>} : memref<128xi32, #tpu.memory_space<vmem>>, vector<16xi32>,
          %swap3A_490 = vector.shape_cast %swap3A_489 : vector<16xi32> to vector<16xi32>
          %swap3A_491 = vector.shape_cast %min3A_487 : vector<16xi32> to vector<16xi32>
          tpu.vector_store %arg8[%swap3A_488], %swap3A_491 {strides = array<i32>} : memref<128xi32, #tpu.memory_space<vmem>>, vector<16xi32>,
          %get3A_492 = arith.constant 96 : index
          %get3A_493 = tpu.vector_load %arg8[%get3A_492] {strides = array<i32>} : memref<128xi32, #tpu.memory_space<vmem>>, vector<16xi32>,
          %get3A_494 = vector.shape_cast %get3A_493 : vector<16xi32> to vector<16xi32>
          %min3A_495 = arith.constant 5000 : i32
          %min3A_496 = vector.broadcast %min3A_495 : i32 to vector<16xi32>
          %min3A_497 = arith.minsi %get3A_494, %min3A_496 : vector<16xi32>
          %swap3A_498 = arith.constant 96 : index
          %swap3A_499 = tpu.vector_load %arg8[%swap3A_498] {strides = array<i32>} : memref<128xi32, #tpu.memory_space<vmem>>, vector<16xi32>,
          %swap3A_500 = vector.shape_cast %swap3A_499 : vector<16xi32> to vector<16xi32>
          %swap3A_501 = vector.shape_cast %min3A_497 : vector<16xi32> to vector<16xi32>
          tpu.vector_store %arg8[%swap3A_498], %swap3A_501 {strides = array<i32>} : memref<128xi32, #tpu.memory_space<vmem>>, vector<16xi32>,
          %get3A_502 = arith.constant 112 : index
          %get3A_503 = tpu.vector_load %arg8[%get3A_502] {strides = array<i32>} : memref<128xi32, #tpu.memory_space<vmem>>, vector<16xi32>,
          %get3A_504 = vector.shape_cast %get3A_503 : vector<16xi32> to vector<16xi32>
          %min3A_505 = arith.constant 5000 : i32
          %min3A_506 = vector.broadcast %min3A_505 : i32 to vector<16xi32>
          %min3A_507 = arith.minsi %get3A_504, %min3A_506 : vector<16xi32>
          %swap3A_508 = arith.constant 112 : index
          %swap3A_509 = tpu.vector_load %arg8[%swap3A_508] {strides = array<i32>} : memref<128xi32, #tpu.memory_space<vmem>>, vector<16xi32>,
          %swap3A_510 = vector.shape_cast %swap3A_509 : vector<16xi32> to vector<16xi32>
          %swap3A_511 = vector.shape_cast %min3A_507 : vector<16xi32> to vector<16xi32>
          tpu.vector_store %arg8[%swap3A_508], %swap3A_511 {strides = array<i32>} : memref<128xi32, #tpu.memory_space<vmem>>, vector<16xi32>,
        } else {
        }
        %ne3A_407 = arith.constant 0 : i32
        %ne3A_408 = arith.cmpi ne, %arg0, %ne3A_407 : i32
        %convert_element_type3A_409 = arith.extui %ne3A_408 : i1 to i32
        %cond3A_410 = arith.constant 0 : i32
        %cond3A_411 = arith.cmpi ne, %convert_element_type3A_409, %cond3A_410 : i32
        scf.if %cond3A_411 {
          %get3A = arith.constant 0 : index
          %get3A_435 = tpu.vector_load %arg8[%get3A] {strides = array<i32>} : memref<128xi32, #tpu.memory_space<vmem>>, vector<16xi32>,
          %get3A_436 = vector.shape_cast %get3A_435 : vector<16xi32> to vector<16xi32>
          %ge3A_437 = arith.constant 5000 : i32
          %ge3A_438 = vector.broadcast %ge3A_437 : i32 to vector<16xi32>
          %ge3A_439 = arith.cmpi sge, %get3A_436, %ge3A_438 : vector<16xi32>
          %sub3A_440 = arith.constant 5000 : i32
          %sub3A_441 = vector.broadcast %sub3A_440 : i32 to vector<16xi32>
          %sub3A_442 = arith.subi %get3A_436, %sub3A_441 : vector<16xi32>
          %jit3A_443 = arith.constant 5007 : i32
          %broadcast_in_dim3A_444 = vector.broadcast %jit3A_443 : i32 to vector<16xi32>
          %select_n3A_445 = arith.select %ge3A_439, %sub3A_442, %broadcast_in_dim3A_444 : vector<16xi1>, vector<16xi32>
          %swap3A = arith.constant 0 : index
          %swap3A_446 = tpu.vector_load %arg8[%swap3A] {strides = array<i32>} : memref<128xi32, #tpu.memory_space<vmem>>, vector<16xi32>,
          %swap3A_447 = vector.shape_cast %swap3A_446 : vector<16xi32> to vector<16xi32>
          %swap3A_448 = vector.shape_cast %select_n3A_445 : vector<16xi32> to vector<16xi32>
          tpu.vector_store %arg8[%swap3A], %swap3A_448 {strides = array<i32>} : memref<128xi32, #tpu.memory_space<vmem>>, vector<16xi32>,
          %get3A_449 = arith.constant 16 : index
          %get3A_450 = tpu.vector_load %arg8[%get3A_449] {strides = array<i32>} : memref<128xi32, #tpu.memory_space<vmem>>, vector<16xi32>,
          %get3A_451 = vector.shape_cast %get3A_450 : vector<16xi32> to vector<16xi32>
          %ge3A_452 = arith.constant 5000 : i32
          %ge3A_453 = vector.broadcast %ge3A_452 : i32 to vector<16xi32>
          %ge3A_454 = arith.cmpi sge, %get3A_451, %ge3A_453 : vector<16xi32>
          %sub3A_455 = arith.constant 5000 : i32
          %sub3A_456 = vector.broadcast %sub3A_455 : i32 to vector<16xi32>
          %sub3A_457 = arith.subi %get3A_451, %sub3A_456 : vector<16xi32>
          %jit3A_458 = arith.constant 5007 : i32
          %broadcast_in_dim3A_459 = vector.broadcast %jit3A_458 : i32 to vector<16xi32>
          %select_n3A_460 = arith.select %ge3A_454, %sub3A_457, %broadcast_in_dim3A_459 : vector<16xi1>, vector<16xi32>
          %swap3A_461 = arith.constant 16 : index
          %swap3A_462 = tpu.vector_load %arg8[%swap3A_461] {strides = array<i32>} : memref<128xi32, #tpu.memory_space<vmem>>, vector<16xi32>,
          %swap3A_463 = vector.shape_cast %swap3A_462 : vector<16xi32> to vector<16xi32>
          %swap3A_464 = vector.shape_cast %select_n3A_460 : vector<16xi32> to vector<16xi32>
          tpu.vector_store %arg8[%swap3A_461], %swap3A_464 {strides = array<i32>} : memref<128xi32, #tpu.memory_space<vmem>>, vector<16xi32>,
          %get3A_465 = arith.constant 32 : index
          %get3A_466 = tpu.vector_load %arg8[%get3A_465] {strides = array<i32>} : memref<128xi32, #tpu.memory_space<vmem>>, vector<16xi32>,
          %get3A_467 = vector.shape_cast %get3A_466 : vector<16xi32> to vector<16xi32>
          %ge3A_468 = arith.constant 5000 : i32
          %ge3A_469 = vector.broadcast %ge3A_468 : i32 to vector<16xi32>
          %ge3A_470 = arith.cmpi sge, %get3A_467, %ge3A_469 : vector<16xi32>
          %sub3A_471 = arith.constant 5000 : i32
          %sub3A_472 = vector.broadcast %sub3A_471 : i32 to vector<16xi32>
          %sub3A_473 = arith.subi %get3A_467, %sub3A_472 : vector<16xi32>
          %jit3A_474 = arith.constant 5007 : i32
          %broadcast_in_dim3A_475 = vector.broadcast %jit3A_474 : i32 to vector<16xi32>
          %select_n3A_476 = arith.select %ge3A_470, %sub3A_473, %broadcast_in_dim3A_475 : vector<16xi1>, vector<16xi32>
          %swap3A_477 = arith.constant 32 : index
          %swap3A_478 = tpu.vector_load %arg8[%swap3A_477] {strides = array<i32>} : memref<128xi32, #tpu.memory_space<vmem>>, vector<16xi32>,
          %swap3A_479 = vector.shape_cast %swap3A_478 : vector<16xi32> to vector<16xi32>
          %swap3A_480 = vector.shape_cast %select_n3A_476 : vector<16xi32> to vector<16xi32>
          tpu.vector_store %arg8[%swap3A_477], %swap3A_480 {strides = array<i32>} : memref<128xi32, #tpu.memory_space<vmem>>, vector<16xi32>,
          %get3A_481 = arith.constant 48 : index
          %get3A_482 = tpu.vector_load %arg8[%get3A_481] {strides = array<i32>} : memref<128xi32, #tpu.memory_space<vmem>>, vector<16xi32>,
          %get3A_483 = vector.shape_cast %get3A_482 : vector<16xi32> to vector<16xi32>
          %ge3A_484 = arith.constant 5000 : i32
          %ge3A_485 = vector.broadcast %ge3A_484 : i32 to vector<16xi32>
          %ge3A_486 = arith.cmpi sge, %get3A_483, %ge3A_485 : vector<16xi32>
          %sub3A_487 = arith.constant 5000 : i32
          %sub3A_488 = vector.broadcast %sub3A_487 : i32 to vector<16xi32>
          %sub3A_489 = arith.subi %get3A_483, %sub3A_488 : vector<16xi32>
          %jit3A_490 = arith.constant 5007 : i32
          %broadcast_in_dim3A_491 = vector.broadcast %jit3A_490 : i32 to vector<16xi32>
          %select_n3A_492 = arith.select %ge3A_486, %sub3A_489, %broadcast_in_dim3A_491 : vector<16xi1>, vector<16xi32>
          %swap3A_493 = arith.constant 48 : index
          %swap3A_494 = tpu.vector_load %arg8[%swap3A_493] {strides = array<i32>} : memref<128xi32, #tpu.memory_space<vmem>>, vector<16xi32>,
          %swap3A_495 = vector.shape_cast %swap3A_494 : vector<16xi32> to vector<16xi32>
          %swap3A_496 = vector.shape_cast %select_n3A_492 : vector<16xi32> to vector<16xi32>
          tpu.vector_store %arg8[%swap3A_493], %swap3A_496 {strides = array<i32>} : memref<128xi32, #tpu.memory_space<vmem>>, vector<16xi32>,
          %get3A_497 = arith.constant 64 : index
          %get3A_498 = tpu.vector_load %arg8[%get3A_497] {strides = array<i32>} : memref<128xi32, #tpu.memory_space<vmem>>, vector<16xi32>,
          %get3A_499 = vector.shape_cast %get3A_498 : vector<16xi32> to vector<16xi32>
          %ge3A_500 = arith.constant 5000 : i32
          %ge3A_501 = vector.broadcast %ge3A_500 : i32 to vector<16xi32>
          %ge3A_502 = arith.cmpi sge, %get3A_499, %ge3A_501 : vector<16xi32>
          %sub3A_503 = arith.constant 5000 : i32
          %sub3A_504 = vector.broadcast %sub3A_503 : i32 to vector<16xi32>
          %sub3A_505 = arith.subi %get3A_499, %sub3A_504 : vector<16xi32>
          %jit3A_506 = arith.constant 5007 : i32
          %broadcast_in_dim3A_507 = vector.broadcast %jit3A_506 : i32 to vector<16xi32>
          %select_n3A_508 = arith.select %ge3A_502, %sub3A_505, %broadcast_in_dim3A_507 : vector<16xi1>, vector<16xi32>
          %swap3A_509 = arith.constant 64 : index
          %swap3A_510 = tpu.vector_load %arg8[%swap3A_509] {strides = array<i32>} : memref<128xi32, #tpu.memory_space<vmem>>, vector<16xi32>,
          %swap3A_511 = vector.shape_cast %swap3A_510 : vector<16xi32> to vector<16xi32>
          %swap3A_512 = vector.shape_cast %select_n3A_508 : vector<16xi32> to vector<16xi32>
          tpu.vector_store %arg8[%swap3A_509], %swap3A_512 {strides = array<i32>} : memref<128xi32, #tpu.memory_space<vmem>>, vector<16xi32>,
          %get3A_513 = arith.constant 80 : index
          %get3A_514 = tpu.vector_load %arg8[%get3A_513] {strides = array<i32>} : memref<128xi32, #tpu.memory_space<vmem>>, vector<16xi32>,
          %get3A_515 = vector.shape_cast %get3A_514 : vector<16xi32> to vector<16xi32>
          %ge3A_516 = arith.constant 5000 : i32
          %ge3A_517 = vector.broadcast %ge3A_516 : i32 to vector<16xi32>
          %ge3A_518 = arith.cmpi sge, %get3A_515, %ge3A_517 : vector<16xi32>
          %sub3A_519 = arith.constant 5000 : i32
          %sub3A_520 = vector.broadcast %sub3A_519 : i32 to vector<16xi32>
          %sub3A_521 = arith.subi %get3A_515, %sub3A_520 : vector<16xi32>
          %jit3A_522 = arith.constant 5007 : i32
          %broadcast_in_dim3A_523 = vector.broadcast %jit3A_522 : i32 to vector<16xi32>
          %select_n3A_524 = arith.select %ge3A_518, %sub3A_521, %broadcast_in_dim3A_523 : vector<16xi1>, vector<16xi32>
          %swap3A_525 = arith.constant 80 : index
          %swap3A_526 = tpu.vector_load %arg8[%swap3A_525] {strides = array<i32>} : memref<128xi32, #tpu.memory_space<vmem>>, vector<16xi32>,
          %swap3A_527 = vector.shape_cast %swap3A_526 : vector<16xi32> to vector<16xi32>
          %swap3A_528 = vector.shape_cast %select_n3A_524 : vector<16xi32> to vector<16xi32>
          tpu.vector_store %arg8[%swap3A_525], %swap3A_528 {strides = array<i32>} : memref<128xi32, #tpu.memory_space<vmem>>, vector<16xi32>,
          %get3A_529 = arith.constant 96 : index
          %get3A_530 = tpu.vector_load %arg8[%get3A_529] {strides = array<i32>} : memref<128xi32, #tpu.memory_space<vmem>>, vector<16xi32>,
          %get3A_531 = vector.shape_cast %get3A_530 : vector<16xi32> to vector<16xi32>
          %ge3A_532 = arith.constant 5000 : i32
          %ge3A_533 = vector.broadcast %ge3A_532 : i32 to vector<16xi32>
          %ge3A_534 = arith.cmpi sge, %get3A_531, %ge3A_533 : vector<16xi32>
          %sub3A_535 = arith.constant 5000 : i32
          %sub3A_536 = vector.broadcast %sub3A_535 : i32 to vector<16xi32>
          %sub3A_537 = arith.subi %get3A_531, %sub3A_536 : vector<16xi32>
          %jit3A_538 = arith.constant 5007 : i32
          %broadcast_in_dim3A_539 = vector.broadcast %jit3A_538 : i32 to vector<16xi32>
          %select_n3A_540 = arith.select %ge3A_534, %sub3A_537, %broadcast_in_dim3A_539 : vector<16xi1>, vector<16xi32>
          %swap3A_541 = arith.constant 96 : index
          %swap3A_542 = tpu.vector_load %arg8[%swap3A_541] {strides = array<i32>} : memref<128xi32, #tpu.memory_space<vmem>>, vector<16xi32>,
          %swap3A_543 = vector.shape_cast %swap3A_542 : vector<16xi32> to vector<16xi32>
          %swap3A_544 = vector.shape_cast %select_n3A_540 : vector<16xi32> to vector<16xi32>
          tpu.vector_store %arg8[%swap3A_541], %swap3A_544 {strides = array<i32>} : memref<128xi32, #tpu.memory_space<vmem>>, vector<16xi32>,
          %get3A_545 = arith.constant 112 : index
          %get3A_546 = tpu.vector_load %arg8[%get3A_545] {strides = array<i32>} : memref<128xi32, #tpu.memory_space<vmem>>, vector<16xi32>,
          %get3A_547 = vector.shape_cast %get3A_546 : vector<16xi32> to vector<16xi32>
          %ge3A_548 = arith.constant 5000 : i32
          %ge3A_549 = vector.broadcast %ge3A_548 : i32 to vector<16xi32>
          %ge3A_550 = arith.cmpi sge, %get3A_547, %ge3A_549 : vector<16xi32>
          %sub3A_551 = arith.constant 5000 : i32
          %sub3A_552 = vector.broadcast %sub3A_551 : i32 to vector<16xi32>
          %sub3A_553 = arith.subi %get3A_547, %sub3A_552 : vector<16xi32>
          %jit3A_554 = arith.constant 5007 : i32
          %broadcast_in_dim3A_555 = vector.broadcast %jit3A_554 : i32 to vector<16xi32>
          %select_n3A_556 = arith.select %ge3A_550, %sub3A_553, %broadcast_in_dim3A_555 : vector<16xi1>, vector<16xi32>
          %swap3A_557 = arith.constant 112 : index
          %swap3A_558 = tpu.vector_load %arg8[%swap3A_557] {strides = array<i32>} : memref<128xi32, #tpu.memory_space<vmem>>, vector<16xi32>,
          %swap3A_559 = vector.shape_cast %swap3A_558 : vector<16xi32> to vector<16xi32>
          %swap3A_560 = vector.shape_cast %select_n3A_556 : vector<16xi32> to vector<16xi32>
          tpu.vector_store %arg8[%swap3A_557], %swap3A_560 {strides = array<i32>} : memref<128xi32, #tpu.memory_space<vmem>>, vector<16xi32>,
        } else {
        }
        %dma_wait3A_412 = arith.constant 0 : i32
        %dma_wait3A_413 = arith.constant 0 : i32
        %dma_wait3A_414 = tpu.memref_slice %arg3[%dma_wait3A_412, %dma_wait3A_413] : memref<320000x128xf32, #tpu.memory_space<hbm>> -> memref<128x128xf32, #tpu.memory_space<hbm>>
        %dma_wait3A_415 = arith.constant 0 : i32
        %dma_wait3A_416 = arith.constant 0 : i32
        %dma_wait3A_417 = tpu.memref_slice %arg3[%dma_wait3A_415, %dma_wait3A_416] : memref<320000x128xf32, #tpu.memory_space<hbm>> -> memref<128x128xf32, #tpu.memory_space<hbm>>
        tpu.wait_dma2 semaphore(%arg17 : memref<!tpu.dma_semaphore, #tpu.memory_space<semaphore_mem>>) src(%dma_wait3A_417 : memref<128x128xf32, #tpu.memory_space<hbm>>) dst(%arg10 : memref<128x128xf32, #tpu.memory_space<vmem>>)
        %add3A_418 = arith.constant 1 : i32
        %add3A_419 = arith.addi %add3A_394, %add3A_418 : i32
        %lt3A_420 = arith.cmpi slt, %add3A_419, %max3A_55 : i32
        %ge3A_421 = arith.constant 1 : i32
        %ge3A_422 = arith.cmpi sge, %add3A_394, %ge3A_421 : i32
        %and3A_423 = arith.andi %lt3A_420, %ge3A_422 : i1
        %convert_element_type3A_424 = arith.extui %and3A_423 : i1 to i32
        %cond3A_425 = arith.constant 0 : i32
        %cond3A_426 = arith.cmpi ne, %convert_element_type3A_424, %cond3A_425 : i32
        scf.if %cond3A_426 {
          %dma_wait3A_435 = arith.constant 0 : i32
          %dma_wait3A_436 = arith.constant 0 : i32
          %dma_wait3A_437 = tpu.memref_slice %arg3[%dma_wait3A_435, %dma_wait3A_436] : memref<320000x128xf32, #tpu.memory_space<hbm>> -> memref<128x128xf32, #tpu.memory_space<hbm>>
          %dma_wait3A_438 = arith.constant 0 : i32
          %dma_wait3A_439 = arith.constant 0 : i32
          %dma_wait3A_440 = tpu.memref_slice %arg3[%dma_wait3A_438, %dma_wait3A_439] : memref<320000x128xf32, #tpu.memory_space<hbm>> -> memref<128x128xf32, #tpu.memory_space<hbm>>
          tpu.wait_dma2 semaphore(%arg18 : memref<!tpu.dma_semaphore, #tpu.memory_space<semaphore_mem>>) src(%dma_wait3A_440 : memref<128x128xf32, #tpu.memory_space<hbm>>) dst(%arg9 : memref<128x128xf32, #tpu.memory_space<vmem>>)
        } else {
        }
        %add3A_427 = arith.constant 1 : i32
        %add3A_428 = arith.addi %add3A_394, %add3A_427 : i32
        %lt3A_429 = arith.cmpi slt, %add3A_428, %max3A_55 : i32
        %convert_element_type3A_430 = arith.extui %lt3A_429 : i1 to i32
        %cond3A_431 = arith.constant 0 : i32
        %cond3A_432 = arith.cmpi ne, %convert_element_type3A_430, %cond3A_431 : i32
        scf.if %cond3A_432 {
          %add3A_435 = arith.constant 1 : i32
          %add3A_436 = arith.addi %add3A_394, %add3A_435 : i32
          %add3A_437 = arith.addi %select_n3A, %arg1 : i32
          %mul3A_438 = arith.constant 16 : i32
          %mul3A_439 = arith.muli %mul3A_438, %add3A_436 : i32
          %add3A_440 = arith.addi %add3A_437, %mul3A_439 : i32
          %mul3A_441 = arith.constant 128 : i32
          %mul3A_442 = arith.muli %add3A_440, %mul3A_441 : i32
          %dma_start3A_443 = tpu.memref_slice %arg2[%mul3A_442] : memref<320000xi32, #tpu.memory_space<hbm>> -> memref<128xi32, #tpu.memory_space<hbm>>
          %dma_start3A_444 = tpu.memref_slice %arg2[%mul3A_442] : memref<320000xi32, #tpu.memory_space<hbm>> -> memref<128xi32, #tpu.memory_space<hbm>>
          tpu.enqueue_dma source(%dma_start3A_444 : memref<128xi32, #tpu.memory_space<hbm>>) target(%arg7 : memref<128xi32, #tpu.memory_space<vmem>>) target_semaphore(%arg14 : memref<!tpu.dma_semaphore, #tpu.memory_space<semaphore_mem>>)
          %mul3A_445 = arith.constant 128 : i32
          %mul3A_446 = arith.muli %add3A_440, %mul3A_445 : i32
          %dma_start3A_447 = arith.constant 0 : i32
          %dma_start3A_448 = tpu.memref_slice %arg3[%mul3A_446, %dma_start3A_447] : memref<320000x128xf32, #tpu.memory_space<hbm>> -> memref<128x128xf32, #tpu.memory_space<hbm>>
          %dma_start3A_449 = arith.constant 0 : i32
          %dma_start3A_450 = tpu.memref_slice %arg3[%mul3A_446, %dma_start3A_449] : memref<320000x128xf32, #tpu.memory_space<hbm>> -> memref<128x128xf32, #tpu.memory_space<hbm>>
          tpu.enqueue_dma source(%dma_start3A_450 : memref<128x128xf32, #tpu.memory_space<hbm>>) target(%arg9 : memref<128x128xf32, #tpu.memory_space<vmem>>) target_semaphore(%arg16 : memref<!tpu.dma_semaphore, #tpu.memory_space<semaphore_mem>>)
        } else {
        }
        %dma_start3A = arith.constant 0 : i32
        %dma_start3A_433 = arith.constant 0 : i32
        %dma_start3A_434 = tpu.memref_slice %arg13[%dma_start3A, %dma_start3A_433] : memref<5008x128xf32, #tpu.memory_space<vmem_shared>> -> memref<5008x128xf32, #tpu.memory_space<vmem_shared>>
        tpu.enqueue_indirect_dma source(%arg10 : memref<128x128xf32, #tpu.memory_space<vmem>>) target(%dma_start3A_434 : memref<5008x128xf32, #tpu.memory_space<vmem_shared>>) offsets(%arg8 : memref<128xi32, #tpu.memory_space<vmem>>) semaphore(%arg19 : memref<!tpu.dma_semaphore, #tpu.memory_space<semaphore_mem>>) {add = true}
      } else {
      }
    }
    %ge3A = arith.constant 1 : i32
    %ge3A_95 = arith.cmpi sge, %max3A_55, %ge3A : i32
    %sub3A_96 = arith.constant 1 : i32
    %sub3A_97 = arith.subi %max3A_55, %sub3A_96 : i32
    %jit3A_98 = arith.constant 2 : i32
    %eq3A_99 = arith.constant 0 : i32
    %eq3A_100 = arith.cmpi eq, %jit3A_98, %eq3A_99 : i32
    %jit3A_101 = arith.constant 1 : i32
    %select_n3A_102 = arith.select %eq3A_100, %jit3A_101, %jit3A_98 : i32
    %rem3A_103 = arith.remsi %sub3A_97, %select_n3A_102 : i32
    %ne3A_104 = arith.constant 0 : i32
    %ne3A_105 = arith.cmpi ne, %rem3A_103, %ne3A_104 : i32
    %lt3A = arith.constant 0 : i32
    %lt3A_106 = arith.cmpi slt, %rem3A_103, %lt3A : i32
    %lt3A_107 = arith.constant 0 : i32
    %lt3A_108 = arith.cmpi slt, %select_n3A_102, %lt3A_107 : i32
    %ne3A_109 = arith.xori %lt3A_106, %lt3A_108 : i1
    %and3A_110 = arith.andi %ne3A_109, %ne3A_105 : i1
    %add3A_111 = arith.addi %rem3A_103, %select_n3A_102 : i32
    %select_n3A_112 = arith.select %and3A_110, %add3A_111, %rem3A_103 : i32
    %eq3A_113 = arith.constant 0 : i32
    %eq3A_114 = arith.cmpi eq, %select_n3A_112, %eq3A_113 : i32
    %and3A_115 = arith.andi %ge3A_95, %eq3A_114 : i1
    %convert_element_type3A_116 = arith.extui %and3A_115 : i1 to i32
    %cond3A_117 = arith.constant 0 : i32
    %cond3A_118 = arith.cmpi ne, %convert_element_type3A_116, %cond3A_117 : i32
    scf.if %cond3A_118 {
      %dma_wait3A = arith.constant 0 : i32
      %dma_wait3A_382 = arith.constant 0 : i32
      %dma_wait3A_383 = tpu.memref_slice %arg3[%dma_wait3A, %dma_wait3A_382] : memref<320000x128xf32, #tpu.memory_space<hbm>> -> memref<128x128xf32, #tpu.memory_space<hbm>>
      %dma_wait3A_384 = arith.constant 0 : i32
      %dma_wait3A_385 = arith.constant 0 : i32
      %dma_wait3A_386 = tpu.memref_slice %arg3[%dma_wait3A_384, %dma_wait3A_385] : memref<320000x128xf32, #tpu.memory_space<hbm>> -> memref<128x128xf32, #tpu.memory_space<hbm>>
      tpu.wait_dma2 semaphore(%arg18 : memref<!tpu.dma_semaphore, #tpu.memory_space<semaphore_mem>>) src(%dma_wait3A_386 : memref<128x128xf32, #tpu.memory_space<hbm>>) dst(%arg9 : memref<128x128xf32, #tpu.memory_space<vmem>>)
    } else {
    }
    %ge3A_119 = arith.constant 2 : i32
    %ge3A_120 = arith.cmpi sge, %max3A_55, %ge3A_119 : i32
    %sub3A_121 = arith.constant 2 : i32
    %sub3A_122 = arith.subi %max3A_55, %sub3A_121 : i32
    %jit3A_123 = arith.constant 2 : i32
    %eq3A_124 = arith.constant 0 : i32
    %eq3A_125 = arith.cmpi eq, %jit3A_123, %eq3A_124 : i32
    %jit3A_126 = arith.constant 1 : i32
    %select_n3A_127 = arith.select %eq3A_125, %jit3A_126, %jit3A_123 : i32
    %rem3A_128 = arith.remsi %sub3A_122, %select_n3A_127 : i32
    %ne3A_129 = arith.constant 0 : i32
    %ne3A_130 = arith.cmpi ne, %rem3A_128, %ne3A_129 : i32
    %lt3A_131 = arith.constant 0 : i32
    %lt3A_132 = arith.cmpi slt, %rem3A_128, %lt3A_131 : i32
    %lt3A_133 = arith.constant 0 : i32
    %lt3A_134 = arith.cmpi slt, %select_n3A_127, %lt3A_133 : i32
    %ne3A_135 = arith.xori %lt3A_132, %lt3A_134 : i1
    %and3A_136 = arith.andi %ne3A_135, %ne3A_130 : i1
    %add3A_137 = arith.addi %rem3A_128, %select_n3A_127 : i32
    %select_n3A_138 = arith.select %and3A_136, %add3A_137, %rem3A_128 : i32
    %eq3A_139 = arith.constant 0 : i32
    %eq3A_140 = arith.cmpi eq, %select_n3A_138, %eq3A_139 : i32
    %and3A_141 = arith.andi %ge3A_120, %eq3A_140 : i1
    %convert_element_type3A_142 = arith.extui %and3A_141 : i1 to i32
    %cond3A_143 = arith.constant 0 : i32
    %cond3A_144 = arith.cmpi ne, %convert_element_type3A_142, %cond3A_143 : i32
    scf.if %cond3A_144 {
      %dma_wait3A = arith.constant 0 : i32
      %dma_wait3A_382 = arith.constant 0 : i32
      %dma_wait3A_383 = tpu.memref_slice %arg3[%dma_wait3A, %dma_wait3A_382] : memref<320000x128xf32, #tpu.memory_space<hbm>> -> memref<128x128xf32, #tpu.memory_space<hbm>>
      %dma_wait3A_384 = arith.constant 0 : i32
      %dma_wait3A_385 = arith.constant 0 : i32
      %dma_wait3A_386 = tpu.memref_slice %arg3[%dma_wait3A_384, %dma_wait3A_385] : memref<320000x128xf32, #tpu.memory_space<hbm>> -> memref<128x128xf32, #tpu.memory_space<hbm>>
      tpu.wait_dma2 semaphore(%arg18 : memref<!tpu.dma_semaphore, #tpu.memory_space<semaphore_mem>>) src(%dma_wait3A_386 : memref<128x128xf32, #tpu.memory_space<hbm>>) dst(%arg9 : memref<128x128xf32, #tpu.memory_space<vmem>>)
    } else {
    }
    %ge3A_145 = arith.constant 1 : i32
    %ge3A_146 = arith.cmpi sge, %max3A_55, %ge3A_145 : i32
    %sub3A_147 = arith.constant 1 : i32
    %sub3A_148 = arith.subi %max3A_55, %sub3A_147 : i32
    %jit3A_149 = arith.constant 2 : i32
    %eq3A_150 = arith.constant 0 : i32
    %eq3A_151 = arith.cmpi eq, %jit3A_149, %eq3A_150 : i32
    %jit3A_152 = arith.constant 1 : i32
    %select_n3A_153 = arith.select %eq3A_151, %jit3A_152, %jit3A_149 : i32
    %rem3A_154 = arith.remsi %sub3A_148, %select_n3A_153 : i32
    %ne3A_155 = arith.constant 0 : i32
    %ne3A_156 = arith.cmpi ne, %rem3A_154, %ne3A_155 : i32
    %lt3A_157 = arith.constant 0 : i32
    %lt3A_158 = arith.cmpi slt, %rem3A_154, %lt3A_157 : i32
    %lt3A_159 = arith.constant 0 : i32
    %lt3A_160 = arith.cmpi slt, %select_n3A_153, %lt3A_159 : i32
    %ne3A_161 = arith.xori %lt3A_158, %lt3A_160 : i1
    %and3A_162 = arith.andi %ne3A_161, %ne3A_156 : i1
    %add3A_163 = arith.addi %rem3A_154, %select_n3A_153 : i32
    %select_n3A_164 = arith.select %and3A_162, %add3A_163, %rem3A_154 : i32
    %eq3A_165 = arith.constant 1 : i32
    %eq3A_166 = arith.cmpi eq, %select_n3A_164, %eq3A_165 : i32
    %and3A_167 = arith.andi %ge3A_146, %eq3A_166 : i1
    %convert_element_type3A_168 = arith.extui %and3A_167 : i1 to i32
    %cond3A_169 = arith.constant 0 : i32
    %cond3A_170 = arith.cmpi ne, %convert_element_type3A_168, %cond3A_169 : i32
    scf.if %cond3A_170 {
      %dma_wait3A = arith.constant 0 : i32
      %dma_wait3A_382 = arith.constant 0 : i32
      %dma_wait3A_383 = tpu.memref_slice %arg3[%dma_wait3A, %dma_wait3A_382] : memref<320000x128xf32, #tpu.memory_space<hbm>> -> memref<128x128xf32, #tpu.memory_space<hbm>>
      %dma_wait3A_384 = arith.constant 0 : i32
      %dma_wait3A_385 = arith.constant 0 : i32
      %dma_wait3A_386 = tpu.memref_slice %arg3[%dma_wait3A_384, %dma_wait3A_385] : memref<320000x128xf32, #tpu.memory_space<hbm>> -> memref<128x128xf32, #tpu.memory_space<hbm>>
      tpu.wait_dma2 semaphore(%arg19 : memref<!tpu.dma_semaphore, #tpu.memory_space<semaphore_mem>>) src(%dma_wait3A_386 : memref<128x128xf32, #tpu.memory_space<hbm>>) dst(%arg10 : memref<128x128xf32, #tpu.memory_space<vmem>>)
    } else {
    }
    %ge3A_171 = arith.constant 2 : i32
    %ge3A_172 = arith.cmpi sge, %max3A_55, %ge3A_171 : i32
    %sub3A_173 = arith.constant 2 : i32
    %sub3A_174 = arith.subi %max3A_55, %sub3A_173 : i32
    %jit3A_175 = arith.constant 2 : i32
    %eq3A_176 = arith.constant 0 : i32
    %eq3A_177 = arith.cmpi eq, %jit3A_175, %eq3A_176 : i32
    %jit3A_178 = arith.constant 1 : i32
    %select_n3A_179 = arith.select %eq3A_177, %jit3A_178, %jit3A_175 : i32
    %rem3A_180 = arith.remsi %sub3A_174, %select_n3A_179 : i32
    %ne3A_181 = arith.constant 0 : i32
    %ne3A_182 = arith.cmpi ne, %rem3A_180, %ne3A_181 : i32
    %lt3A_183 = arith.constant 0 : i32
    %lt3A_184 = arith.cmpi slt, %rem3A_180, %lt3A_183 : i32
    %lt3A_185 = arith.constant 0 : i32
    %lt3A_186 = arith.cmpi slt, %select_n3A_179, %lt3A_185 : i32
    %ne3A_187 = arith.xori %lt3A_184, %lt3A_186 : i1
    %and3A_188 = arith.andi %ne3A_187, %ne3A_182 : i1
    %add3A_189 = arith.addi %rem3A_180, %select_n3A_179 : i32
    %select_n3A_190 = arith.select %and3A_188, %add3A_189, %rem3A_180 : i32
    %eq3A_191 = arith.constant 1 : i32
    %eq3A_192 = arith.cmpi eq, %select_n3A_190, %eq3A_191 : i32
    %and3A_193 = arith.andi %ge3A_172, %eq3A_192 : i1
    %convert_element_type3A_194 = arith.extui %and3A_193 : i1 to i32
    %cond3A_195 = arith.constant 0 : i32
    %cond3A_196 = arith.cmpi ne, %convert_element_type3A_194, %cond3A_195 : i32
    scf.if %cond3A_196 {
      %dma_wait3A = arith.constant 0 : i32
      %dma_wait3A_382 = arith.constant 0 : i32
      %dma_wait3A_383 = tpu.memref_slice %arg3[%dma_wait3A, %dma_wait3A_382] : memref<320000x128xf32, #tpu.memory_space<hbm>> -> memref<128x128xf32, #tpu.memory_space<hbm>>
      %dma_wait3A_384 = arith.constant 0 : i32
      %dma_wait3A_385 = arith.constant 0 : i32
      %dma_wait3A_386 = tpu.memref_slice %arg3[%dma_wait3A_384, %dma_wait3A_385] : memref<320000x128xf32, #tpu.memory_space<hbm>> -> memref<128x128xf32, #tpu.memory_space<hbm>>
      tpu.wait_dma2 semaphore(%arg19 : memref<!tpu.dma_semaphore, #tpu.memory_space<semaphore_mem>>) src(%dma_wait3A_386 : memref<128x128xf32, #tpu.memory_space<hbm>>) dst(%arg10 : memref<128x128xf32, #tpu.memory_space<vmem>>)
    } else {
    }
    %barrier3A_197 = arith.constant 0 : index
    tpu.barrier barrier_id(%barrier3A_197)
    %mul3A_198 = arith.constant 312 : i32
    %mul3A_199 = arith.muli %arg1, %mul3A_198 : i32
    %eq3A_200 = arith.constant 15 : i32
    %eq3A_201 = arith.cmpi eq, %arg1, %eq3A_200 : i32
    %convert_element_type3A_202 = arith.extui %eq3A_201 : i1 to i32
    %cond3A_203 = arith.constant 0 : i32
    %cond3A_204 = arith.cmpi ne, %convert_element_type3A_202, %cond3A_203 : i32
    scf.if %cond3A_204 {
      "tpu.region"() ({
        %run_scoped3A = tpu.sem_alloc : memref<!tpu.dma_semaphore, #tpu.memory_space<semaphore_mem>>
        %dma_start3A = arith.constant 0 : i32
        %dma_start3A_382 = arith.constant 0 : i32
        %dma_start3A_383 = tpu.memref_slice %arg5[%arg0, %dma_start3A, %dma_start3A_382] : memref<2x5008x128xf32, #tpu.memory_space<hbm>> -> memref<1x5008x128xf32, #tpu.memory_space<hbm>>
        %dma_start3A_384 = tpu.memref_squeeze %dma_start3A_383 : memref<1x5008x128xf32, #tpu.memory_space<hbm>> -> memref<5008x128xf32, #tpu.memory_space<hbm>>
        %dma_start3A_385 = arith.constant 0 : i32
        %dma_start3A_386 = tpu.memref_slice %dma_start3A_384[%mul3A_199, %dma_start3A_385] : memref<5008x128xf32, #tpu.memory_space<hbm>> -> memref<328x128xf32, #tpu.memory_space<hbm>>
        %dma_start3A_387 = arith.constant 0 : i32
        %dma_start3A_388 = tpu.memref_slice %arg13[%mul3A_199, %dma_start3A_387] : memref<5008x128xf32, #tpu.memory_space<vmem_shared>> -> memref<328x128xf32, #tpu.memory_space<vmem_shared>>
        tpu.enqueue_dma source(%dma_start3A_388 : memref<328x128xf32, #tpu.memory_space<vmem_shared>>) target(%dma_start3A_386 : memref<328x128xf32, #tpu.memory_space<hbm>>) target_semaphore(%run_scoped3A : memref<!tpu.dma_semaphore, #tpu.memory_space<semaphore_mem>>)
        %dma_wait3A = arith.constant 0 : i32
        %dma_wait3A_389 = arith.constant 0 : i32
        %dma_wait3A_390 = tpu.memref_slice %arg5[%arg0, %dma_wait3A, %dma_wait3A_389] : memref<2x5008x128xf32, #tpu.memory_space<hbm>> -> memref<1x5008x128xf32, #tpu.memory_space<hbm>>
        %dma_wait3A_391 = tpu.memref_squeeze %dma_wait3A_390 : memref<1x5008x128xf32, #tpu.memory_space<hbm>> -> memref<5008x128xf32, #tpu.memory_space<hbm>>
        %dma_wait3A_392 = arith.constant 0 : i32
        %dma_wait3A_393 = tpu.memref_slice %dma_wait3A_391[%mul3A_199, %dma_wait3A_392] : memref<5008x128xf32, #tpu.memory_space<hbm>> -> memref<328x128xf32, #tpu.memory_space<hbm>>
        %dma_wait3A_394 = arith.constant 0 : i32
        %dma_wait3A_395 = tpu.memref_slice %arg13[%mul3A_199, %dma_wait3A_394] : memref<5008x128xf32, #tpu.memory_space<vmem_shared>> -> memref<328x128xf32, #tpu.memory_space<vmem_shared>>
        tpu.wait_dma2 semaphore(%run_scoped3A : memref<!tpu.dma_semaphore, #tpu.memory_space<semaphore_mem>>) src(%dma_wait3A_395 : memref<328x128xf32, #tpu.memory_space<vmem_shared>>) dst(%dma_wait3A_393 : memref<328x128xf32, #tpu.memory_space<hbm>>)
        tpu.yield
      }) : () -> ()
    } else {
    }
    %ne3A_205 = arith.constant 15 : i32
    %ne3A_206 = arith.cmpi ne, %arg1, %ne3A_205 : i32
    %convert_element_type3A_207 = arith.extui %ne3A_206 : i1 to i32
    %cond3A_208 = arith.constant 0 : i32
    %cond3A_209 = arith.cmpi ne, %convert_element_type3A_207, %cond3A_208 : i32
    scf.if %cond3A_209 {
      "tpu.region"() ({
        %run_scoped3A = tpu.sem_alloc : memref<!tpu.dma_semaphore, #tpu.memory_space<semaphore_mem>>
        %dma_start3A = arith.constant 0 : i32
        %dma_start3A_382 = arith.constant 0 : i32
        %dma_start3A_383 = tpu.memref_slice %arg5[%arg0, %dma_start3A, %dma_start3A_382] : memref<2x5008x128xf32, #tpu.memory_space<hbm>> -> memref<1x5008x128xf32, #tpu.memory_space<hbm>>
        %dma_start3A_384 = tpu.memref_squeeze %dma_start3A_383 : memref<1x5008x128xf32, #tpu.memory_space<hbm>> -> memref<5008x128xf32, #tpu.memory_space<hbm>>
        %dma_start3A_385 = arith.constant 0 : i32
        %dma_start3A_386 = tpu.memref_slice %dma_start3A_384[%mul3A_199, %dma_start3A_385] : memref<5008x128xf32, #tpu.memory_space<hbm>> -> memref<312x128xf32, #tpu.memory_space<hbm>>
        %dma_start3A_387 = arith.constant 0 : i32
        %dma_start3A_388 = tpu.memref_slice %arg13[%mul3A_199, %dma_start3A_387] : memref<5008x128xf32, #tpu.memory_space<vmem_shared>> -> memref<312x128xf32, #tpu.memory_space<vmem_shared>>
        tpu.enqueue_dma source(%dma_start3A_388 : memref<312x128xf32, #tpu.memory_space<vmem_shared>>) target(%dma_start3A_386 : memref<312x128xf32, #tpu.memory_space<hbm>>) target_semaphore(%run_scoped3A : memref<!tpu.dma_semaphore, #tpu.memory_space<semaphore_mem>>)
        %dma_wait3A = arith.constant 0 : i32
        %dma_wait3A_389 = arith.constant 0 : i32
        %dma_wait3A_390 = tpu.memref_slice %arg5[%arg0, %dma_wait3A, %dma_wait3A_389] : memref<2x5008x128xf32, #tpu.memory_space<hbm>> -> memref<1x5008x128xf32, #tpu.memory_space<hbm>>
        %dma_wait3A_391 = tpu.memref_squeeze %dma_wait3A_390 : memref<1x5008x128xf32, #tpu.memory_space<hbm>> -> memref<5008x128xf32, #tpu.memory_space<hbm>>
        %dma_wait3A_392 = arith.constant 0 : i32
        %dma_wait3A_393 = tpu.memref_slice %dma_wait3A_391[%mul3A_199, %dma_wait3A_392] : memref<5008x128xf32, #tpu.memory_space<hbm>> -> memref<312x128xf32, #tpu.memory_space<hbm>>
        %dma_wait3A_394 = arith.constant 0 : i32
        %dma_wait3A_395 = tpu.memref_slice %arg13[%mul3A_199, %dma_wait3A_394] : memref<5008x128xf32, #tpu.memory_space<vmem_shared>> -> memref<312x128xf32, #tpu.memory_space<vmem_shared>>
        tpu.wait_dma2 semaphore(%run_scoped3A : memref<!tpu.dma_semaphore, #tpu.memory_space<semaphore_mem>>) src(%dma_wait3A_395 : memref<312x128xf32, #tpu.memory_space<vmem_shared>>) dst(%dma_wait3A_393 : memref<312x128xf32, #tpu.memory_space<hbm>>)
        tpu.yield
      }) : () -> ()
    } else {
    }
    %barrier3A_210 = arith.constant 0 : index
    tpu.barrier barrier_id(%barrier3A_210)
    %mul3A_211 = arith.constant 312 : i32
    %mul3A_212 = arith.muli %arg1, %mul3A_211 : i32
    %eq3A_213 = arith.constant 15 : i32
    %eq3A_214 = arith.cmpi eq, %arg1, %eq3A_213 : i32
    %convert_element_type3A_215 = arith.extui %eq3A_214 : i1 to i32
    %cond3A_216 = arith.constant 0 : i32
    %cond3A_217 = arith.cmpi ne, %convert_element_type3A_215, %cond3A_216 : i32
    scf.if %cond3A_217 {
      "tpu.region"() ({
        %run_scoped3A = tpu.sem_alloc : memref<!tpu.dma_semaphore, #tpu.memory_space<semaphore_mem>>
        %dma_start3A = arith.constant 0 : i32
        %dma_start3A_382 = tpu.memref_slice %arg13[%mul3A_212, %dma_start3A] : memref<5008x128xf32, #tpu.memory_space<vmem_shared>> -> memref<328x128xf32, #tpu.memory_space<vmem_shared>>
        %dma_start3A_383 = arith.constant 0 : i32
        %dma_start3A_384 = tpu.memref_slice %arg4[%mul3A_212, %dma_start3A_383] : memref<5008x128xf32, #tpu.memory_space<hbm>> -> memref<328x128xf32, #tpu.memory_space<hbm>>
        tpu.enqueue_dma source(%dma_start3A_384 : memref<328x128xf32, #tpu.memory_space<hbm>>) target(%dma_start3A_382 : memref<328x128xf32, #tpu.memory_space<vmem_shared>>) target_semaphore(%run_scoped3A : memref<!tpu.dma_semaphore, #tpu.memory_space<semaphore_mem>>)
        %dma_wait3A = arith.constant 0 : i32
        %dma_wait3A_385 = tpu.memref_slice %arg13[%mul3A_212, %dma_wait3A] : memref<5008x128xf32, #tpu.memory_space<vmem_shared>> -> memref<328x128xf32, #tpu.memory_space<vmem_shared>>
        %dma_wait3A_386 = arith.constant 0 : i32
        %dma_wait3A_387 = tpu.memref_slice %arg4[%mul3A_212, %dma_wait3A_386] : memref<5008x128xf32, #tpu.memory_space<hbm>> -> memref<328x128xf32, #tpu.memory_space<hbm>>
        tpu.wait_dma2 semaphore(%run_scoped3A : memref<!tpu.dma_semaphore, #tpu.memory_space<semaphore_mem>>) src(%dma_wait3A_387 : memref<328x128xf32, #tpu.memory_space<hbm>>) dst(%dma_wait3A_385 : memref<328x128xf32, #tpu.memory_space<vmem_shared>>)
        tpu.yield
      }) : () -> ()
    } else {
    }
    %ne3A_218 = arith.constant 15 : i32
    %ne3A_219 = arith.cmpi ne, %arg1, %ne3A_218 : i32
    %convert_element_type3A_220 = arith.extui %ne3A_219 : i1 to i32
    %cond3A_221 = arith.constant 0 : i32
    %cond3A_222 = arith.cmpi ne, %convert_element_type3A_220, %cond3A_221 : i32
    scf.if %cond3A_222 {
      "tpu.region"() ({
        %run_scoped3A = tpu.sem_alloc : memref<!tpu.dma_semaphore, #tpu.memory_space<semaphore_mem>>
        %dma_start3A = arith.constant 0 : i32
        %dma_start3A_382 = tpu.memref_slice %arg13[%mul3A_212, %dma_start3A] : memref<5008x128xf32, #tpu.memory_space<vmem_shared>> -> memref<312x128xf32, #tpu.memory_space<vmem_shared>>
        %dma_start3A_383 = arith.constant 0 : i32
        %dma_start3A_384 = tpu.memref_slice %arg4[%mul3A_212, %dma_start3A_383] : memref<5008x128xf32, #tpu.memory_space<hbm>> -> memref<312x128xf32, #tpu.memory_space<hbm>>
        tpu.enqueue_dma source(%dma_start3A_384 : memref<312x128xf32, #tpu.memory_space<hbm>>) target(%dma_start3A_382 : memref<312x128xf32, #tpu.memory_space<vmem_shared>>) target_semaphore(%run_scoped3A : memref<!tpu.dma_semaphore, #tpu.memory_space<semaphore_mem>>)
        %dma_wait3A = arith.constant 0 : i32
        %dma_wait3A_385 = tpu.memref_slice %arg13[%mul3A_212, %dma_wait3A] : memref<5008x128xf32, #tpu.memory_space<vmem_shared>> -> memref<312x128xf32, #tpu.memory_space<vmem_shared>>
        %dma_wait3A_386 = arith.constant 0 : i32
        %dma_wait3A_387 = tpu.memref_slice %arg4[%mul3A_212, %dma_wait3A_386] : memref<5008x128xf32, #tpu.memory_space<hbm>> -> memref<312x128xf32, #tpu.memory_space<hbm>>
        tpu.wait_dma2 semaphore(%run_scoped3A : memref<!tpu.dma_semaphore, #tpu.memory_space<semaphore_mem>>) src(%dma_wait3A_387 : memref<312x128xf32, #tpu.memory_space<hbm>>) dst(%dma_wait3A_385 : memref<312x128xf32, #tpu.memory_space<vmem_shared>>)
        tpu.yield
      }) : () -> ()
    } else {
    }
    %barrier3A_223 = arith.constant 0 : index
    tpu.barrier barrier_id(%barrier3A_223)
    %gt3A_224 = arith.constant 0 : i32
    %gt3A_225 = arith.cmpi sgt, %max3A_55, %gt3A_224 : i32
    %convert_element_type3A_226 = arith.extui %gt3A_225 : i1 to i32
    %cond3A_227 = arith.constant 0 : i32
    %cond3A_228 = arith.cmpi ne, %convert_element_type3A_226, %cond3A_227 : i32
    scf.if %cond3A_228 {
      %add3A_382 = arith.addi %select_n3A, %arg1 : i32
      %add3A_383 = arith.constant 0 : i32
      %add3A_384 = arith.addi %add3A_382, %add3A_383 : i32
      %mul3A_385 = arith.constant 128 : i32
      %mul3A_386 = arith.muli %add3A_384, %mul3A_385 : i32
      %dma_start3A = tpu.memref_slice %arg2[%mul3A_386] : memref<320000xi32, #tpu.memory_space<hbm>> -> memref<128xi32, #tpu.memory_space<hbm>>
      %dma_start3A_387 = tpu.memref_slice %arg2[%mul3A_386] : memref<320000xi32, #tpu.memory_space<hbm>> -> memref<128xi32, #tpu.memory_space<hbm>>
      tpu.enqueue_dma source(%dma_start3A_387 : memref<128xi32, #tpu.memory_space<hbm>>) target(%arg7 : memref<128xi32, #tpu.memory_space<vmem>>) target_semaphore(%arg14 : memref<!tpu.dma_semaphore, #tpu.memory_space<semaphore_mem>>)
    } else {
    }
    %add3A_229 = arith.constant 1 : i32
    %add3A_230 = arith.addi %max3A_55, %add3A_229 : i32
    %jit3A_231 = arith.constant 2 : i32
    %div3A_232 = arith.divsi %add3A_230, %jit3A_231 : i32
    %sign3A_233 = arith.constant 0 : i32
    %sign3A_234 = arith.cmpi sgt, %add3A_230, %sign3A_233 : i32
    %sign3A_235 = arith.extui %sign3A_234 : i1 to i32
    %sign3A_236 = arith.constant 0 : i32
    %sign3A_237 = arith.cmpi slt, %add3A_230, %sign3A_236 : i32
    %sign3A_238 = arith.extui %sign3A_237 : i1 to i32
    %sign3A_239 = arith.subi %sign3A_235, %sign3A_238 : i32
    %sign3A_240 = arith.constant 0 : i32
    %sign3A_241 = arith.cmpi sgt, %jit3A_231, %sign3A_240 : i32
    %sign3A_242 = arith.extui %sign3A_241 : i1 to i32
    %sign3A_243 = arith.constant 0 : i32
    %sign3A_244 = arith.cmpi slt, %jit3A_231, %sign3A_243 : i32
    %sign3A_245 = arith.extui %sign3A_244 : i1 to i32
    %sign3A_246 = arith.subi %sign3A_242, %sign3A_245 : i32
    %ne3A_247 = arith.cmpi ne, %sign3A_239, %sign3A_246 : i32
    %rem3A_248 = arith.remsi %add3A_230, %jit3A_231 : i32
    %ne3A_249 = arith.constant 0 : i32
    %ne3A_250 = arith.cmpi ne, %rem3A_248, %ne3A_249 : i32
    %and3A_251 = arith.andi %ne3A_247, %ne3A_250 : i1
    %sub3A_252 = arith.constant 1 : i32
    %sub3A_253 = arith.subi %div3A_232, %sub3A_252 : i32
    %select_n3A_254 = arith.select %and3A_251, %sub3A_253, %div3A_232 : i32
    %while3A_255 = arith.constant 0 : i32
    %while3A_256 = arith.constant 0 : i32
    %while3A_257 = arith.subi %select_n3A_254, %while3A_256 : i32
    %while3A_258 = arith.addi %while3A_256, %while3A_257 : i32
    %while3A_259 = arith.constant 1 : i32
    %while3A_260 = arith.divsi %while3A_257, %while3A_259 : i32
    %while3A_261 = arith.muli %while3A_260, %while3A_259 : i32
    %while3A_262 = arith.addi %while3A_256, %while3A_261 : i32
    %while3A_263 = arith.constant 1 : i32
    scf.for %while3A_382 = %while3A_256 to %while3A_262 step %while3A_263  : i32 {
      %mul3A_383 = arith.constant 2 : i32
      %mul3A_384 = arith.muli %mul3A_383, %while3A_382 : i32
      %add3A_385 = arith.constant 0 : i32
      %add3A_386 = arith.addi %mul3A_384, %add3A_385 : i32
      %lt3A_387 = arith.cmpi slt, %add3A_386, %max3A_55 : i32
      %convert_element_type3A_388 = arith.extui %lt3A_387 : i1 to i32
      %cond3A_389 = arith.constant 0 : i32
      %cond3A_390 = arith.cmpi ne, %convert_element_type3A_388, %cond3A_389 : i32
      scf.if %cond3A_390 {
        %dma_wait3A = arith.constant 0 : i32
        %dma_wait3A_399 = tpu.memref_slice %arg2[%dma_wait3A] : memref<320000xi32, #tpu.memory_space<hbm>> -> memref<128xi32, #tpu.memory_space<hbm>>
        %dma_wait3A_400 = arith.constant 0 : i32
        %dma_wait3A_401 = tpu.memref_slice %arg2[%dma_wait3A_400] : memref<320000xi32, #tpu.memory_space<hbm>> -> memref<128xi32, #tpu.memory_space<hbm>>
        tpu.wait_dma2 semaphore(%arg14 : memref<!tpu.dma_semaphore, #tpu.memory_space<semaphore_mem>>) src(%dma_wait3A_401 : memref<128xi32, #tpu.memory_space<hbm>>) dst(%arg7 : memref<128xi32, #tpu.memory_space<vmem>>)
        %eq3A_402 = arith.constant 0 : i32
        %eq3A_403 = arith.cmpi eq, %arg0, %eq3A_402 : i32
        %convert_element_type3A_404 = arith.extui %eq3A_403 : i1 to i32
        %cond3A_405 = arith.constant 0 : i32
        %cond3A_406 = arith.cmpi ne, %convert_element_type3A_404, %cond3A_405 : i32
        scf.if %cond3A_406 {
          %get3A = arith.constant 0 : index
          %get3A_429 = tpu.vector_load %arg7[%get3A] {strides = array<i32>} : memref<128xi32, #tpu.memory_space<vmem>>, vector<16xi32>,
          %get3A_430 = vector.shape_cast %get3A_429 : vector<16xi32> to vector<16xi32>
          %min3A = arith.constant 5000 : i32
          %min3A_431 = vector.broadcast %min3A : i32 to vector<16xi32>
          %min3A_432 = arith.minsi %get3A_430, %min3A_431 : vector<16xi32>
          %swap3A = arith.constant 0 : index
          %swap3A_433 = tpu.vector_load %arg7[%swap3A] {strides = array<i32>} : memref<128xi32, #tpu.memory_space<vmem>>, vector<16xi32>,
          %swap3A_434 = vector.shape_cast %swap3A_433 : vector<16xi32> to vector<16xi32>
          %swap3A_435 = vector.shape_cast %min3A_432 : vector<16xi32> to vector<16xi32>
          tpu.vector_store %arg7[%swap3A], %swap3A_435 {strides = array<i32>} : memref<128xi32, #tpu.memory_space<vmem>>, vector<16xi32>,
          %get3A_436 = arith.constant 16 : index
          %get3A_437 = tpu.vector_load %arg7[%get3A_436] {strides = array<i32>} : memref<128xi32, #tpu.memory_space<vmem>>, vector<16xi32>,
          %get3A_438 = vector.shape_cast %get3A_437 : vector<16xi32> to vector<16xi32>
          %min3A_439 = arith.constant 5000 : i32
          %min3A_440 = vector.broadcast %min3A_439 : i32 to vector<16xi32>
          %min3A_441 = arith.minsi %get3A_438, %min3A_440 : vector<16xi32>
          %swap3A_442 = arith.constant 16 : index
          %swap3A_443 = tpu.vector_load %arg7[%swap3A_442] {strides = array<i32>} : memref<128xi32, #tpu.memory_space<vmem>>, vector<16xi32>,
          %swap3A_444 = vector.shape_cast %swap3A_443 : vector<16xi32> to vector<16xi32>
          %swap3A_445 = vector.shape_cast %min3A_441 : vector<16xi32> to vector<16xi32>
          tpu.vector_store %arg7[%swap3A_442], %swap3A_445 {strides = array<i32>} : memref<128xi32, #tpu.memory_space<vmem>>, vector<16xi32>,
          %get3A_446 = arith.constant 32 : index
          %get3A_447 = tpu.vector_load %arg7[%get3A_446] {strides = array<i32>} : memref<128xi32, #tpu.memory_space<vmem>>, vector<16xi32>,
          %get3A_448 = vector.shape_cast %get3A_447 : vector<16xi32> to vector<16xi32>
          %min3A_449 = arith.constant 5000 : i32
          %min3A_450 = vector.broadcast %min3A_449 : i32 to vector<16xi32>
          %min3A_451 = arith.minsi %get3A_448, %min3A_450 : vector<16xi32>
          %swap3A_452 = arith.constant 32 : index
          %swap3A_453 = tpu.vector_load %arg7[%swap3A_452] {strides = array<i32>} : memref<128xi32, #tpu.memory_space<vmem>>, vector<16xi32>,
          %swap3A_454 = vector.shape_cast %swap3A_453 : vector<16xi32> to vector<16xi32>
          %swap3A_455 = vector.shape_cast %min3A_451 : vector<16xi32> to vector<16xi32>
          tpu.vector_store %arg7[%swap3A_452], %swap3A_455 {strides = array<i32>} : memref<128xi32, #tpu.memory_space<vmem>>, vector<16xi32>,
          %get3A_456 = arith.constant 48 : index
          %get3A_457 = tpu.vector_load %arg7[%get3A_456] {strides = array<i32>} : memref<128xi32, #tpu.memory_space<vmem>>, vector<16xi32>,
          %get3A_458 = vector.shape_cast %get3A_457 : vector<16xi32> to vector<16xi32>
          %min3A_459 = arith.constant 5000 : i32
          %min3A_460 = vector.broadcast %min3A_459 : i32 to vector<16xi32>
          %min3A_461 = arith.minsi %get3A_458, %min3A_460 : vector<16xi32>
          %swap3A_462 = arith.constant 48 : index
          %swap3A_463 = tpu.vector_load %arg7[%swap3A_462] {strides = array<i32>} : memref<128xi32, #tpu.memory_space<vmem>>, vector<16xi32>,
          %swap3A_464 = vector.shape_cast %swap3A_463 : vector<16xi32> to vector<16xi32>
          %swap3A_465 = vector.shape_cast %min3A_461 : vector<16xi32> to vector<16xi32>
          tpu.vector_store %arg7[%swap3A_462], %swap3A_465 {strides = array<i32>} : memref<128xi32, #tpu.memory_space<vmem>>, vector<16xi32>,
          %get3A_466 = arith.constant 64 : index
          %get3A_467 = tpu.vector_load %arg7[%get3A_466] {strides = array<i32>} : memref<128xi32, #tpu.memory_space<vmem>>, vector<16xi32>,
          %get3A_468 = vector.shape_cast %get3A_467 : vector<16xi32> to vector<16xi32>
          %min3A_469 = arith.constant 5000 : i32
          %min3A_470 = vector.broadcast %min3A_469 : i32 to vector<16xi32>
          %min3A_471 = arith.minsi %get3A_468, %min3A_470 : vector<16xi32>
          %swap3A_472 = arith.constant 64 : index
          %swap3A_473 = tpu.vector_load %arg7[%swap3A_472] {strides = array<i32>} : memref<128xi32, #tpu.memory_space<vmem>>, vector<16xi32>,
          %swap3A_474 = vector.shape_cast %swap3A_473 : vector<16xi32> to vector<16xi32>
          %swap3A_475 = vector.shape_cast %min3A_471 : vector<16xi32> to vector<16xi32>
          tpu.vector_store %arg7[%swap3A_472], %swap3A_475 {strides = array<i32>} : memref<128xi32, #tpu.memory_space<vmem>>, vector<16xi32>,
          %get3A_476 = arith.constant 80 : index
          %get3A_477 = tpu.vector_load %arg7[%get3A_476] {strides = array<i32>} : memref<128xi32, #tpu.memory_space<vmem>>, vector<16xi32>,
          %get3A_478 = vector.shape_cast %get3A_477 : vector<16xi32> to vector<16xi32>
          %min3A_479 = arith.constant 5000 : i32
          %min3A_480 = vector.broadcast %min3A_479 : i32 to vector<16xi32>
          %min3A_481 = arith.minsi %get3A_478, %min3A_480 : vector<16xi32>
          %swap3A_482 = arith.constant 80 : index
          %swap3A_483 = tpu.vector_load %arg7[%swap3A_482] {strides = array<i32>} : memref<128xi32, #tpu.memory_space<vmem>>, vector<16xi32>,
          %swap3A_484 = vector.shape_cast %swap3A_483 : vector<16xi32> to vector<16xi32>
          %swap3A_485 = vector.shape_cast %min3A_481 : vector<16xi32> to vector<16xi32>
          tpu.vector_store %arg7[%swap3A_482], %swap3A_485 {strides = array<i32>} : memref<128xi32, #tpu.memory_space<vmem>>, vector<16xi32>,
          %get3A_486 = arith.constant 96 : index
          %get3A_487 = tpu.vector_load %arg7[%get3A_486] {strides = array<i32>} : memref<128xi32, #tpu.memory_space<vmem>>, vector<16xi32>,
          %get3A_488 = vector.shape_cast %get3A_487 : vector<16xi32> to vector<16xi32>
          %min3A_489 = arith.constant 5000 : i32
          %min3A_490 = vector.broadcast %min3A_489 : i32 to vector<16xi32>
          %min3A_491 = arith.minsi %get3A_488, %min3A_490 : vector<16xi32>
          %swap3A_492 = arith.constant 96 : index
          %swap3A_493 = tpu.vector_load %arg7[%swap3A_492] {strides = array<i32>} : memref<128xi32, #tpu.memory_space<vmem>>, vector<16xi32>,
          %swap3A_494 = vector.shape_cast %swap3A_493 : vector<16xi32> to vector<16xi32>
          %swap3A_495 = vector.shape_cast %min3A_491 : vector<16xi32> to vector<16xi32>
          tpu.vector_store %arg7[%swap3A_492], %swap3A_495 {strides = array<i32>} : memref<128xi32, #tpu.memory_space<vmem>>, vector<16xi32>,
          %get3A_496 = arith.constant 112 : index
          %get3A_497 = tpu.vector_load %arg7[%get3A_496] {strides = array<i32>} : memref<128xi32, #tpu.memory_space<vmem>>, vector<16xi32>,
          %get3A_498 = vector.shape_cast %get3A_497 : vector<16xi32> to vector<16xi32>
          %min3A_499 = arith.constant 5000 : i32
          %min3A_500 = vector.broadcast %min3A_499 : i32 to vector<16xi32>
          %min3A_501 = arith.minsi %get3A_498, %min3A_500 : vector<16xi32>
          %swap3A_502 = arith.constant 112 : index
          %swap3A_503 = tpu.vector_load %arg7[%swap3A_502] {strides = array<i32>} : memref<128xi32, #tpu.memory_space<vmem>>, vector<16xi32>,
          %swap3A_504 = vector.shape_cast %swap3A_503 : vector<16xi32> to vector<16xi32>
          %swap3A_505 = vector.shape_cast %min3A_501 : vector<16xi32> to vector<16xi32>
          tpu.vector_store %arg7[%swap3A_502], %swap3A_505 {strides = array<i32>} : memref<128xi32, #tpu.memory_space<vmem>>, vector<16xi32>,
        } else {
        }
        %ne3A_407 = arith.constant 0 : i32
        %ne3A_408 = arith.cmpi ne, %arg0, %ne3A_407 : i32
        %convert_element_type3A_409 = arith.extui %ne3A_408 : i1 to i32
        %cond3A_410 = arith.constant 0 : i32
        %cond3A_411 = arith.cmpi ne, %convert_element_type3A_409, %cond3A_410 : i32
        scf.if %cond3A_411 {
          %get3A = arith.constant 0 : index
          %get3A_429 = tpu.vector_load %arg7[%get3A] {strides = array<i32>} : memref<128xi32, #tpu.memory_space<vmem>>, vector<16xi32>,
          %get3A_430 = vector.shape_cast %get3A_429 : vector<16xi32> to vector<16xi32>
          %ge3A_431 = arith.constant 5000 : i32
          %ge3A_432 = vector.broadcast %ge3A_431 : i32 to vector<16xi32>
          %ge3A_433 = arith.cmpi sge, %get3A_430, %ge3A_432 : vector<16xi32>
          %sub3A_434 = arith.constant 5000 : i32
          %sub3A_435 = vector.broadcast %sub3A_434 : i32 to vector<16xi32>
          %sub3A_436 = arith.subi %get3A_430, %sub3A_435 : vector<16xi32>
          %jit3A_437 = arith.constant 5007 : i32
          %broadcast_in_dim3A_438 = vector.broadcast %jit3A_437 : i32 to vector<16xi32>
          %select_n3A_439 = arith.select %ge3A_433, %sub3A_436, %broadcast_in_dim3A_438 : vector<16xi1>, vector<16xi32>
          %swap3A = arith.constant 0 : index
          %swap3A_440 = tpu.vector_load %arg7[%swap3A] {strides = array<i32>} : memref<128xi32, #tpu.memory_space<vmem>>, vector<16xi32>,
          %swap3A_441 = vector.shape_cast %swap3A_440 : vector<16xi32> to vector<16xi32>
          %swap3A_442 = vector.shape_cast %select_n3A_439 : vector<16xi32> to vector<16xi32>
          tpu.vector_store %arg7[%swap3A], %swap3A_442 {strides = array<i32>} : memref<128xi32, #tpu.memory_space<vmem>>, vector<16xi32>,
          %get3A_443 = arith.constant 16 : index
          %get3A_444 = tpu.vector_load %arg7[%get3A_443] {strides = array<i32>} : memref<128xi32, #tpu.memory_space<vmem>>, vector<16xi32>,
          %get3A_445 = vector.shape_cast %get3A_444 : vector<16xi32> to vector<16xi32>
          %ge3A_446 = arith.constant 5000 : i32
          %ge3A_447 = vector.broadcast %ge3A_446 : i32 to vector<16xi32>
          %ge3A_448 = arith.cmpi sge, %get3A_445, %ge3A_447 : vector<16xi32>
          %sub3A_449 = arith.constant 5000 : i32
          %sub3A_450 = vector.broadcast %sub3A_449 : i32 to vector<16xi32>
          %sub3A_451 = arith.subi %get3A_445, %sub3A_450 : vector<16xi32>
          %jit3A_452 = arith.constant 5007 : i32
          %broadcast_in_dim3A_453 = vector.broadcast %jit3A_452 : i32 to vector<16xi32>
          %select_n3A_454 = arith.select %ge3A_448, %sub3A_451, %broadcast_in_dim3A_453 : vector<16xi1>, vector<16xi32>
          %swap3A_455 = arith.constant 16 : index
          %swap3A_456 = tpu.vector_load %arg7[%swap3A_455] {strides = array<i32>} : memref<128xi32, #tpu.memory_space<vmem>>, vector<16xi32>,
          %swap3A_457 = vector.shape_cast %swap3A_456 : vector<16xi32> to vector<16xi32>
          %swap3A_458 = vector.shape_cast %select_n3A_454 : vector<16xi32> to vector<16xi32>
          tpu.vector_store %arg7[%swap3A_455], %swap3A_458 {strides = array<i32>} : memref<128xi32, #tpu.memory_space<vmem>>, vector<16xi32>,
          %get3A_459 = arith.constant 32 : index
          %get3A_460 = tpu.vector_load %arg7[%get3A_459] {strides = array<i32>} : memref<128xi32, #tpu.memory_space<vmem>>, vector<16xi32>,
          %get3A_461 = vector.shape_cast %get3A_460 : vector<16xi32> to vector<16xi32>
          %ge3A_462 = arith.constant 5000 : i32
          %ge3A_463 = vector.broadcast %ge3A_462 : i32 to vector<16xi32>
          %ge3A_464 = arith.cmpi sge, %get3A_461, %ge3A_463 : vector<16xi32>
          %sub3A_465 = arith.constant 5000 : i32
          %sub3A_466 = vector.broadcast %sub3A_465 : i32 to vector<16xi32>
          %sub3A_467 = arith.subi %get3A_461, %sub3A_466 : vector<16xi32>
          %jit3A_468 = arith.constant 5007 : i32
          %broadcast_in_dim3A_469 = vector.broadcast %jit3A_468 : i32 to vector<16xi32>
          %select_n3A_470 = arith.select %ge3A_464, %sub3A_467, %broadcast_in_dim3A_469 : vector<16xi1>, vector<16xi32>
          %swap3A_471 = arith.constant 32 : index
          %swap3A_472 = tpu.vector_load %arg7[%swap3A_471] {strides = array<i32>} : memref<128xi32, #tpu.memory_space<vmem>>, vector<16xi32>,
          %swap3A_473 = vector.shape_cast %swap3A_472 : vector<16xi32> to vector<16xi32>
          %swap3A_474 = vector.shape_cast %select_n3A_470 : vector<16xi32> to vector<16xi32>
          tpu.vector_store %arg7[%swap3A_471], %swap3A_474 {strides = array<i32>} : memref<128xi32, #tpu.memory_space<vmem>>, vector<16xi32>,
          %get3A_475 = arith.constant 48 : index
          %get3A_476 = tpu.vector_load %arg7[%get3A_475] {strides = array<i32>} : memref<128xi32, #tpu.memory_space<vmem>>, vector<16xi32>,
          %get3A_477 = vector.shape_cast %get3A_476 : vector<16xi32> to vector<16xi32>
          %ge3A_478 = arith.constant 5000 : i32
          %ge3A_479 = vector.broadcast %ge3A_478 : i32 to vector<16xi32>
          %ge3A_480 = arith.cmpi sge, %get3A_477, %ge3A_479 : vector<16xi32>
          %sub3A_481 = arith.constant 5000 : i32
          %sub3A_482 = vector.broadcast %sub3A_481 : i32 to vector<16xi32>
          %sub3A_483 = arith.subi %get3A_477, %sub3A_482 : vector<16xi32>
          %jit3A_484 = arith.constant 5007 : i32
          %broadcast_in_dim3A_485 = vector.broadcast %jit3A_484 : i32 to vector<16xi32>
          %select_n3A_486 = arith.select %ge3A_480, %sub3A_483, %broadcast_in_dim3A_485 : vector<16xi1>, vector<16xi32>
          %swap3A_487 = arith.constant 48 : index
          %swap3A_488 = tpu.vector_load %arg7[%swap3A_487] {strides = array<i32>} : memref<128xi32, #tpu.memory_space<vmem>>, vector<16xi32>,
          %swap3A_489 = vector.shape_cast %swap3A_488 : vector<16xi32> to vector<16xi32>
          %swap3A_490 = vector.shape_cast %select_n3A_486 : vector<16xi32> to vector<16xi32>
          tpu.vector_store %arg7[%swap3A_487], %swap3A_490 {strides = array<i32>} : memref<128xi32, #tpu.memory_space<vmem>>, vector<16xi32>,
          %get3A_491 = arith.constant 64 : index
          %get3A_492 = tpu.vector_load %arg7[%get3A_491] {strides = array<i32>} : memref<128xi32, #tpu.memory_space<vmem>>, vector<16xi32>,
          %get3A_493 = vector.shape_cast %get3A_492 : vector<16xi32> to vector<16xi32>
          %ge3A_494 = arith.constant 5000 : i32
          %ge3A_495 = vector.broadcast %ge3A_494 : i32 to vector<16xi32>
          %ge3A_496 = arith.cmpi sge, %get3A_493, %ge3A_495 : vector<16xi32>
          %sub3A_497 = arith.constant 5000 : i32
          %sub3A_498 = vector.broadcast %sub3A_497 : i32 to vector<16xi32>
          %sub3A_499 = arith.subi %get3A_493, %sub3A_498 : vector<16xi32>
          %jit3A_500 = arith.constant 5007 : i32
          %broadcast_in_dim3A_501 = vector.broadcast %jit3A_500 : i32 to vector<16xi32>
          %select_n3A_502 = arith.select %ge3A_496, %sub3A_499, %broadcast_in_dim3A_501 : vector<16xi1>, vector<16xi32>
          %swap3A_503 = arith.constant 64 : index
          %swap3A_504 = tpu.vector_load %arg7[%swap3A_503] {strides = array<i32>} : memref<128xi32, #tpu.memory_space<vmem>>, vector<16xi32>,
          %swap3A_505 = vector.shape_cast %swap3A_504 : vector<16xi32> to vector<16xi32>
          %swap3A_506 = vector.shape_cast %select_n3A_502 : vector<16xi32> to vector<16xi32>
          tpu.vector_store %arg7[%swap3A_503], %swap3A_506 {strides = array<i32>} : memref<128xi32, #tpu.memory_space<vmem>>, vector<16xi32>,
          %get3A_507 = arith.constant 80 : index
          %get3A_508 = tpu.vector_load %arg7[%get3A_507] {strides = array<i32>} : memref<128xi32, #tpu.memory_space<vmem>>, vector<16xi32>,
          %get3A_509 = vector.shape_cast %get3A_508 : vector<16xi32> to vector<16xi32>
          %ge3A_510 = arith.constant 5000 : i32
          %ge3A_511 = vector.broadcast %ge3A_510 : i32 to vector<16xi32>
          %ge3A_512 = arith.cmpi sge, %get3A_509, %ge3A_511 : vector<16xi32>
          %sub3A_513 = arith.constant 5000 : i32
          %sub3A_514 = vector.broadcast %sub3A_513 : i32 to vector<16xi32>
          %sub3A_515 = arith.subi %get3A_509, %sub3A_514 : vector<16xi32>
          %jit3A_516 = arith.constant 5007 : i32
          %broadcast_in_dim3A_517 = vector.broadcast %jit3A_516 : i32 to vector<16xi32>
          %select_n3A_518 = arith.select %ge3A_512, %sub3A_515, %broadcast_in_dim3A_517 : vector<16xi1>, vector<16xi32>
          %swap3A_519 = arith.constant 80 : index
          %swap3A_520 = tpu.vector_load %arg7[%swap3A_519] {strides = array<i32>} : memref<128xi32, #tpu.memory_space<vmem>>, vector<16xi32>,
          %swap3A_521 = vector.shape_cast %swap3A_520 : vector<16xi32> to vector<16xi32>
          %swap3A_522 = vector.shape_cast %select_n3A_518 : vector<16xi32> to vector<16xi32>
          tpu.vector_store %arg7[%swap3A_519], %swap3A_522 {strides = array<i32>} : memref<128xi32, #tpu.memory_space<vmem>>, vector<16xi32>,
          %get3A_523 = arith.constant 96 : index
          %get3A_524 = tpu.vector_load %arg7[%get3A_523] {strides = array<i32>} : memref<128xi32, #tpu.memory_space<vmem>>, vector<16xi32>,
          %get3A_525 = vector.shape_cast %get3A_524 : vector<16xi32> to vector<16xi32>
          %ge3A_526 = arith.constant 5000 : i32
          %ge3A_527 = vector.broadcast %ge3A_526 : i32 to vector<16xi32>
          %ge3A_528 = arith.cmpi sge, %get3A_525, %ge3A_527 : vector<16xi32>
          %sub3A_529 = arith.constant 5000 : i32
          %sub3A_530 = vector.broadcast %sub3A_529 : i32 to vector<16xi32>
          %sub3A_531 = arith.subi %get3A_525, %sub3A_530 : vector<16xi32>
          %jit3A_532 = arith.constant 5007 : i32
          %broadcast_in_dim3A_533 = vector.broadcast %jit3A_532 : i32 to vector<16xi32>
          %select_n3A_534 = arith.select %ge3A_528, %sub3A_531, %broadcast_in_dim3A_533 : vector<16xi1>, vector<16xi32>
          %swap3A_535 = arith.constant 96 : index
          %swap3A_536 = tpu.vector_load %arg7[%swap3A_535] {strides = array<i32>} : memref<128xi32, #tpu.memory_space<vmem>>, vector<16xi32>,
          %swap3A_537 = vector.shape_cast %swap3A_536 : vector<16xi32> to vector<16xi32>
          %swap3A_538 = vector.shape_cast %select_n3A_534 : vector<16xi32> to vector<16xi32>
          tpu.vector_store %arg7[%swap3A_535], %swap3A_538 {strides = array<i32>} : memref<128xi32, #tpu.memory_space<vmem>>, vector<16xi32>,
          %get3A_539 = arith.constant 112 : index
          %get3A_540 = tpu.vector_load %arg7[%get3A_539] {strides = array<i32>} : memref<128xi32, #tpu.memory_space<vmem>>, vector<16xi32>,
          %get3A_541 = vector.shape_cast %get3A_540 : vector<16xi32> to vector<16xi32>
          %ge3A_542 = arith.constant 5000 : i32
          %ge3A_543 = vector.broadcast %ge3A_542 : i32 to vector<16xi32>
          %ge3A_544 = arith.cmpi sge, %get3A_541, %ge3A_543 : vector<16xi32>
          %sub3A_545 = arith.constant 5000 : i32
          %sub3A_546 = vector.broadcast %sub3A_545 : i32 to vector<16xi32>
          %sub3A_547 = arith.subi %get3A_541, %sub3A_546 : vector<16xi32>
          %jit3A_548 = arith.constant 5007 : i32
          %broadcast_in_dim3A_549 = vector.broadcast %jit3A_548 : i32 to vector<16xi32>
          %select_n3A_550 = arith.select %ge3A_544, %sub3A_547, %broadcast_in_dim3A_549 : vector<16xi1>, vector<16xi32>
          %swap3A_551 = arith.constant 112 : index
          %swap3A_552 = tpu.vector_load %arg7[%swap3A_551] {strides = array<i32>} : memref<128xi32, #tpu.memory_space<vmem>>, vector<16xi32>,
          %swap3A_553 = vector.shape_cast %swap3A_552 : vector<16xi32> to vector<16xi32>
          %swap3A_554 = vector.shape_cast %select_n3A_550 : vector<16xi32> to vector<16xi32>
          tpu.vector_store %arg7[%swap3A_551], %swap3A_554 {strides = array<i32>} : memref<128xi32, #tpu.memory_space<vmem>>, vector<16xi32>,
        } else {
        }
        %add3A_412 = arith.constant 1 : i32
        %add3A_413 = arith.addi %add3A_386, %add3A_412 : i32
        %lt3A_414 = arith.cmpi slt, %add3A_413, %max3A_55 : i32
        %ge3A_415 = arith.constant 1 : i32
        %ge3A_416 = arith.cmpi sge, %add3A_386, %ge3A_415 : i32
        %and3A_417 = arith.andi %lt3A_414, %ge3A_416 : i1
        %convert_element_type3A_418 = arith.extui %and3A_417 : i1 to i32
        %cond3A_419 = arith.constant 0 : i32
        %cond3A_420 = arith.cmpi ne, %convert_element_type3A_418, %cond3A_419 : i32
        scf.if %cond3A_420 {
          %dma_wait3A_429 = arith.constant 0 : i32
          %dma_wait3A_430 = arith.constant 0 : i32
          %dma_wait3A_431 = tpu.memref_slice %arg3[%dma_wait3A_429, %dma_wait3A_430] : memref<320000x128xf32, #tpu.memory_space<hbm>> -> memref<128x128xf32, #tpu.memory_space<hbm>>
          %dma_wait3A_432 = arith.constant 0 : i32
          %dma_wait3A_433 = arith.constant 0 : i32
          %dma_wait3A_434 = tpu.memref_slice %arg3[%dma_wait3A_432, %dma_wait3A_433] : memref<320000x128xf32, #tpu.memory_space<hbm>> -> memref<128x128xf32, #tpu.memory_space<hbm>>
          tpu.wait_dma2 semaphore(%arg19 : memref<!tpu.dma_semaphore, #tpu.memory_space<semaphore_mem>>) src(%dma_wait3A_434 : memref<128x128xf32, #tpu.memory_space<hbm>>) dst(%arg10 : memref<128x128xf32, #tpu.memory_space<vmem>>)
        } else {
        }
        %add3A_421 = arith.constant 1 : i32
        %add3A_422 = arith.addi %add3A_386, %add3A_421 : i32
        %lt3A_423 = arith.cmpi slt, %add3A_422, %max3A_55 : i32
        %convert_element_type3A_424 = arith.extui %lt3A_423 : i1 to i32
        %cond3A_425 = arith.constant 0 : i32
        %cond3A_426 = arith.cmpi ne, %convert_element_type3A_424, %cond3A_425 : i32
        scf.if %cond3A_426 {
          %add3A_429 = arith.constant 1 : i32
          %add3A_430 = arith.addi %add3A_386, %add3A_429 : i32
          %add3A_431 = arith.addi %select_n3A, %arg1 : i32
          %mul3A_432 = arith.constant 16 : i32
          %mul3A_433 = arith.muli %mul3A_432, %add3A_430 : i32
          %add3A_434 = arith.addi %add3A_431, %mul3A_433 : i32
          %mul3A_435 = arith.constant 128 : i32
          %mul3A_436 = arith.muli %add3A_434, %mul3A_435 : i32
          %dma_start3A_437 = tpu.memref_slice %arg2[%mul3A_436] : memref<320000xi32, #tpu.memory_space<hbm>> -> memref<128xi32, #tpu.memory_space<hbm>>
          %dma_start3A_438 = tpu.memref_slice %arg2[%mul3A_436] : memref<320000xi32, #tpu.memory_space<hbm>> -> memref<128xi32, #tpu.memory_space<hbm>>
          tpu.enqueue_dma source(%dma_start3A_438 : memref<128xi32, #tpu.memory_space<hbm>>) target(%arg8 : memref<128xi32, #tpu.memory_space<vmem>>) target_semaphore(%arg15 : memref<!tpu.dma_semaphore, #tpu.memory_space<semaphore_mem>>)
        } else {
        }
        %dma_start3A = arith.constant 0 : i32
        %dma_start3A_427 = arith.constant 0 : i32
        %dma_start3A_428 = tpu.memref_slice %arg13[%dma_start3A, %dma_start3A_427] : memref<5008x128xf32, #tpu.memory_space<vmem_shared>> -> memref<5008x128xf32, #tpu.memory_space<vmem_shared>>
        tpu.enqueue_indirect_dma source(%arg11 : memref<128x128xf32, #tpu.memory_space<vmem>>) target(%dma_start3A_428 : memref<5008x128xf32, #tpu.memory_space<vmem_shared>>) offsets(%arg7 : memref<128xi32, #tpu.memory_space<vmem>>) semaphore(%arg18 : memref<!tpu.dma_semaphore, #tpu.memory_space<semaphore_mem>>) {add = true}
      } else {
      }
      %mul3A_391 = arith.constant 2 : i32
      %mul3A_392 = arith.muli %mul3A_391, %while3A_382 : i32
      %add3A_393 = arith.constant 1 : i32
      %add3A_394 = arith.addi %mul3A_392, %add3A_393 : i32
      %lt3A_395 = arith.cmpi slt, %add3A_394, %max3A_55 : i32
      %convert_element_type3A_396 = arith.extui %lt3A_395 : i1 to i32
      %cond3A_397 = arith.constant 0 : i32
      %cond3A_398 = arith.cmpi ne, %convert_element_type3A_396, %cond3A_397 : i32
      scf.if %cond3A_398 {
        %dma_wait3A = arith.constant 0 : i32
        %dma_wait3A_399 = tpu.memref_slice %arg2[%dma_wait3A] : memref<320000xi32, #tpu.memory_space<hbm>> -> memref<128xi32, #tpu.memory_space<hbm>>
        %dma_wait3A_400 = arith.constant 0 : i32
        %dma_wait3A_401 = tpu.memref_slice %arg2[%dma_wait3A_400] : memref<320000xi32, #tpu.memory_space<hbm>> -> memref<128xi32, #tpu.memory_space<hbm>>
        tpu.wait_dma2 semaphore(%arg15 : memref<!tpu.dma_semaphore, #tpu.memory_space<semaphore_mem>>) src(%dma_wait3A_401 : memref<128xi32, #tpu.memory_space<hbm>>) dst(%arg8 : memref<128xi32, #tpu.memory_space<vmem>>)
        %eq3A_402 = arith.constant 0 : i32
        %eq3A_403 = arith.cmpi eq, %arg0, %eq3A_402 : i32
        %convert_element_type3A_404 = arith.extui %eq3A_403 : i1 to i32
        %cond3A_405 = arith.constant 0 : i32
        %cond3A_406 = arith.cmpi ne, %convert_element_type3A_404, %cond3A_405 : i32
        scf.if %cond3A_406 {
          %get3A = arith.constant 0 : index
          %get3A_429 = tpu.vector_load %arg8[%get3A] {strides = array<i32>} : memref<128xi32, #tpu.memory_space<vmem>>, vector<16xi32>,
          %get3A_430 = vector.shape_cast %get3A_429 : vector<16xi32> to vector<16xi32>
          %min3A = arith.constant 5000 : i32
          %min3A_431 = vector.broadcast %min3A : i32 to vector<16xi32>
          %min3A_432 = arith.minsi %get3A_430, %min3A_431 : vector<16xi32>
          %swap3A = arith.constant 0 : index
          %swap3A_433 = tpu.vector_load %arg8[%swap3A] {strides = array<i32>} : memref<128xi32, #tpu.memory_space<vmem>>, vector<16xi32>,
          %swap3A_434 = vector.shape_cast %swap3A_433 : vector<16xi32> to vector<16xi32>
          %swap3A_435 = vector.shape_cast %min3A_432 : vector<16xi32> to vector<16xi32>
          tpu.vector_store %arg8[%swap3A], %swap3A_435 {strides = array<i32>} : memref<128xi32, #tpu.memory_space<vmem>>, vector<16xi32>,
          %get3A_436 = arith.constant 16 : index
          %get3A_437 = tpu.vector_load %arg8[%get3A_436] {strides = array<i32>} : memref<128xi32, #tpu.memory_space<vmem>>, vector<16xi32>,
          %get3A_438 = vector.shape_cast %get3A_437 : vector<16xi32> to vector<16xi32>
          %min3A_439 = arith.constant 5000 : i32
          %min3A_440 = vector.broadcast %min3A_439 : i32 to vector<16xi32>
          %min3A_441 = arith.minsi %get3A_438, %min3A_440 : vector<16xi32>
          %swap3A_442 = arith.constant 16 : index
          %swap3A_443 = tpu.vector_load %arg8[%swap3A_442] {strides = array<i32>} : memref<128xi32, #tpu.memory_space<vmem>>, vector<16xi32>,
          %swap3A_444 = vector.shape_cast %swap3A_443 : vector<16xi32> to vector<16xi32>
          %swap3A_445 = vector.shape_cast %min3A_441 : vector<16xi32> to vector<16xi32>
          tpu.vector_store %arg8[%swap3A_442], %swap3A_445 {strides = array<i32>} : memref<128xi32, #tpu.memory_space<vmem>>, vector<16xi32>,
          %get3A_446 = arith.constant 32 : index
          %get3A_447 = tpu.vector_load %arg8[%get3A_446] {strides = array<i32>} : memref<128xi32, #tpu.memory_space<vmem>>, vector<16xi32>,
          %get3A_448 = vector.shape_cast %get3A_447 : vector<16xi32> to vector<16xi32>
          %min3A_449 = arith.constant 5000 : i32
          %min3A_450 = vector.broadcast %min3A_449 : i32 to vector<16xi32>
          %min3A_451 = arith.minsi %get3A_448, %min3A_450 : vector<16xi32>
          %swap3A_452 = arith.constant 32 : index
          %swap3A_453 = tpu.vector_load %arg8[%swap3A_452] {strides = array<i32>} : memref<128xi32, #tpu.memory_space<vmem>>, vector<16xi32>,
          %swap3A_454 = vector.shape_cast %swap3A_453 : vector<16xi32> to vector<16xi32>
          %swap3A_455 = vector.shape_cast %min3A_451 : vector<16xi32> to vector<16xi32>
          tpu.vector_store %arg8[%swap3A_452], %swap3A_455 {strides = array<i32>} : memref<128xi32, #tpu.memory_space<vmem>>, vector<16xi32>,
          %get3A_456 = arith.constant 48 : index
          %get3A_457 = tpu.vector_load %arg8[%get3A_456] {strides = array<i32>} : memref<128xi32, #tpu.memory_space<vmem>>, vector<16xi32>,
          %get3A_458 = vector.shape_cast %get3A_457 : vector<16xi32> to vector<16xi32>
          %min3A_459 = arith.constant 5000 : i32
          %min3A_460 = vector.broadcast %min3A_459 : i32 to vector<16xi32>
          %min3A_461 = arith.minsi %get3A_458, %min3A_460 : vector<16xi32>
          %swap3A_462 = arith.constant 48 : index
          %swap3A_463 = tpu.vector_load %arg8[%swap3A_462] {strides = array<i32>} : memref<128xi32, #tpu.memory_space<vmem>>, vector<16xi32>,
          %swap3A_464 = vector.shape_cast %swap3A_463 : vector<16xi32> to vector<16xi32>
          %swap3A_465 = vector.shape_cast %min3A_461 : vector<16xi32> to vector<16xi32>
          tpu.vector_store %arg8[%swap3A_462], %swap3A_465 {strides = array<i32>} : memref<128xi32, #tpu.memory_space<vmem>>, vector<16xi32>,
          %get3A_466 = arith.constant 64 : index
          %get3A_467 = tpu.vector_load %arg8[%get3A_466] {strides = array<i32>} : memref<128xi32, #tpu.memory_space<vmem>>, vector<16xi32>,
          %get3A_468 = vector.shape_cast %get3A_467 : vector<16xi32> to vector<16xi32>
          %min3A_469 = arith.constant 5000 : i32
          %min3A_470 = vector.broadcast %min3A_469 : i32 to vector<16xi32>
          %min3A_471 = arith.minsi %get3A_468, %min3A_470 : vector<16xi32>
          %swap3A_472 = arith.constant 64 : index
          %swap3A_473 = tpu.vector_load %arg8[%swap3A_472] {strides = array<i32>} : memref<128xi32, #tpu.memory_space<vmem>>, vector<16xi32>,
          %swap3A_474 = vector.shape_cast %swap3A_473 : vector<16xi32> to vector<16xi32>
          %swap3A_475 = vector.shape_cast %min3A_471 : vector<16xi32> to vector<16xi32>
          tpu.vector_store %arg8[%swap3A_472], %swap3A_475 {strides = array<i32>} : memref<128xi32, #tpu.memory_space<vmem>>, vector<16xi32>,
          %get3A_476 = arith.constant 80 : index
          %get3A_477 = tpu.vector_load %arg8[%get3A_476] {strides = array<i32>} : memref<128xi32, #tpu.memory_space<vmem>>, vector<16xi32>,
          %get3A_478 = vector.shape_cast %get3A_477 : vector<16xi32> to vector<16xi32>
          %min3A_479 = arith.constant 5000 : i32
          %min3A_480 = vector.broadcast %min3A_479 : i32 to vector<16xi32>
          %min3A_481 = arith.minsi %get3A_478, %min3A_480 : vector<16xi32>
          %swap3A_482 = arith.constant 80 : index
          %swap3A_483 = tpu.vector_load %arg8[%swap3A_482] {strides = array<i32>} : memref<128xi32, #tpu.memory_space<vmem>>, vector<16xi32>,
          %swap3A_484 = vector.shape_cast %swap3A_483 : vector<16xi32> to vector<16xi32>
          %swap3A_485 = vector.shape_cast %min3A_481 : vector<16xi32> to vector<16xi32>
          tpu.vector_store %arg8[%swap3A_482], %swap3A_485 {strides = array<i32>} : memref<128xi32, #tpu.memory_space<vmem>>, vector<16xi32>,
          %get3A_486 = arith.constant 96 : index
          %get3A_487 = tpu.vector_load %arg8[%get3A_486] {strides = array<i32>} : memref<128xi32, #tpu.memory_space<vmem>>, vector<16xi32>,
          %get3A_488 = vector.shape_cast %get3A_487 : vector<16xi32> to vector<16xi32>
          %min3A_489 = arith.constant 5000 : i32
          %min3A_490 = vector.broadcast %min3A_489 : i32 to vector<16xi32>
          %min3A_491 = arith.minsi %get3A_488, %min3A_490 : vector<16xi32>
          %swap3A_492 = arith.constant 96 : index
          %swap3A_493 = tpu.vector_load %arg8[%swap3A_492] {strides = array<i32>} : memref<128xi32, #tpu.memory_space<vmem>>, vector<16xi32>,
          %swap3A_494 = vector.shape_cast %swap3A_493 : vector<16xi32> to vector<16xi32>
          %swap3A_495 = vector.shape_cast %min3A_491 : vector<16xi32> to vector<16xi32>
          tpu.vector_store %arg8[%swap3A_492], %swap3A_495 {strides = array<i32>} : memref<128xi32, #tpu.memory_space<vmem>>, vector<16xi32>,
          %get3A_496 = arith.constant 112 : index
          %get3A_497 = tpu.vector_load %arg8[%get3A_496] {strides = array<i32>} : memref<128xi32, #tpu.memory_space<vmem>>, vector<16xi32>,
          %get3A_498 = vector.shape_cast %get3A_497 : vector<16xi32> to vector<16xi32>
          %min3A_499 = arith.constant 5000 : i32
          %min3A_500 = vector.broadcast %min3A_499 : i32 to vector<16xi32>
          %min3A_501 = arith.minsi %get3A_498, %min3A_500 : vector<16xi32>
          %swap3A_502 = arith.constant 112 : index
          %swap3A_503 = tpu.vector_load %arg8[%swap3A_502] {strides = array<i32>} : memref<128xi32, #tpu.memory_space<vmem>>, vector<16xi32>,
          %swap3A_504 = vector.shape_cast %swap3A_503 : vector<16xi32> to vector<16xi32>
          %swap3A_505 = vector.shape_cast %min3A_501 : vector<16xi32> to vector<16xi32>
          tpu.vector_store %arg8[%swap3A_502], %swap3A_505 {strides = array<i32>} : memref<128xi32, #tpu.memory_space<vmem>>, vector<16xi32>,
        } else {
        }
        %ne3A_407 = arith.constant 0 : i32
        %ne3A_408 = arith.cmpi ne, %arg0, %ne3A_407 : i32
        %convert_element_type3A_409 = arith.extui %ne3A_408 : i1 to i32
        %cond3A_410 = arith.constant 0 : i32
        %cond3A_411 = arith.cmpi ne, %convert_element_type3A_409, %cond3A_410 : i32
        scf.if %cond3A_411 {
          %get3A = arith.constant 0 : index
          %get3A_429 = tpu.vector_load %arg8[%get3A] {strides = array<i32>} : memref<128xi32, #tpu.memory_space<vmem>>, vector<16xi32>,
          %get3A_430 = vector.shape_cast %get3A_429 : vector<16xi32> to vector<16xi32>
          %ge3A_431 = arith.constant 5000 : i32
          %ge3A_432 = vector.broadcast %ge3A_431 : i32 to vector<16xi32>
          %ge3A_433 = arith.cmpi sge, %get3A_430, %ge3A_432 : vector<16xi32>
          %sub3A_434 = arith.constant 5000 : i32
          %sub3A_435 = vector.broadcast %sub3A_434 : i32 to vector<16xi32>
          %sub3A_436 = arith.subi %get3A_430, %sub3A_435 : vector<16xi32>
          %jit3A_437 = arith.constant 5007 : i32
          %broadcast_in_dim3A_438 = vector.broadcast %jit3A_437 : i32 to vector<16xi32>
          %select_n3A_439 = arith.select %ge3A_433, %sub3A_436, %broadcast_in_dim3A_438 : vector<16xi1>, vector<16xi32>
          %swap3A = arith.constant 0 : index
          %swap3A_440 = tpu.vector_load %arg8[%swap3A] {strides = array<i32>} : memref<128xi32, #tpu.memory_space<vmem>>, vector<16xi32>,
          %swap3A_441 = vector.shape_cast %swap3A_440 : vector<16xi32> to vector<16xi32>
          %swap3A_442 = vector.shape_cast %select_n3A_439 : vector<16xi32> to vector<16xi32>
          tpu.vector_store %arg8[%swap3A], %swap3A_442 {strides = array<i32>} : memref<128xi32, #tpu.memory_space<vmem>>, vector<16xi32>,
          %get3A_443 = arith.constant 16 : index
          %get3A_444 = tpu.vector_load %arg8[%get3A_443] {strides = array<i32>} : memref<128xi32, #tpu.memory_space<vmem>>, vector<16xi32>,
          %get3A_445 = vector.shape_cast %get3A_444 : vector<16xi32> to vector<16xi32>
          %ge3A_446 = arith.constant 5000 : i32
          %ge3A_447 = vector.broadcast %ge3A_446 : i32 to vector<16xi32>
          %ge3A_448 = arith.cmpi sge, %get3A_445, %ge3A_447 : vector<16xi32>
          %sub3A_449 = arith.constant 5000 : i32
          %sub3A_450 = vector.broadcast %sub3A_449 : i32 to vector<16xi32>
          %sub3A_451 = arith.subi %get3A_445, %sub3A_450 : vector<16xi32>
          %jit3A_452 = arith.constant 5007 : i32
          %broadcast_in_dim3A_453 = vector.broadcast %jit3A_452 : i32 to vector<16xi32>
          %select_n3A_454 = arith.select %ge3A_448, %sub3A_451, %broadcast_in_dim3A_453 : vector<16xi1>, vector<16xi32>
          %swap3A_455 = arith.constant 16 : index
          %swap3A_456 = tpu.vector_load %arg8[%swap3A_455] {strides = array<i32>} : memref<128xi32, #tpu.memory_space<vmem>>, vector<16xi32>,
          %swap3A_457 = vector.shape_cast %swap3A_456 : vector<16xi32> to vector<16xi32>
          %swap3A_458 = vector.shape_cast %select_n3A_454 : vector<16xi32> to vector<16xi32>
          tpu.vector_store %arg8[%swap3A_455], %swap3A_458 {strides = array<i32>} : memref<128xi32, #tpu.memory_space<vmem>>, vector<16xi32>,
          %get3A_459 = arith.constant 32 : index
          %get3A_460 = tpu.vector_load %arg8[%get3A_459] {strides = array<i32>} : memref<128xi32, #tpu.memory_space<vmem>>, vector<16xi32>,
          %get3A_461 = vector.shape_cast %get3A_460 : vector<16xi32> to vector<16xi32>
          %ge3A_462 = arith.constant 5000 : i32
          %ge3A_463 = vector.broadcast %ge3A_462 : i32 to vector<16xi32>
          %ge3A_464 = arith.cmpi sge, %get3A_461, %ge3A_463 : vector<16xi32>
          %sub3A_465 = arith.constant 5000 : i32
          %sub3A_466 = vector.broadcast %sub3A_465 : i32 to vector<16xi32>
          %sub3A_467 = arith.subi %get3A_461, %sub3A_466 : vector<16xi32>
          %jit3A_468 = arith.constant 5007 : i32
          %broadcast_in_dim3A_469 = vector.broadcast %jit3A_468 : i32 to vector<16xi32>
          %select_n3A_470 = arith.select %ge3A_464, %sub3A_467, %broadcast_in_dim3A_469 : vector<16xi1>, vector<16xi32>
          %swap3A_471 = arith.constant 32 : index
          %swap3A_472 = tpu.vector_load %arg8[%swap3A_471] {strides = array<i32>} : memref<128xi32, #tpu.memory_space<vmem>>, vector<16xi32>,
          %swap3A_473 = vector.shape_cast %swap3A_472 : vector<16xi32> to vector<16xi32>
          %swap3A_474 = vector.shape_cast %select_n3A_470 : vector<16xi32> to vector<16xi32>
          tpu.vector_store %arg8[%swap3A_471], %swap3A_474 {strides = array<i32>} : memref<128xi32, #tpu.memory_space<vmem>>, vector<16xi32>,
          %get3A_475 = arith.constant 48 : index
          %get3A_476 = tpu.vector_load %arg8[%get3A_475] {strides = array<i32>} : memref<128xi32, #tpu.memory_space<vmem>>, vector<16xi32>,
          %get3A_477 = vector.shape_cast %get3A_476 : vector<16xi32> to vector<16xi32>
          %ge3A_478 = arith.constant 5000 : i32
          %ge3A_479 = vector.broadcast %ge3A_478 : i32 to vector<16xi32>
          %ge3A_480 = arith.cmpi sge, %get3A_477, %ge3A_479 : vector<16xi32>
          %sub3A_481 = arith.constant 5000 : i32
          %sub3A_482 = vector.broadcast %sub3A_481 : i32 to vector<16xi32>
          %sub3A_483 = arith.subi %get3A_477, %sub3A_482 : vector<16xi32>
          %jit3A_484 = arith.constant 5007 : i32
          %broadcast_in_dim3A_485 = vector.broadcast %jit3A_484 : i32 to vector<16xi32>
          %select_n3A_486 = arith.select %ge3A_480, %sub3A_483, %broadcast_in_dim3A_485 : vector<16xi1>, vector<16xi32>
          %swap3A_487 = arith.constant 48 : index
          %swap3A_488 = tpu.vector_load %arg8[%swap3A_487] {strides = array<i32>} : memref<128xi32, #tpu.memory_space<vmem>>, vector<16xi32>,
          %swap3A_489 = vector.shape_cast %swap3A_488 : vector<16xi32> to vector<16xi32>
          %swap3A_490 = vector.shape_cast %select_n3A_486 : vector<16xi32> to vector<16xi32>
          tpu.vector_store %arg8[%swap3A_487], %swap3A_490 {strides = array<i32>} : memref<128xi32, #tpu.memory_space<vmem>>, vector<16xi32>,
          %get3A_491 = arith.constant 64 : index
          %get3A_492 = tpu.vector_load %arg8[%get3A_491] {strides = array<i32>} : memref<128xi32, #tpu.memory_space<vmem>>, vector<16xi32>,
          %get3A_493 = vector.shape_cast %get3A_492 : vector<16xi32> to vector<16xi32>
          %ge3A_494 = arith.constant 5000 : i32
          %ge3A_495 = vector.broadcast %ge3A_494 : i32 to vector<16xi32>
          %ge3A_496 = arith.cmpi sge, %get3A_493, %ge3A_495 : vector<16xi32>
          %sub3A_497 = arith.constant 5000 : i32
          %sub3A_498 = vector.broadcast %sub3A_497 : i32 to vector<16xi32>
          %sub3A_499 = arith.subi %get3A_493, %sub3A_498 : vector<16xi32>
          %jit3A_500 = arith.constant 5007 : i32
          %broadcast_in_dim3A_501 = vector.broadcast %jit3A_500 : i32 to vector<16xi32>
          %select_n3A_502 = arith.select %ge3A_496, %sub3A_499, %broadcast_in_dim3A_501 : vector<16xi1>, vector<16xi32>
          %swap3A_503 = arith.constant 64 : index
          %swap3A_504 = tpu.vector_load %arg8[%swap3A_503] {strides = array<i32>} : memref<128xi32, #tpu.memory_space<vmem>>, vector<16xi32>,
          %swap3A_505 = vector.shape_cast %swap3A_504 : vector<16xi32> to vector<16xi32>
          %swap3A_506 = vector.shape_cast %select_n3A_502 : vector<16xi32> to vector<16xi32>
          tpu.vector_store %arg8[%swap3A_503], %swap3A_506 {strides = array<i32>} : memref<128xi32, #tpu.memory_space<vmem>>, vector<16xi32>,
          %get3A_507 = arith.constant 80 : index
          %get3A_508 = tpu.vector_load %arg8[%get3A_507] {strides = array<i32>} : memref<128xi32, #tpu.memory_space<vmem>>, vector<16xi32>,
          %get3A_509 = vector.shape_cast %get3A_508 : vector<16xi32> to vector<16xi32>
          %ge3A_510 = arith.constant 5000 : i32
          %ge3A_511 = vector.broadcast %ge3A_510 : i32 to vector<16xi32>
          %ge3A_512 = arith.cmpi sge, %get3A_509, %ge3A_511 : vector<16xi32>
          %sub3A_513 = arith.constant 5000 : i32
          %sub3A_514 = vector.broadcast %sub3A_513 : i32 to vector<16xi32>
          %sub3A_515 = arith.subi %get3A_509, %sub3A_514 : vector<16xi32>
          %jit3A_516 = arith.constant 5007 : i32
          %broadcast_in_dim3A_517 = vector.broadcast %jit3A_516 : i32 to vector<16xi32>
          %select_n3A_518 = arith.select %ge3A_512, %sub3A_515, %broadcast_in_dim3A_517 : vector<16xi1>, vector<16xi32>
          %swap3A_519 = arith.constant 80 : index
          %swap3A_520 = tpu.vector_load %arg8[%swap3A_519] {strides = array<i32>} : memref<128xi32, #tpu.memory_space<vmem>>, vector<16xi32>,
          %swap3A_521 = vector.shape_cast %swap3A_520 : vector<16xi32> to vector<16xi32>
          %swap3A_522 = vector.shape_cast %select_n3A_518 : vector<16xi32> to vector<16xi32>
          tpu.vector_store %arg8[%swap3A_519], %swap3A_522 {strides = array<i32>} : memref<128xi32, #tpu.memory_space<vmem>>, vector<16xi32>,
          %get3A_523 = arith.constant 96 : index
          %get3A_524 = tpu.vector_load %arg8[%get3A_523] {strides = array<i32>} : memref<128xi32, #tpu.memory_space<vmem>>, vector<16xi32>,
          %get3A_525 = vector.shape_cast %get3A_524 : vector<16xi32> to vector<16xi32>
          %ge3A_526 = arith.constant 5000 : i32
          %ge3A_527 = vector.broadcast %ge3A_526 : i32 to vector<16xi32>
          %ge3A_528 = arith.cmpi sge, %get3A_525, %ge3A_527 : vector<16xi32>
          %sub3A_529 = arith.constant 5000 : i32
          %sub3A_530 = vector.broadcast %sub3A_529 : i32 to vector<16xi32>
          %sub3A_531 = arith.subi %get3A_525, %sub3A_530 : vector<16xi32>
          %jit3A_532 = arith.constant 5007 : i32
          %broadcast_in_dim3A_533 = vector.broadcast %jit3A_532 : i32 to vector<16xi32>
          %select_n3A_534 = arith.select %ge3A_528, %sub3A_531, %broadcast_in_dim3A_533 : vector<16xi1>, vector<16xi32>
          %swap3A_535 = arith.constant 96 : index
          %swap3A_536 = tpu.vector_load %arg8[%swap3A_535] {strides = array<i32>} : memref<128xi32, #tpu.memory_space<vmem>>, vector<16xi32>,
          %swap3A_537 = vector.shape_cast %swap3A_536 : vector<16xi32> to vector<16xi32>
          %swap3A_538 = vector.shape_cast %select_n3A_534 : vector<16xi32> to vector<16xi32>
          tpu.vector_store %arg8[%swap3A_535], %swap3A_538 {strides = array<i32>} : memref<128xi32, #tpu.memory_space<vmem>>, vector<16xi32>,
          %get3A_539 = arith.constant 112 : index
          %get3A_540 = tpu.vector_load %arg8[%get3A_539] {strides = array<i32>} : memref<128xi32, #tpu.memory_space<vmem>>, vector<16xi32>,
          %get3A_541 = vector.shape_cast %get3A_540 : vector<16xi32> to vector<16xi32>
          %ge3A_542 = arith.constant 5000 : i32
          %ge3A_543 = vector.broadcast %ge3A_542 : i32 to vector<16xi32>
          %ge3A_544 = arith.cmpi sge, %get3A_541, %ge3A_543 : vector<16xi32>
          %sub3A_545 = arith.constant 5000 : i32
          %sub3A_546 = vector.broadcast %sub3A_545 : i32 to vector<16xi32>
          %sub3A_547 = arith.subi %get3A_541, %sub3A_546 : vector<16xi32>
          %jit3A_548 = arith.constant 5007 : i32
          %broadcast_in_dim3A_549 = vector.broadcast %jit3A_548 : i32 to vector<16xi32>
          %select_n3A_550 = arith.select %ge3A_544, %sub3A_547, %broadcast_in_dim3A_549 : vector<16xi1>, vector<16xi32>
          %swap3A_551 = arith.constant 112 : index
          %swap3A_552 = tpu.vector_load %arg8[%swap3A_551] {strides = array<i32>} : memref<128xi32, #tpu.memory_space<vmem>>, vector<16xi32>,
          %swap3A_553 = vector.shape_cast %swap3A_552 : vector<16xi32> to vector<16xi32>
          %swap3A_554 = vector.shape_cast %select_n3A_550 : vector<16xi32> to vector<16xi32>
          tpu.vector_store %arg8[%swap3A_551], %swap3A_554 {strides = array<i32>} : memref<128xi32, #tpu.memory_space<vmem>>, vector<16xi32>,
        } else {
        }
        %add3A_412 = arith.constant 1 : i32
        %add3A_413 = arith.addi %add3A_394, %add3A_412 : i32
        %lt3A_414 = arith.cmpi slt, %add3A_413, %max3A_55 : i32
        %ge3A_415 = arith.constant 1 : i32
        %ge3A_416 = arith.cmpi sge, %add3A_394, %ge3A_415 : i32
        %and3A_417 = arith.andi %lt3A_414, %ge3A_416 : i1
        %convert_element_type3A_418 = arith.extui %and3A_417 : i1 to i32
        %cond3A_419 = arith.constant 0 : i32
        %cond3A_420 = arith.cmpi ne, %convert_element_type3A_418, %cond3A_419 : i32
        scf.if %cond3A_420 {
          %dma_wait3A_429 = arith.constant 0 : i32
          %dma_wait3A_430 = arith.constant 0 : i32
          %dma_wait3A_431 = tpu.memref_slice %arg3[%dma_wait3A_429, %dma_wait3A_430] : memref<320000x128xf32, #tpu.memory_space<hbm>> -> memref<128x128xf32, #tpu.memory_space<hbm>>
          %dma_wait3A_432 = arith.constant 0 : i32
          %dma_wait3A_433 = arith.constant 0 : i32
          %dma_wait3A_434 = tpu.memref_slice %arg3[%dma_wait3A_432, %dma_wait3A_433] : memref<320000x128xf32, #tpu.memory_space<hbm>> -> memref<128x128xf32, #tpu.memory_space<hbm>>
          tpu.wait_dma2 semaphore(%arg18 : memref<!tpu.dma_semaphore, #tpu.memory_space<semaphore_mem>>) src(%dma_wait3A_434 : memref<128x128xf32, #tpu.memory_space<hbm>>) dst(%arg9 : memref<128x128xf32, #tpu.memory_space<vmem>>)
        } else {
        }
        %add3A_421 = arith.constant 1 : i32
        %add3A_422 = arith.addi %add3A_394, %add3A_421 : i32
        %lt3A_423 = arith.cmpi slt, %add3A_422, %max3A_55 : i32
        %convert_element_type3A_424 = arith.extui %lt3A_423 : i1 to i32
        %cond3A_425 = arith.constant 0 : i32
        %cond3A_426 = arith.cmpi ne, %convert_element_type3A_424, %cond3A_425 : i32
        scf.if %cond3A_426 {
          %add3A_429 = arith.constant 1 : i32
          %add3A_430 = arith.addi %add3A_394, %add3A_429 : i32
          %add3A_431 = arith.addi %select_n3A, %arg1 : i32
          %mul3A_432 = arith.constant 16 : i32
          %mul3A_433 = arith.muli %mul3A_432, %add3A_430 : i32
          %add3A_434 = arith.addi %add3A_431, %mul3A_433 : i32
          %mul3A_435 = arith.constant 128 : i32
          %mul3A_436 = arith.muli %add3A_434, %mul3A_435 : i32
          %dma_start3A_437 = tpu.memref_slice %arg2[%mul3A_436] : memref<320000xi32, #tpu.memory_space<hbm>> -> memref<128xi32, #tpu.memory_space<hbm>>
          %dma_start3A_438 = tpu.memref_slice %arg2[%mul3A_436] : memref<320000xi32, #tpu.memory_space<hbm>> -> memref<128xi32, #tpu.memory_space<hbm>>
          tpu.enqueue_dma source(%dma_start3A_438 : memref<128xi32, #tpu.memory_space<hbm>>) target(%arg7 : memref<128xi32, #tpu.memory_space<vmem>>) target_semaphore(%arg14 : memref<!tpu.dma_semaphore, #tpu.memory_space<semaphore_mem>>)
        } else {
        }
        %dma_start3A = arith.constant 0 : i32
        %dma_start3A_427 = arith.constant 0 : i32
        %dma_start3A_428 = tpu.memref_slice %arg13[%dma_start3A, %dma_start3A_427] : memref<5008x128xf32, #tpu.memory_space<vmem_shared>> -> memref<5008x128xf32, #tpu.memory_space<vmem_shared>>
        tpu.enqueue_indirect_dma source(%arg11 : memref<128x128xf32, #tpu.memory_space<vmem>>) target(%dma_start3A_428 : memref<5008x128xf32, #tpu.memory_space<vmem_shared>>) offsets(%arg8 : memref<128xi32, #tpu.memory_space<vmem>>) semaphore(%arg19 : memref<!tpu.dma_semaphore, #tpu.memory_space<semaphore_mem>>) {add = true}
      } else {
      }
    }
    %while3A_264 = arith.constant 1 : i32
    scf.for %while3A_382 = %while3A_262 to %while3A_258 step %while3A_264  : i32 {
      %mul3A_383 = arith.constant 2 : i32
      %mul3A_384 = arith.muli %mul3A_383, %while3A_382 : i32
      %add3A_385 = arith.constant 0 : i32
      %add3A_386 = arith.addi %mul3A_384, %add3A_385 : i32
      %lt3A_387 = arith.cmpi slt, %add3A_386, %max3A_55 : i32
      %convert_element_type3A_388 = arith.extui %lt3A_387 : i1 to i32
      %cond3A_389 = arith.constant 0 : i32
      %cond3A_390 = arith.cmpi ne, %convert_element_type3A_388, %cond3A_389 : i32
      scf.if %cond3A_390 {
        %dma_wait3A = arith.constant 0 : i32
        %dma_wait3A_399 = tpu.memref_slice %arg2[%dma_wait3A] : memref<320000xi32, #tpu.memory_space<hbm>> -> memref<128xi32, #tpu.memory_space<hbm>>
        %dma_wait3A_400 = arith.constant 0 : i32
        %dma_wait3A_401 = tpu.memref_slice %arg2[%dma_wait3A_400] : memref<320000xi32, #tpu.memory_space<hbm>> -> memref<128xi32, #tpu.memory_space<hbm>>
        tpu.wait_dma2 semaphore(%arg14 : memref<!tpu.dma_semaphore, #tpu.memory_space<semaphore_mem>>) src(%dma_wait3A_401 : memref<128xi32, #tpu.memory_space<hbm>>) dst(%arg7 : memref<128xi32, #tpu.memory_space<vmem>>)
        %eq3A_402 = arith.constant 0 : i32
        %eq3A_403 = arith.cmpi eq, %arg0, %eq3A_402 : i32
        %convert_element_type3A_404 = arith.extui %eq3A_403 : i1 to i32
        %cond3A_405 = arith.constant 0 : i32
        %cond3A_406 = arith.cmpi ne, %convert_element_type3A_404, %cond3A_405 : i32
        scf.if %cond3A_406 {
          %get3A = arith.constant 0 : index
          %get3A_429 = tpu.vector_load %arg7[%get3A] {strides = array<i32>} : memref<128xi32, #tpu.memory_space<vmem>>, vector<16xi32>,
          %get3A_430 = vector.shape_cast %get3A_429 : vector<16xi32> to vector<16xi32>
          %min3A = arith.constant 5000 : i32
          %min3A_431 = vector.broadcast %min3A : i32 to vector<16xi32>
          %min3A_432 = arith.minsi %get3A_430, %min3A_431 : vector<16xi32>
          %swap3A = arith.constant 0 : index
          %swap3A_433 = tpu.vector_load %arg7[%swap3A] {strides = array<i32>} : memref<128xi32, #tpu.memory_space<vmem>>, vector<16xi32>,
          %swap3A_434 = vector.shape_cast %swap3A_433 : vector<16xi32> to vector<16xi32>
          %swap3A_435 = vector.shape_cast %min3A_432 : vector<16xi32> to vector<16xi32>
          tpu.vector_store %arg7[%swap3A], %swap3A_435 {strides = array<i32>} : memref<128xi32, #tpu.memory_space<vmem>>, vector<16xi32>,
          %get3A_436 = arith.constant 16 : index
          %get3A_437 = tpu.vector_load %arg7[%get3A_436] {strides = array<i32>} : memref<128xi32, #tpu.memory_space<vmem>>, vector<16xi32>,
          %get3A_438 = vector.shape_cast %get3A_437 : vector<16xi32> to vector<16xi32>
          %min3A_439 = arith.constant 5000 : i32
          %min3A_440 = vector.broadcast %min3A_439 : i32 to vector<16xi32>
          %min3A_441 = arith.minsi %get3A_438, %min3A_440 : vector<16xi32>
          %swap3A_442 = arith.constant 16 : index
          %swap3A_443 = tpu.vector_load %arg7[%swap3A_442] {strides = array<i32>} : memref<128xi32, #tpu.memory_space<vmem>>, vector<16xi32>,
          %swap3A_444 = vector.shape_cast %swap3A_443 : vector<16xi32> to vector<16xi32>
          %swap3A_445 = vector.shape_cast %min3A_441 : vector<16xi32> to vector<16xi32>
          tpu.vector_store %arg7[%swap3A_442], %swap3A_445 {strides = array<i32>} : memref<128xi32, #tpu.memory_space<vmem>>, vector<16xi32>,
          %get3A_446 = arith.constant 32 : index
          %get3A_447 = tpu.vector_load %arg7[%get3A_446] {strides = array<i32>} : memref<128xi32, #tpu.memory_space<vmem>>, vector<16xi32>,
          %get3A_448 = vector.shape_cast %get3A_447 : vector<16xi32> to vector<16xi32>
          %min3A_449 = arith.constant 5000 : i32
          %min3A_450 = vector.broadcast %min3A_449 : i32 to vector<16xi32>
          %min3A_451 = arith.minsi %get3A_448, %min3A_450 : vector<16xi32>
          %swap3A_452 = arith.constant 32 : index
          %swap3A_453 = tpu.vector_load %arg7[%swap3A_452] {strides = array<i32>} : memref<128xi32, #tpu.memory_space<vmem>>, vector<16xi32>,
          %swap3A_454 = vector.shape_cast %swap3A_453 : vector<16xi32> to vector<16xi32>
          %swap3A_455 = vector.shape_cast %min3A_451 : vector<16xi32> to vector<16xi32>
          tpu.vector_store %arg7[%swap3A_452], %swap3A_455 {strides = array<i32>} : memref<128xi32, #tpu.memory_space<vmem>>, vector<16xi32>,
          %get3A_456 = arith.constant 48 : index
          %get3A_457 = tpu.vector_load %arg7[%get3A_456] {strides = array<i32>} : memref<128xi32, #tpu.memory_space<vmem>>, vector<16xi32>,
          %get3A_458 = vector.shape_cast %get3A_457 : vector<16xi32> to vector<16xi32>
          %min3A_459 = arith.constant 5000 : i32
          %min3A_460 = vector.broadcast %min3A_459 : i32 to vector<16xi32>
          %min3A_461 = arith.minsi %get3A_458, %min3A_460 : vector<16xi32>
          %swap3A_462 = arith.constant 48 : index
          %swap3A_463 = tpu.vector_load %arg7[%swap3A_462] {strides = array<i32>} : memref<128xi32, #tpu.memory_space<vmem>>, vector<16xi32>,
          %swap3A_464 = vector.shape_cast %swap3A_463 : vector<16xi32> to vector<16xi32>
          %swap3A_465 = vector.shape_cast %min3A_461 : vector<16xi32> to vector<16xi32>
          tpu.vector_store %arg7[%swap3A_462], %swap3A_465 {strides = array<i32>} : memref<128xi32, #tpu.memory_space<vmem>>, vector<16xi32>,
          %get3A_466 = arith.constant 64 : index
          %get3A_467 = tpu.vector_load %arg7[%get3A_466] {strides = array<i32>} : memref<128xi32, #tpu.memory_space<vmem>>, vector<16xi32>,
          %get3A_468 = vector.shape_cast %get3A_467 : vector<16xi32> to vector<16xi32>
          %min3A_469 = arith.constant 5000 : i32
          %min3A_470 = vector.broadcast %min3A_469 : i32 to vector<16xi32>
          %min3A_471 = arith.minsi %get3A_468, %min3A_470 : vector<16xi32>
          %swap3A_472 = arith.constant 64 : index
          %swap3A_473 = tpu.vector_load %arg7[%swap3A_472] {strides = array<i32>} : memref<128xi32, #tpu.memory_space<vmem>>, vector<16xi32>,
          %swap3A_474 = vector.shape_cast %swap3A_473 : vector<16xi32> to vector<16xi32>
          %swap3A_475 = vector.shape_cast %min3A_471 : vector<16xi32> to vector<16xi32>
          tpu.vector_store %arg7[%swap3A_472], %swap3A_475 {strides = array<i32>} : memref<128xi32, #tpu.memory_space<vmem>>, vector<16xi32>,
          %get3A_476 = arith.constant 80 : index
          %get3A_477 = tpu.vector_load %arg7[%get3A_476] {strides = array<i32>} : memref<128xi32, #tpu.memory_space<vmem>>, vector<16xi32>,
          %get3A_478 = vector.shape_cast %get3A_477 : vector<16xi32> to vector<16xi32>
          %min3A_479 = arith.constant 5000 : i32
          %min3A_480 = vector.broadcast %min3A_479 : i32 to vector<16xi32>
          %min3A_481 = arith.minsi %get3A_478, %min3A_480 : vector<16xi32>
          %swap3A_482 = arith.constant 80 : index
          %swap3A_483 = tpu.vector_load %arg7[%swap3A_482] {strides = array<i32>} : memref<128xi32, #tpu.memory_space<vmem>>, vector<16xi32>,
          %swap3A_484 = vector.shape_cast %swap3A_483 : vector<16xi32> to vector<16xi32>
          %swap3A_485 = vector.shape_cast %min3A_481 : vector<16xi32> to vector<16xi32>
          tpu.vector_store %arg7[%swap3A_482], %swap3A_485 {strides = array<i32>} : memref<128xi32, #tpu.memory_space<vmem>>, vector<16xi32>,
          %get3A_486 = arith.constant 96 : index
          %get3A_487 = tpu.vector_load %arg7[%get3A_486] {strides = array<i32>} : memref<128xi32, #tpu.memory_space<vmem>>, vector<16xi32>,
          %get3A_488 = vector.shape_cast %get3A_487 : vector<16xi32> to vector<16xi32>
          %min3A_489 = arith.constant 5000 : i32
          %min3A_490 = vector.broadcast %min3A_489 : i32 to vector<16xi32>
          %min3A_491 = arith.minsi %get3A_488, %min3A_490 : vector<16xi32>
          %swap3A_492 = arith.constant 96 : index
          %swap3A_493 = tpu.vector_load %arg7[%swap3A_492] {strides = array<i32>} : memref<128xi32, #tpu.memory_space<vmem>>, vector<16xi32>,
          %swap3A_494 = vector.shape_cast %swap3A_493 : vector<16xi32> to vector<16xi32>
          %swap3A_495 = vector.shape_cast %min3A_491 : vector<16xi32> to vector<16xi32>
          tpu.vector_store %arg7[%swap3A_492], %swap3A_495 {strides = array<i32>} : memref<128xi32, #tpu.memory_space<vmem>>, vector<16xi32>,
          %get3A_496 = arith.constant 112 : index
          %get3A_497 = tpu.vector_load %arg7[%get3A_496] {strides = array<i32>} : memref<128xi32, #tpu.memory_space<vmem>>, vector<16xi32>,
          %get3A_498 = vector.shape_cast %get3A_497 : vector<16xi32> to vector<16xi32>
          %min3A_499 = arith.constant 5000 : i32
          %min3A_500 = vector.broadcast %min3A_499 : i32 to vector<16xi32>
          %min3A_501 = arith.minsi %get3A_498, %min3A_500 : vector<16xi32>
          %swap3A_502 = arith.constant 112 : index
          %swap3A_503 = tpu.vector_load %arg7[%swap3A_502] {strides = array<i32>} : memref<128xi32, #tpu.memory_space<vmem>>, vector<16xi32>,
          %swap3A_504 = vector.shape_cast %swap3A_503 : vector<16xi32> to vector<16xi32>
          %swap3A_505 = vector.shape_cast %min3A_501 : vector<16xi32> to vector<16xi32>
          tpu.vector_store %arg7[%swap3A_502], %swap3A_505 {strides = array<i32>} : memref<128xi32, #tpu.memory_space<vmem>>, vector<16xi32>,
        } else {
        }
        %ne3A_407 = arith.constant 0 : i32
        %ne3A_408 = arith.cmpi ne, %arg0, %ne3A_407 : i32
        %convert_element_type3A_409 = arith.extui %ne3A_408 : i1 to i32
        %cond3A_410 = arith.constant 0 : i32
        %cond3A_411 = arith.cmpi ne, %convert_element_type3A_409, %cond3A_410 : i32
        scf.if %cond3A_411 {
          %get3A = arith.constant 0 : index
          %get3A_429 = tpu.vector_load %arg7[%get3A] {strides = array<i32>} : memref<128xi32, #tpu.memory_space<vmem>>, vector<16xi32>,
          %get3A_430 = vector.shape_cast %get3A_429 : vector<16xi32> to vector<16xi32>
          %ge3A_431 = arith.constant 5000 : i32
          %ge3A_432 = vector.broadcast %ge3A_431 : i32 to vector<16xi32>
          %ge3A_433 = arith.cmpi sge, %get3A_430, %ge3A_432 : vector<16xi32>
          %sub3A_434 = arith.constant 5000 : i32
          %sub3A_435 = vector.broadcast %sub3A_434 : i32 to vector<16xi32>
          %sub3A_436 = arith.subi %get3A_430, %sub3A_435 : vector<16xi32>
          %jit3A_437 = arith.constant 5007 : i32
          %broadcast_in_dim3A_438 = vector.broadcast %jit3A_437 : i32 to vector<16xi32>
          %select_n3A_439 = arith.select %ge3A_433, %sub3A_436, %broadcast_in_dim3A_438 : vector<16xi1>, vector<16xi32>
          %swap3A = arith.constant 0 : index
          %swap3A_440 = tpu.vector_load %arg7[%swap3A] {strides = array<i32>} : memref<128xi32, #tpu.memory_space<vmem>>, vector<16xi32>,
          %swap3A_441 = vector.shape_cast %swap3A_440 : vector<16xi32> to vector<16xi32>
          %swap3A_442 = vector.shape_cast %select_n3A_439 : vector<16xi32> to vector<16xi32>
          tpu.vector_store %arg7[%swap3A], %swap3A_442 {strides = array<i32>} : memref<128xi32, #tpu.memory_space<vmem>>, vector<16xi32>,
          %get3A_443 = arith.constant 16 : index
          %get3A_444 = tpu.vector_load %arg7[%get3A_443] {strides = array<i32>} : memref<128xi32, #tpu.memory_space<vmem>>, vector<16xi32>,
          %get3A_445 = vector.shape_cast %get3A_444 : vector<16xi32> to vector<16xi32>
          %ge3A_446 = arith.constant 5000 : i32
          %ge3A_447 = vector.broadcast %ge3A_446 : i32 to vector<16xi32>
          %ge3A_448 = arith.cmpi sge, %get3A_445, %ge3A_447 : vector<16xi32>
          %sub3A_449 = arith.constant 5000 : i32
          %sub3A_450 = vector.broadcast %sub3A_449 : i32 to vector<16xi32>
          %sub3A_451 = arith.subi %get3A_445, %sub3A_450 : vector<16xi32>
          %jit3A_452 = arith.constant 5007 : i32
          %broadcast_in_dim3A_453 = vector.broadcast %jit3A_452 : i32 to vector<16xi32>
          %select_n3A_454 = arith.select %ge3A_448, %sub3A_451, %broadcast_in_dim3A_453 : vector<16xi1>, vector<16xi32>
          %swap3A_455 = arith.constant 16 : index
          %swap3A_456 = tpu.vector_load %arg7[%swap3A_455] {strides = array<i32>} : memref<128xi32, #tpu.memory_space<vmem>>, vector<16xi32>,
          %swap3A_457 = vector.shape_cast %swap3A_456 : vector<16xi32> to vector<16xi32>
          %swap3A_458 = vector.shape_cast %select_n3A_454 : vector<16xi32> to vector<16xi32>
          tpu.vector_store %arg7[%swap3A_455], %swap3A_458 {strides = array<i32>} : memref<128xi32, #tpu.memory_space<vmem>>, vector<16xi32>,
          %get3A_459 = arith.constant 32 : index
          %get3A_460 = tpu.vector_load %arg7[%get3A_459] {strides = array<i32>} : memref<128xi32, #tpu.memory_space<vmem>>, vector<16xi32>,
          %get3A_461 = vector.shape_cast %get3A_460 : vector<16xi32> to vector<16xi32>
          %ge3A_462 = arith.constant 5000 : i32
          %ge3A_463 = vector.broadcast %ge3A_462 : i32 to vector<16xi32>
          %ge3A_464 = arith.cmpi sge, %get3A_461, %ge3A_463 : vector<16xi32>
          %sub3A_465 = arith.constant 5000 : i32
          %sub3A_466 = vector.broadcast %sub3A_465 : i32 to vector<16xi32>
          %sub3A_467 = arith.subi %get3A_461, %sub3A_466 : vector<16xi32>
          %jit3A_468 = arith.constant 5007 : i32
          %broadcast_in_dim3A_469 = vector.broadcast %jit3A_468 : i32 to vector<16xi32>
          %select_n3A_470 = arith.select %ge3A_464, %sub3A_467, %broadcast_in_dim3A_469 : vector<16xi1>, vector<16xi32>
          %swap3A_471 = arith.constant 32 : index
          %swap3A_472 = tpu.vector_load %arg7[%swap3A_471] {strides = array<i32>} : memref<128xi32, #tpu.memory_space<vmem>>, vector<16xi32>,
          %swap3A_473 = vector.shape_cast %swap3A_472 : vector<16xi32> to vector<16xi32>
          %swap3A_474 = vector.shape_cast %select_n3A_470 : vector<16xi32> to vector<16xi32>
          tpu.vector_store %arg7[%swap3A_471], %swap3A_474 {strides = array<i32>} : memref<128xi32, #tpu.memory_space<vmem>>, vector<16xi32>,
          %get3A_475 = arith.constant 48 : index
          %get3A_476 = tpu.vector_load %arg7[%get3A_475] {strides = array<i32>} : memref<128xi32, #tpu.memory_space<vmem>>, vector<16xi32>,
          %get3A_477 = vector.shape_cast %get3A_476 : vector<16xi32> to vector<16xi32>
          %ge3A_478 = arith.constant 5000 : i32
          %ge3A_479 = vector.broadcast %ge3A_478 : i32 to vector<16xi32>
          %ge3A_480 = arith.cmpi sge, %get3A_477, %ge3A_479 : vector<16xi32>
          %sub3A_481 = arith.constant 5000 : i32
          %sub3A_482 = vector.broadcast %sub3A_481 : i32 to vector<16xi32>
          %sub3A_483 = arith.subi %get3A_477, %sub3A_482 : vector<16xi32>
          %jit3A_484 = arith.constant 5007 : i32
          %broadcast_in_dim3A_485 = vector.broadcast %jit3A_484 : i32 to vector<16xi32>
          %select_n3A_486 = arith.select %ge3A_480, %sub3A_483, %broadcast_in_dim3A_485 : vector<16xi1>, vector<16xi32>
          %swap3A_487 = arith.constant 48 : index
          %swap3A_488 = tpu.vector_load %arg7[%swap3A_487] {strides = array<i32>} : memref<128xi32, #tpu.memory_space<vmem>>, vector<16xi32>,
          %swap3A_489 = vector.shape_cast %swap3A_488 : vector<16xi32> to vector<16xi32>
          %swap3A_490 = vector.shape_cast %select_n3A_486 : vector<16xi32> to vector<16xi32>
          tpu.vector_store %arg7[%swap3A_487], %swap3A_490 {strides = array<i32>} : memref<128xi32, #tpu.memory_space<vmem>>, vector<16xi32>,
          %get3A_491 = arith.constant 64 : index
          %get3A_492 = tpu.vector_load %arg7[%get3A_491] {strides = array<i32>} : memref<128xi32, #tpu.memory_space<vmem>>, vector<16xi32>,
          %get3A_493 = vector.shape_cast %get3A_492 : vector<16xi32> to vector<16xi32>
          %ge3A_494 = arith.constant 5000 : i32
          %ge3A_495 = vector.broadcast %ge3A_494 : i32 to vector<16xi32>
          %ge3A_496 = arith.cmpi sge, %get3A_493, %ge3A_495 : vector<16xi32>
          %sub3A_497 = arith.constant 5000 : i32
          %sub3A_498 = vector.broadcast %sub3A_497 : i32 to vector<16xi32>
          %sub3A_499 = arith.subi %get3A_493, %sub3A_498 : vector<16xi32>
          %jit3A_500 = arith.constant 5007 : i32
          %broadcast_in_dim3A_501 = vector.broadcast %jit3A_500 : i32 to vector<16xi32>
          %select_n3A_502 = arith.select %ge3A_496, %sub3A_499, %broadcast_in_dim3A_501 : vector<16xi1>, vector<16xi32>
          %swap3A_503 = arith.constant 64 : index
          %swap3A_504 = tpu.vector_load %arg7[%swap3A_503] {strides = array<i32>} : memref<128xi32, #tpu.memory_space<vmem>>, vector<16xi32>,
          %swap3A_505 = vector.shape_cast %swap3A_504 : vector<16xi32> to vector<16xi32>
          %swap3A_506 = vector.shape_cast %select_n3A_502 : vector<16xi32> to vector<16xi32>
          tpu.vector_store %arg7[%swap3A_503], %swap3A_506 {strides = array<i32>} : memref<128xi32, #tpu.memory_space<vmem>>, vector<16xi32>,
          %get3A_507 = arith.constant 80 : index
          %get3A_508 = tpu.vector_load %arg7[%get3A_507] {strides = array<i32>} : memref<128xi32, #tpu.memory_space<vmem>>, vector<16xi32>,
          %get3A_509 = vector.shape_cast %get3A_508 : vector<16xi32> to vector<16xi32>
          %ge3A_510 = arith.constant 5000 : i32
          %ge3A_511 = vector.broadcast %ge3A_510 : i32 to vector<16xi32>
          %ge3A_512 = arith.cmpi sge, %get3A_509, %ge3A_511 : vector<16xi32>
          %sub3A_513 = arith.constant 5000 : i32
          %sub3A_514 = vector.broadcast %sub3A_513 : i32 to vector<16xi32>
          %sub3A_515 = arith.subi %get3A_509, %sub3A_514 : vector<16xi32>
          %jit3A_516 = arith.constant 5007 : i32
          %broadcast_in_dim3A_517 = vector.broadcast %jit3A_516 : i32 to vector<16xi32>
          %select_n3A_518 = arith.select %ge3A_512, %sub3A_515, %broadcast_in_dim3A_517 : vector<16xi1>, vector<16xi32>
          %swap3A_519 = arith.constant 80 : index
          %swap3A_520 = tpu.vector_load %arg7[%swap3A_519] {strides = array<i32>} : memref<128xi32, #tpu.memory_space<vmem>>, vector<16xi32>,
          %swap3A_521 = vector.shape_cast %swap3A_520 : vector<16xi32> to vector<16xi32>
          %swap3A_522 = vector.shape_cast %select_n3A_518 : vector<16xi32> to vector<16xi32>
          tpu.vector_store %arg7[%swap3A_519], %swap3A_522 {strides = array<i32>} : memref<128xi32, #tpu.memory_space<vmem>>, vector<16xi32>,
          %get3A_523 = arith.constant 96 : index
          %get3A_524 = tpu.vector_load %arg7[%get3A_523] {strides = array<i32>} : memref<128xi32, #tpu.memory_space<vmem>>, vector<16xi32>,
          %get3A_525 = vector.shape_cast %get3A_524 : vector<16xi32> to vector<16xi32>
          %ge3A_526 = arith.constant 5000 : i32
          %ge3A_527 = vector.broadcast %ge3A_526 : i32 to vector<16xi32>
          %ge3A_528 = arith.cmpi sge, %get3A_525, %ge3A_527 : vector<16xi32>
          %sub3A_529 = arith.constant 5000 : i32
          %sub3A_530 = vector.broadcast %sub3A_529 : i32 to vector<16xi32>
          %sub3A_531 = arith.subi %get3A_525, %sub3A_530 : vector<16xi32>
          %jit3A_532 = arith.constant 5007 : i32
          %broadcast_in_dim3A_533 = vector.broadcast %jit3A_532 : i32 to vector<16xi32>
          %select_n3A_534 = arith.select %ge3A_528, %sub3A_531, %broadcast_in_dim3A_533 : vector<16xi1>, vector<16xi32>
          %swap3A_535 = arith.constant 96 : index
          %swap3A_536 = tpu.vector_load %arg7[%swap3A_535] {strides = array<i32>} : memref<128xi32, #tpu.memory_space<vmem>>, vector<16xi32>,
          %swap3A_537 = vector.shape_cast %swap3A_536 : vector<16xi32> to vector<16xi32>
          %swap3A_538 = vector.shape_cast %select_n3A_534 : vector<16xi32> to vector<16xi32>
          tpu.vector_store %arg7[%swap3A_535], %swap3A_538 {strides = array<i32>} : memref<128xi32, #tpu.memory_space<vmem>>, vector<16xi32>,
          %get3A_539 = arith.constant 112 : index
          %get3A_540 = tpu.vector_load %arg7[%get3A_539] {strides = array<i32>} : memref<128xi32, #tpu.memory_space<vmem>>, vector<16xi32>,
          %get3A_541 = vector.shape_cast %get3A_540 : vector<16xi32> to vector<16xi32>
          %ge3A_542 = arith.constant 5000 : i32
          %ge3A_543 = vector.broadcast %ge3A_542 : i32 to vector<16xi32>
          %ge3A_544 = arith.cmpi sge, %get3A_541, %ge3A_543 : vector<16xi32>
          %sub3A_545 = arith.constant 5000 : i32
          %sub3A_546 = vector.broadcast %sub3A_545 : i32 to vector<16xi32>
          %sub3A_547 = arith.subi %get3A_541, %sub3A_546 : vector<16xi32>
          %jit3A_548 = arith.constant 5007 : i32
          %broadcast_in_dim3A_549 = vector.broadcast %jit3A_548 : i32 to vector<16xi32>
          %select_n3A_550 = arith.select %ge3A_544, %sub3A_547, %broadcast_in_dim3A_549 : vector<16xi1>, vector<16xi32>
          %swap3A_551 = arith.constant 112 : index
          %swap3A_552 = tpu.vector_load %arg7[%swap3A_551] {strides = array<i32>} : memref<128xi32, #tpu.memory_space<vmem>>, vector<16xi32>,
          %swap3A_553 = vector.shape_cast %swap3A_552 : vector<16xi32> to vector<16xi32>
          %swap3A_554 = vector.shape_cast %select_n3A_550 : vector<16xi32> to vector<16xi32>
          tpu.vector_store %arg7[%swap3A_551], %swap3A_554 {strides = array<i32>} : memref<128xi32, #tpu.memory_space<vmem>>, vector<16xi32>,
        } else {
        }
        %add3A_412 = arith.constant 1 : i32
        %add3A_413 = arith.addi %add3A_386, %add3A_412 : i32
        %lt3A_414 = arith.cmpi slt, %add3A_413, %max3A_55 : i32
        %ge3A_415 = arith.constant 1 : i32
        %ge3A_416 = arith.cmpi sge, %add3A_386, %ge3A_415 : i32
        %and3A_417 = arith.andi %lt3A_414, %ge3A_416 : i1
        %convert_element_type3A_418 = arith.extui %and3A_417 : i1 to i32
        %cond3A_419 = arith.constant 0 : i32
        %cond3A_420 = arith.cmpi ne, %convert_element_type3A_418, %cond3A_419 : i32
        scf.if %cond3A_420 {
          %dma_wait3A_429 = arith.constant 0 : i32
          %dma_wait3A_430 = arith.constant 0 : i32
          %dma_wait3A_431 = tpu.memref_slice %arg3[%dma_wait3A_429, %dma_wait3A_430] : memref<320000x128xf32, #tpu.memory_space<hbm>> -> memref<128x128xf32, #tpu.memory_space<hbm>>
          %dma_wait3A_432 = arith.constant 0 : i32
          %dma_wait3A_433 = arith.constant 0 : i32
          %dma_wait3A_434 = tpu.memref_slice %arg3[%dma_wait3A_432, %dma_wait3A_433] : memref<320000x128xf32, #tpu.memory_space<hbm>> -> memref<128x128xf32, #tpu.memory_space<hbm>>
          tpu.wait_dma2 semaphore(%arg19 : memref<!tpu.dma_semaphore, #tpu.memory_space<semaphore_mem>>) src(%dma_wait3A_434 : memref<128x128xf32, #tpu.memory_space<hbm>>) dst(%arg10 : memref<128x128xf32, #tpu.memory_space<vmem>>)
        } else {
        }
        %add3A_421 = arith.constant 1 : i32
        %add3A_422 = arith.addi %add3A_386, %add3A_421 : i32
        %lt3A_423 = arith.cmpi slt, %add3A_422, %max3A_55 : i32
        %convert_element_type3A_424 = arith.extui %lt3A_423 : i1 to i32
        %cond3A_425 = arith.constant 0 : i32
        %cond3A_426 = arith.cmpi ne, %convert_element_type3A_424, %cond3A_425 : i32
        scf.if %cond3A_426 {
          %add3A_429 = arith.constant 1 : i32
          %add3A_430 = arith.addi %add3A_386, %add3A_429 : i32
          %add3A_431 = arith.addi %select_n3A, %arg1 : i32
          %mul3A_432 = arith.constant 16 : i32
          %mul3A_433 = arith.muli %mul3A_432, %add3A_430 : i32
          %add3A_434 = arith.addi %add3A_431, %mul3A_433 : i32
          %mul3A_435 = arith.constant 128 : i32
          %mul3A_436 = arith.muli %add3A_434, %mul3A_435 : i32
          %dma_start3A_437 = tpu.memref_slice %arg2[%mul3A_436] : memref<320000xi32, #tpu.memory_space<hbm>> -> memref<128xi32, #tpu.memory_space<hbm>>
          %dma_start3A_438 = tpu.memref_slice %arg2[%mul3A_436] : memref<320000xi32, #tpu.memory_space<hbm>> -> memref<128xi32, #tpu.memory_space<hbm>>
          tpu.enqueue_dma source(%dma_start3A_438 : memref<128xi32, #tpu.memory_space<hbm>>) target(%arg8 : memref<128xi32, #tpu.memory_space<vmem>>) target_semaphore(%arg15 : memref<!tpu.dma_semaphore, #tpu.memory_space<semaphore_mem>>)
        } else {
        }
        %dma_start3A = arith.constant 0 : i32
        %dma_start3A_427 = arith.constant 0 : i32
        %dma_start3A_428 = tpu.memref_slice %arg13[%dma_start3A, %dma_start3A_427] : memref<5008x128xf32, #tpu.memory_space<vmem_shared>> -> memref<5008x128xf32, #tpu.memory_space<vmem_shared>>
        tpu.enqueue_indirect_dma source(%arg11 : memref<128x128xf32, #tpu.memory_space<vmem>>) target(%dma_start3A_428 : memref<5008x128xf32, #tpu.memory_space<vmem_shared>>) offsets(%arg7 : memref<128xi32, #tpu.memory_space<vmem>>) semaphore(%arg18 : memref<!tpu.dma_semaphore, #tpu.memory_space<semaphore_mem>>) {add = true}
      } else {
      }
      %mul3A_391 = arith.constant 2 : i32
      %mul3A_392 = arith.muli %mul3A_391, %while3A_382 : i32
      %add3A_393 = arith.constant 1 : i32
      %add3A_394 = arith.addi %mul3A_392, %add3A_393 : i32
      %lt3A_395 = arith.cmpi slt, %add3A_394, %max3A_55 : i32
      %convert_element_type3A_396 = arith.extui %lt3A_395 : i1 to i32
      %cond3A_397 = arith.constant 0 : i32
      %cond3A_398 = arith.cmpi ne, %convert_element_type3A_396, %cond3A_397 : i32
      scf.if %cond3A_398 {
        %dma_wait3A = arith.constant 0 : i32
        %dma_wait3A_399 = tpu.memref_slice %arg2[%dma_wait3A] : memref<320000xi32, #tpu.memory_space<hbm>> -> memref<128xi32, #tpu.memory_space<hbm>>
        %dma_wait3A_400 = arith.constant 0 : i32
        %dma_wait3A_401 = tpu.memref_slice %arg2[%dma_wait3A_400] : memref<320000xi32, #tpu.memory_space<hbm>> -> memref<128xi32, #tpu.memory_space<hbm>>
        tpu.wait_dma2 semaphore(%arg15 : memref<!tpu.dma_semaphore, #tpu.memory_space<semaphore_mem>>) src(%dma_wait3A_401 : memref<128xi32, #tpu.memory_space<hbm>>) dst(%arg8 : memref<128xi32, #tpu.memory_space<vmem>>)
        %eq3A_402 = arith.constant 0 : i32
        %eq3A_403 = arith.cmpi eq, %arg0, %eq3A_402 : i32
        %convert_element_type3A_404 = arith.extui %eq3A_403 : i1 to i32
        %cond3A_405 = arith.constant 0 : i32
        %cond3A_406 = arith.cmpi ne, %convert_element_type3A_404, %cond3A_405 : i32
        scf.if %cond3A_406 {
          %get3A = arith.constant 0 : index
          %get3A_429 = tpu.vector_load %arg8[%get3A] {strides = array<i32>} : memref<128xi32, #tpu.memory_space<vmem>>, vector<16xi32>,
          %get3A_430 = vector.shape_cast %get3A_429 : vector<16xi32> to vector<16xi32>
          %min3A = arith.constant 5000 : i32
          %min3A_431 = vector.broadcast %min3A : i32 to vector<16xi32>
          %min3A_432 = arith.minsi %get3A_430, %min3A_431 : vector<16xi32>
          %swap3A = arith.constant 0 : index
          %swap3A_433 = tpu.vector_load %arg8[%swap3A] {strides = array<i32>} : memref<128xi32, #tpu.memory_space<vmem>>, vector<16xi32>,
          %swap3A_434 = vector.shape_cast %swap3A_433 : vector<16xi32> to vector<16xi32>
          %swap3A_435 = vector.shape_cast %min3A_432 : vector<16xi32> to vector<16xi32>
          tpu.vector_store %arg8[%swap3A], %swap3A_435 {strides = array<i32>} : memref<128xi32, #tpu.memory_space<vmem>>, vector<16xi32>,
          %get3A_436 = arith.constant 16 : index
          %get3A_437 = tpu.vector_load %arg8[%get3A_436] {strides = array<i32>} : memref<128xi32, #tpu.memory_space<vmem>>, vector<16xi32>,
          %get3A_438 = vector.shape_cast %get3A_437 : vector<16xi32> to vector<16xi32>
          %min3A_439 = arith.constant 5000 : i32
          %min3A_440 = vector.broadcast %min3A_439 : i32 to vector<16xi32>
          %min3A_441 = arith.minsi %get3A_438, %min3A_440 : vector<16xi32>
          %swap3A_442 = arith.constant 16 : index
          %swap3A_443 = tpu.vector_load %arg8[%swap3A_442] {strides = array<i32>} : memref<128xi32, #tpu.memory_space<vmem>>, vector<16xi32>,
          %swap3A_444 = vector.shape_cast %swap3A_443 : vector<16xi32> to vector<16xi32>
          %swap3A_445 = vector.shape_cast %min3A_441 : vector<16xi32> to vector<16xi32>
          tpu.vector_store %arg8[%swap3A_442], %swap3A_445 {strides = array<i32>} : memref<128xi32, #tpu.memory_space<vmem>>, vector<16xi32>,
          %get3A_446 = arith.constant 32 : index
          %get3A_447 = tpu.vector_load %arg8[%get3A_446] {strides = array<i32>} : memref<128xi32, #tpu.memory_space<vmem>>, vector<16xi32>,
          %get3A_448 = vector.shape_cast %get3A_447 : vector<16xi32> to vector<16xi32>
          %min3A_449 = arith.constant 5000 : i32
          %min3A_450 = vector.broadcast %min3A_449 : i32 to vector<16xi32>
          %min3A_451 = arith.minsi %get3A_448, %min3A_450 : vector<16xi32>
          %swap3A_452 = arith.constant 32 : index
          %swap3A_453 = tpu.vector_load %arg8[%swap3A_452] {strides = array<i32>} : memref<128xi32, #tpu.memory_space<vmem>>, vector<16xi32>,
          %swap3A_454 = vector.shape_cast %swap3A_453 : vector<16xi32> to vector<16xi32>
          %swap3A_455 = vector.shape_cast %min3A_451 : vector<16xi32> to vector<16xi32>
          tpu.vector_store %arg8[%swap3A_452], %swap3A_455 {strides = array<i32>} : memref<128xi32, #tpu.memory_space<vmem>>, vector<16xi32>,
          %get3A_456 = arith.constant 48 : index
          %get3A_457 = tpu.vector_load %arg8[%get3A_456] {strides = array<i32>} : memref<128xi32, #tpu.memory_space<vmem>>, vector<16xi32>,
          %get3A_458 = vector.shape_cast %get3A_457 : vector<16xi32> to vector<16xi32>
          %min3A_459 = arith.constant 5000 : i32
          %min3A_460 = vector.broadcast %min3A_459 : i32 to vector<16xi32>
          %min3A_461 = arith.minsi %get3A_458, %min3A_460 : vector<16xi32>
          %swap3A_462 = arith.constant 48 : index
          %swap3A_463 = tpu.vector_load %arg8[%swap3A_462] {strides = array<i32>} : memref<128xi32, #tpu.memory_space<vmem>>, vector<16xi32>,
          %swap3A_464 = vector.shape_cast %swap3A_463 : vector<16xi32> to vector<16xi32>
          %swap3A_465 = vector.shape_cast %min3A_461 : vector<16xi32> to vector<16xi32>
          tpu.vector_store %arg8[%swap3A_462], %swap3A_465 {strides = array<i32>} : memref<128xi32, #tpu.memory_space<vmem>>, vector<16xi32>,
          %get3A_466 = arith.constant 64 : index
          %get3A_467 = tpu.vector_load %arg8[%get3A_466] {strides = array<i32>} : memref<128xi32, #tpu.memory_space<vmem>>, vector<16xi32>,
          %get3A_468 = vector.shape_cast %get3A_467 : vector<16xi32> to vector<16xi32>
          %min3A_469 = arith.constant 5000 : i32
          %min3A_470 = vector.broadcast %min3A_469 : i32 to vector<16xi32>
          %min3A_471 = arith.minsi %get3A_468, %min3A_470 : vector<16xi32>
          %swap3A_472 = arith.constant 64 : index
          %swap3A_473 = tpu.vector_load %arg8[%swap3A_472] {strides = array<i32>} : memref<128xi32, #tpu.memory_space<vmem>>, vector<16xi32>,
          %swap3A_474 = vector.shape_cast %swap3A_473 : vector<16xi32> to vector<16xi32>
          %swap3A_475 = vector.shape_cast %min3A_471 : vector<16xi32> to vector<16xi32>
          tpu.vector_store %arg8[%swap3A_472], %swap3A_475 {strides = array<i32>} : memref<128xi32, #tpu.memory_space<vmem>>, vector<16xi32>,
          %get3A_476 = arith.constant 80 : index
          %get3A_477 = tpu.vector_load %arg8[%get3A_476] {strides = array<i32>} : memref<128xi32, #tpu.memory_space<vmem>>, vector<16xi32>,
          %get3A_478 = vector.shape_cast %get3A_477 : vector<16xi32> to vector<16xi32>
          %min3A_479 = arith.constant 5000 : i32
          %min3A_480 = vector.broadcast %min3A_479 : i32 to vector<16xi32>
          %min3A_481 = arith.minsi %get3A_478, %min3A_480 : vector<16xi32>
          %swap3A_482 = arith.constant 80 : index
          %swap3A_483 = tpu.vector_load %arg8[%swap3A_482] {strides = array<i32>} : memref<128xi32, #tpu.memory_space<vmem>>, vector<16xi32>,
          %swap3A_484 = vector.shape_cast %swap3A_483 : vector<16xi32> to vector<16xi32>
          %swap3A_485 = vector.shape_cast %min3A_481 : vector<16xi32> to vector<16xi32>
          tpu.vector_store %arg8[%swap3A_482], %swap3A_485 {strides = array<i32>} : memref<128xi32, #tpu.memory_space<vmem>>, vector<16xi32>,
          %get3A_486 = arith.constant 96 : index
          %get3A_487 = tpu.vector_load %arg8[%get3A_486] {strides = array<i32>} : memref<128xi32, #tpu.memory_space<vmem>>, vector<16xi32>,
          %get3A_488 = vector.shape_cast %get3A_487 : vector<16xi32> to vector<16xi32>
          %min3A_489 = arith.constant 5000 : i32
          %min3A_490 = vector.broadcast %min3A_489 : i32 to vector<16xi32>
          %min3A_491 = arith.minsi %get3A_488, %min3A_490 : vector<16xi32>
          %swap3A_492 = arith.constant 96 : index
          %swap3A_493 = tpu.vector_load %arg8[%swap3A_492] {strides = array<i32>} : memref<128xi32, #tpu.memory_space<vmem>>, vector<16xi32>,
          %swap3A_494 = vector.shape_cast %swap3A_493 : vector<16xi32> to vector<16xi32>
          %swap3A_495 = vector.shape_cast %min3A_491 : vector<16xi32> to vector<16xi32>
          tpu.vector_store %arg8[%swap3A_492], %swap3A_495 {strides = array<i32>} : memref<128xi32, #tpu.memory_space<vmem>>, vector<16xi32>,
          %get3A_496 = arith.constant 112 : index
          %get3A_497 = tpu.vector_load %arg8[%get3A_496] {strides = array<i32>} : memref<128xi32, #tpu.memory_space<vmem>>, vector<16xi32>,
          %get3A_498 = vector.shape_cast %get3A_497 : vector<16xi32> to vector<16xi32>
          %min3A_499 = arith.constant 5000 : i32
          %min3A_500 = vector.broadcast %min3A_499 : i32 to vector<16xi32>
          %min3A_501 = arith.minsi %get3A_498, %min3A_500 : vector<16xi32>
          %swap3A_502 = arith.constant 112 : index
          %swap3A_503 = tpu.vector_load %arg8[%swap3A_502] {strides = array<i32>} : memref<128xi32, #tpu.memory_space<vmem>>, vector<16xi32>,
          %swap3A_504 = vector.shape_cast %swap3A_503 : vector<16xi32> to vector<16xi32>
          %swap3A_505 = vector.shape_cast %min3A_501 : vector<16xi32> to vector<16xi32>
          tpu.vector_store %arg8[%swap3A_502], %swap3A_505 {strides = array<i32>} : memref<128xi32, #tpu.memory_space<vmem>>, vector<16xi32>,
        } else {
        }
        %ne3A_407 = arith.constant 0 : i32
        %ne3A_408 = arith.cmpi ne, %arg0, %ne3A_407 : i32
        %convert_element_type3A_409 = arith.extui %ne3A_408 : i1 to i32
        %cond3A_410 = arith.constant 0 : i32
        %cond3A_411 = arith.cmpi ne, %convert_element_type3A_409, %cond3A_410 : i32
        scf.if %cond3A_411 {
          %get3A = arith.constant 0 : index
          %get3A_429 = tpu.vector_load %arg8[%get3A] {strides = array<i32>} : memref<128xi32, #tpu.memory_space<vmem>>, vector<16xi32>,
          %get3A_430 = vector.shape_cast %get3A_429 : vector<16xi32> to vector<16xi32>
          %ge3A_431 = arith.constant 5000 : i32
          %ge3A_432 = vector.broadcast %ge3A_431 : i32 to vector<16xi32>
          %ge3A_433 = arith.cmpi sge, %get3A_430, %ge3A_432 : vector<16xi32>
          %sub3A_434 = arith.constant 5000 : i32
          %sub3A_435 = vector.broadcast %sub3A_434 : i32 to vector<16xi32>
          %sub3A_436 = arith.subi %get3A_430, %sub3A_435 : vector<16xi32>
          %jit3A_437 = arith.constant 5007 : i32
          %broadcast_in_dim3A_438 = vector.broadcast %jit3A_437 : i32 to vector<16xi32>
          %select_n3A_439 = arith.select %ge3A_433, %sub3A_436, %broadcast_in_dim3A_438 : vector<16xi1>, vector<16xi32>
          %swap3A = arith.constant 0 : index
          %swap3A_440 = tpu.vector_load %arg8[%swap3A] {strides = array<i32>} : memref<128xi32, #tpu.memory_space<vmem>>, vector<16xi32>,
          %swap3A_441 = vector.shape_cast %swap3A_440 : vector<16xi32> to vector<16xi32>
          %swap3A_442 = vector.shape_cast %select_n3A_439 : vector<16xi32> to vector<16xi32>
          tpu.vector_store %arg8[%swap3A], %swap3A_442 {strides = array<i32>} : memref<128xi32, #tpu.memory_space<vmem>>, vector<16xi32>,
          %get3A_443 = arith.constant 16 : index
          %get3A_444 = tpu.vector_load %arg8[%get3A_443] {strides = array<i32>} : memref<128xi32, #tpu.memory_space<vmem>>, vector<16xi32>,
          %get3A_445 = vector.shape_cast %get3A_444 : vector<16xi32> to vector<16xi32>
          %ge3A_446 = arith.constant 5000 : i32
          %ge3A_447 = vector.broadcast %ge3A_446 : i32 to vector<16xi32>
          %ge3A_448 = arith.cmpi sge, %get3A_445, %ge3A_447 : vector<16xi32>
          %sub3A_449 = arith.constant 5000 : i32
          %sub3A_450 = vector.broadcast %sub3A_449 : i32 to vector<16xi32>
          %sub3A_451 = arith.subi %get3A_445, %sub3A_450 : vector<16xi32>
          %jit3A_452 = arith.constant 5007 : i32
          %broadcast_in_dim3A_453 = vector.broadcast %jit3A_452 : i32 to vector<16xi32>
          %select_n3A_454 = arith.select %ge3A_448, %sub3A_451, %broadcast_in_dim3A_453 : vector<16xi1>, vector<16xi32>
          %swap3A_455 = arith.constant 16 : index
          %swap3A_456 = tpu.vector_load %arg8[%swap3A_455] {strides = array<i32>} : memref<128xi32, #tpu.memory_space<vmem>>, vector<16xi32>,
          %swap3A_457 = vector.shape_cast %swap3A_456 : vector<16xi32> to vector<16xi32>
          %swap3A_458 = vector.shape_cast %select_n3A_454 : vector<16xi32> to vector<16xi32>
          tpu.vector_store %arg8[%swap3A_455], %swap3A_458 {strides = array<i32>} : memref<128xi32, #tpu.memory_space<vmem>>, vector<16xi32>,
          %get3A_459 = arith.constant 32 : index
          %get3A_460 = tpu.vector_load %arg8[%get3A_459] {strides = array<i32>} : memref<128xi32, #tpu.memory_space<vmem>>, vector<16xi32>,
          %get3A_461 = vector.shape_cast %get3A_460 : vector<16xi32> to vector<16xi32>
          %ge3A_462 = arith.constant 5000 : i32
          %ge3A_463 = vector.broadcast %ge3A_462 : i32 to vector<16xi32>
          %ge3A_464 = arith.cmpi sge, %get3A_461, %ge3A_463 : vector<16xi32>
          %sub3A_465 = arith.constant 5000 : i32
          %sub3A_466 = vector.broadcast %sub3A_465 : i32 to vector<16xi32>
          %sub3A_467 = arith.subi %get3A_461, %sub3A_466 : vector<16xi32>
          %jit3A_468 = arith.constant 5007 : i32
          %broadcast_in_dim3A_469 = vector.broadcast %jit3A_468 : i32 to vector<16xi32>
          %select_n3A_470 = arith.select %ge3A_464, %sub3A_467, %broadcast_in_dim3A_469 : vector<16xi1>, vector<16xi32>
          %swap3A_471 = arith.constant 32 : index
          %swap3A_472 = tpu.vector_load %arg8[%swap3A_471] {strides = array<i32>} : memref<128xi32, #tpu.memory_space<vmem>>, vector<16xi32>,
          %swap3A_473 = vector.shape_cast %swap3A_472 : vector<16xi32> to vector<16xi32>
          %swap3A_474 = vector.shape_cast %select_n3A_470 : vector<16xi32> to vector<16xi32>
          tpu.vector_store %arg8[%swap3A_471], %swap3A_474 {strides = array<i32>} : memref<128xi32, #tpu.memory_space<vmem>>, vector<16xi32>,
          %get3A_475 = arith.constant 48 : index
          %get3A_476 = tpu.vector_load %arg8[%get3A_475] {strides = array<i32>} : memref<128xi32, #tpu.memory_space<vmem>>, vector<16xi32>,
          %get3A_477 = vector.shape_cast %get3A_476 : vector<16xi32> to vector<16xi32>
          %ge3A_478 = arith.constant 5000 : i32
          %ge3A_479 = vector.broadcast %ge3A_478 : i32 to vector<16xi32>
          %ge3A_480 = arith.cmpi sge, %get3A_477, %ge3A_479 : vector<16xi32>
          %sub3A_481 = arith.constant 5000 : i32
          %sub3A_482 = vector.broadcast %sub3A_481 : i32 to vector<16xi32>
          %sub3A_483 = arith.subi %get3A_477, %sub3A_482 : vector<16xi32>
          %jit3A_484 = arith.constant 5007 : i32
          %broadcast_in_dim3A_485 = vector.broadcast %jit3A_484 : i32 to vector<16xi32>
          %select_n3A_486 = arith.select %ge3A_480, %sub3A_483, %broadcast_in_dim3A_485 : vector<16xi1>, vector<16xi32>
          %swap3A_487 = arith.constant 48 : index
          %swap3A_488 = tpu.vector_load %arg8[%swap3A_487] {strides = array<i32>} : memref<128xi32, #tpu.memory_space<vmem>>, vector<16xi32>,
          %swap3A_489 = vector.shape_cast %swap3A_488 : vector<16xi32> to vector<16xi32>
          %swap3A_490 = vector.shape_cast %select_n3A_486 : vector<16xi32> to vector<16xi32>
          tpu.vector_store %arg8[%swap3A_487], %swap3A_490 {strides = array<i32>} : memref<128xi32, #tpu.memory_space<vmem>>, vector<16xi32>,
          %get3A_491 = arith.constant 64 : index
          %get3A_492 = tpu.vector_load %arg8[%get3A_491] {strides = array<i32>} : memref<128xi32, #tpu.memory_space<vmem>>, vector<16xi32>,
          %get3A_493 = vector.shape_cast %get3A_492 : vector<16xi32> to vector<16xi32>
          %ge3A_494 = arith.constant 5000 : i32
          %ge3A_495 = vector.broadcast %ge3A_494 : i32 to vector<16xi32>
          %ge3A_496 = arith.cmpi sge, %get3A_493, %ge3A_495 : vector<16xi32>
          %sub3A_497 = arith.constant 5000 : i32
          %sub3A_498 = vector.broadcast %sub3A_497 : i32 to vector<16xi32>
          %sub3A_499 = arith.subi %get3A_493, %sub3A_498 : vector<16xi32>
          %jit3A_500 = arith.constant 5007 : i32
          %broadcast_in_dim3A_501 = vector.broadcast %jit3A_500 : i32 to vector<16xi32>
          %select_n3A_502 = arith.select %ge3A_496, %sub3A_499, %broadcast_in_dim3A_501 : vector<16xi1>, vector<16xi32>
          %swap3A_503 = arith.constant 64 : index
          %swap3A_504 = tpu.vector_load %arg8[%swap3A_503] {strides = array<i32>} : memref<128xi32, #tpu.memory_space<vmem>>, vector<16xi32>,
          %swap3A_505 = vector.shape_cast %swap3A_504 : vector<16xi32> to vector<16xi32>
          %swap3A_506 = vector.shape_cast %select_n3A_502 : vector<16xi32> to vector<16xi32>
          tpu.vector_store %arg8[%swap3A_503], %swap3A_506 {strides = array<i32>} : memref<128xi32, #tpu.memory_space<vmem>>, vector<16xi32>,
          %get3A_507 = arith.constant 80 : index
          %get3A_508 = tpu.vector_load %arg8[%get3A_507] {strides = array<i32>} : memref<128xi32, #tpu.memory_space<vmem>>, vector<16xi32>,
          %get3A_509 = vector.shape_cast %get3A_508 : vector<16xi32> to vector<16xi32>
          %ge3A_510 = arith.constant 5000 : i32
          %ge3A_511 = vector.broadcast %ge3A_510 : i32 to vector<16xi32>
          %ge3A_512 = arith.cmpi sge, %get3A_509, %ge3A_511 : vector<16xi32>
          %sub3A_513 = arith.constant 5000 : i32
          %sub3A_514 = vector.broadcast %sub3A_513 : i32 to vector<16xi32>
          %sub3A_515 = arith.subi %get3A_509, %sub3A_514 : vector<16xi32>
          %jit3A_516 = arith.constant 5007 : i32
          %broadcast_in_dim3A_517 = vector.broadcast %jit3A_516 : i32 to vector<16xi32>
          %select_n3A_518 = arith.select %ge3A_512, %sub3A_515, %broadcast_in_dim3A_517 : vector<16xi1>, vector<16xi32>
          %swap3A_519 = arith.constant 80 : index
          %swap3A_520 = tpu.vector_load %arg8[%swap3A_519] {strides = array<i32>} : memref<128xi32, #tpu.memory_space<vmem>>, vector<16xi32>,
          %swap3A_521 = vector.shape_cast %swap3A_520 : vector<16xi32> to vector<16xi32>
          %swap3A_522 = vector.shape_cast %select_n3A_518 : vector<16xi32> to vector<16xi32>
          tpu.vector_store %arg8[%swap3A_519], %swap3A_522 {strides = array<i32>} : memref<128xi32, #tpu.memory_space<vmem>>, vector<16xi32>,
          %get3A_523 = arith.constant 96 : index
          %get3A_524 = tpu.vector_load %arg8[%get3A_523] {strides = array<i32>} : memref<128xi32, #tpu.memory_space<vmem>>, vector<16xi32>,
          %get3A_525 = vector.shape_cast %get3A_524 : vector<16xi32> to vector<16xi32>
          %ge3A_526 = arith.constant 5000 : i32
          %ge3A_527 = vector.broadcast %ge3A_526 : i32 to vector<16xi32>
          %ge3A_528 = arith.cmpi sge, %get3A_525, %ge3A_527 : vector<16xi32>
          %sub3A_529 = arith.constant 5000 : i32
          %sub3A_530 = vector.broadcast %sub3A_529 : i32 to vector<16xi32>
          %sub3A_531 = arith.subi %get3A_525, %sub3A_530 : vector<16xi32>
          %jit3A_532 = arith.constant 5007 : i32
          %broadcast_in_dim3A_533 = vector.broadcast %jit3A_532 : i32 to vector<16xi32>
          %select_n3A_534 = arith.select %ge3A_528, %sub3A_531, %broadcast_in_dim3A_533 : vector<16xi1>, vector<16xi32>
          %swap3A_535 = arith.constant 96 : index
          %swap3A_536 = tpu.vector_load %arg8[%swap3A_535] {strides = array<i32>} : memref<128xi32, #tpu.memory_space<vmem>>, vector<16xi32>,
          %swap3A_537 = vector.shape_cast %swap3A_536 : vector<16xi32> to vector<16xi32>
          %swap3A_538 = vector.shape_cast %select_n3A_534 : vector<16xi32> to vector<16xi32>
          tpu.vector_store %arg8[%swap3A_535], %swap3A_538 {strides = array<i32>} : memref<128xi32, #tpu.memory_space<vmem>>, vector<16xi32>,
          %get3A_539 = arith.constant 112 : index
          %get3A_540 = tpu.vector_load %arg8[%get3A_539] {strides = array<i32>} : memref<128xi32, #tpu.memory_space<vmem>>, vector<16xi32>,
          %get3A_541 = vector.shape_cast %get3A_540 : vector<16xi32> to vector<16xi32>
          %ge3A_542 = arith.constant 5000 : i32
          %ge3A_543 = vector.broadcast %ge3A_542 : i32 to vector<16xi32>
          %ge3A_544 = arith.cmpi sge, %get3A_541, %ge3A_543 : vector<16xi32>
          %sub3A_545 = arith.constant 5000 : i32
          %sub3A_546 = vector.broadcast %sub3A_545 : i32 to vector<16xi32>
          %sub3A_547 = arith.subi %get3A_541, %sub3A_546 : vector<16xi32>
          %jit3A_548 = arith.constant 5007 : i32
          %broadcast_in_dim3A_549 = vector.broadcast %jit3A_548 : i32 to vector<16xi32>
          %select_n3A_550 = arith.select %ge3A_544, %sub3A_547, %broadcast_in_dim3A_549 : vector<16xi1>, vector<16xi32>
          %swap3A_551 = arith.constant 112 : index
          %swap3A_552 = tpu.vector_load %arg8[%swap3A_551] {strides = array<i32>} : memref<128xi32, #tpu.memory_space<vmem>>, vector<16xi32>,
          %swap3A_553 = vector.shape_cast %swap3A_552 : vector<16xi32> to vector<16xi32>
          %swap3A_554 = vector.shape_cast %select_n3A_550 : vector<16xi32> to vector<16xi32>
          tpu.vector_store %arg8[%swap3A_551], %swap3A_554 {strides = array<i32>} : memref<128xi32, #tpu.memory_space<vmem>>, vector<16xi32>,
        } else {
        }
        %add3A_412 = arith.constant 1 : i32
        %add3A_413 = arith.addi %add3A_394, %add3A_412 : i32
        %lt3A_414 = arith.cmpi slt, %add3A_413, %max3A_55 : i32
        %ge3A_415 = arith.constant 1 : i32
        %ge3A_416 = arith.cmpi sge, %add3A_394, %ge3A_415 : i32
        %and3A_417 = arith.andi %lt3A_414, %ge3A_416 : i1
        %convert_element_type3A_418 = arith.extui %and3A_417 : i1 to i32
        %cond3A_419 = arith.constant 0 : i32
        %cond3A_420 = arith.cmpi ne, %convert_element_type3A_418, %cond3A_419 : i32
        scf.if %cond3A_420 {
          %dma_wait3A_429 = arith.constant 0 : i32
          %dma_wait3A_430 = arith.constant 0 : i32
          %dma_wait3A_431 = tpu.memref_slice %arg3[%dma_wait3A_429, %dma_wait3A_430] : memref<320000x128xf32, #tpu.memory_space<hbm>> -> memref<128x128xf32, #tpu.memory_space<hbm>>
          %dma_wait3A_432 = arith.constant 0 : i32
          %dma_wait3A_433 = arith.constant 0 : i32
          %dma_wait3A_434 = tpu.memref_slice %arg3[%dma_wait3A_432, %dma_wait3A_433] : memref<320000x128xf32, #tpu.memory_space<hbm>> -> memref<128x128xf32, #tpu.memory_space<hbm>>
          tpu.wait_dma2 semaphore(%arg18 : memref<!tpu.dma_semaphore, #tpu.memory_space<semaphore_mem>>) src(%dma_wait3A_434 : memref<128x128xf32, #tpu.memory_space<hbm>>) dst(%arg9 : memref<128x128xf32, #tpu.memory_space<vmem>>)
        } else {
        }
        %add3A_421 = arith.constant 1 : i32
        %add3A_422 = arith.addi %add3A_394, %add3A_421 : i32
        %lt3A_423 = arith.cmpi slt, %add3A_422, %max3A_55 : i32
        %convert_element_type3A_424 = arith.extui %lt3A_423 : i1 to i32
        %cond3A_425 = arith.constant 0 : i32
        %cond3A_426 = arith.cmpi ne, %convert_element_type3A_424, %cond3A_425 : i32
        scf.if %cond3A_426 {
          %add3A_429 = arith.constant 1 : i32
          %add3A_430 = arith.addi %add3A_394, %add3A_429 : i32
          %add3A_431 = arith.addi %select_n3A, %arg1 : i32
          %mul3A_432 = arith.constant 16 : i32
          %mul3A_433 = arith.muli %mul3A_432, %add3A_430 : i32
          %add3A_434 = arith.addi %add3A_431, %mul3A_433 : i32
          %mul3A_435 = arith.constant 128 : i32
          %mul3A_436 = arith.muli %add3A_434, %mul3A_435 : i32
          %dma_start3A_437 = tpu.memref_slice %arg2[%mul3A_436] : memref<320000xi32, #tpu.memory_space<hbm>> -> memref<128xi32, #tpu.memory_space<hbm>>
          %dma_start3A_438 = tpu.memref_slice %arg2[%mul3A_436] : memref<320000xi32, #tpu.memory_space<hbm>> -> memref<128xi32, #tpu.memory_space<hbm>>
          tpu.enqueue_dma source(%dma_start3A_438 : memref<128xi32, #tpu.memory_space<hbm>>) target(%arg7 : memref<128xi32, #tpu.memory_space<vmem>>) target_semaphore(%arg14 : memref<!tpu.dma_semaphore, #tpu.memory_space<semaphore_mem>>)
        } else {
        }
        %dma_start3A = arith.constant 0 : i32
        %dma_start3A_427 = arith.constant 0 : i32
        %dma_start3A_428 = tpu.memref_slice %arg13[%dma_start3A, %dma_start3A_427] : memref<5008x128xf32, #tpu.memory_space<vmem_shared>> -> memref<5008x128xf32, #tpu.memory_space<vmem_shared>>
        tpu.enqueue_indirect_dma source(%arg11 : memref<128x128xf32, #tpu.memory_space<vmem>>) target(%dma_start3A_428 : memref<5008x128xf32, #tpu.memory_space<vmem_shared>>) offsets(%arg8 : memref<128xi32, #tpu.memory_space<vmem>>) semaphore(%arg19 : memref<!tpu.dma_semaphore, #tpu.memory_space<semaphore_mem>>) {add = true}
      } else {
      }
    }
    %ge3A_265 = arith.constant 1 : i32
    %ge3A_266 = arith.cmpi sge, %max3A_55, %ge3A_265 : i32
    %sub3A_267 = arith.constant 1 : i32
    %sub3A_268 = arith.subi %max3A_55, %sub3A_267 : i32
    %jit3A_269 = arith.constant 2 : i32
    %eq3A_270 = arith.constant 0 : i32
    %eq3A_271 = arith.cmpi eq, %jit3A_269, %eq3A_270 : i32
    %jit3A_272 = arith.constant 1 : i32
    %select_n3A_273 = arith.select %eq3A_271, %jit3A_272, %jit3A_269 : i32
    %rem3A_274 = arith.remsi %sub3A_268, %select_n3A_273 : i32
    %ne3A_275 = arith.constant 0 : i32
    %ne3A_276 = arith.cmpi ne, %rem3A_274, %ne3A_275 : i32
    %lt3A_277 = arith.constant 0 : i32
    %lt3A_278 = arith.cmpi slt, %rem3A_274, %lt3A_277 : i32
    %lt3A_279 = arith.constant 0 : i32
    %lt3A_280 = arith.cmpi slt, %select_n3A_273, %lt3A_279 : i32
    %ne3A_281 = arith.xori %lt3A_278, %lt3A_280 : i1
    %and3A_282 = arith.andi %ne3A_281, %ne3A_276 : i1
    %add3A_283 = arith.addi %rem3A_274, %select_n3A_273 : i32
    %select_n3A_284 = arith.select %and3A_282, %add3A_283, %rem3A_274 : i32
    %eq3A_285 = arith.constant 0 : i32
    %eq3A_286 = arith.cmpi eq, %select_n3A_284, %eq3A_285 : i32
    %and3A_287 = arith.andi %ge3A_266, %eq3A_286 : i1
    %convert_element_type3A_288 = arith.extui %and3A_287 : i1 to i32
    %cond3A_289 = arith.constant 0 : i32
    %cond3A_290 = arith.cmpi ne, %convert_element_type3A_288, %cond3A_289 : i32
    scf.if %cond3A_290 {
      %dma_wait3A = arith.constant 0 : i32
      %dma_wait3A_382 = arith.constant 0 : i32
      %dma_wait3A_383 = tpu.memref_slice %arg3[%dma_wait3A, %dma_wait3A_382] : memref<320000x128xf32, #tpu.memory_space<hbm>> -> memref<128x128xf32, #tpu.memory_space<hbm>>
      %dma_wait3A_384 = arith.constant 0 : i32
      %dma_wait3A_385 = arith.constant 0 : i32
      %dma_wait3A_386 = tpu.memref_slice %arg3[%dma_wait3A_384, %dma_wait3A_385] : memref<320000x128xf32, #tpu.memory_space<hbm>> -> memref<128x128xf32, #tpu.memory_space<hbm>>
      tpu.wait_dma2 semaphore(%arg18 : memref<!tpu.dma_semaphore, #tpu.memory_space<semaphore_mem>>) src(%dma_wait3A_386 : memref<128x128xf32, #tpu.memory_space<hbm>>) dst(%arg9 : memref<128x128xf32, #tpu.memory_space<vmem>>)
    } else {
    }
    %ge3A_291 = arith.constant 2 : i32
    %ge3A_292 = arith.cmpi sge, %max3A_55, %ge3A_291 : i32
    %sub3A_293 = arith.constant 2 : i32
    %sub3A_294 = arith.subi %max3A_55, %sub3A_293 : i32
    %jit3A_295 = arith.constant 2 : i32
    %eq3A_296 = arith.constant 0 : i32
    %eq3A_297 = arith.cmpi eq, %jit3A_295, %eq3A_296 : i32
    %jit3A_298 = arith.constant 1 : i32
    %select_n3A_299 = arith.select %eq3A_297, %jit3A_298, %jit3A_295 : i32
    %rem3A_300 = arith.remsi %sub3A_294, %select_n3A_299 : i32
    %ne3A_301 = arith.constant 0 : i32
    %ne3A_302 = arith.cmpi ne, %rem3A_300, %ne3A_301 : i32
    %lt3A_303 = arith.constant 0 : i32
    %lt3A_304 = arith.cmpi slt, %rem3A_300, %lt3A_303 : i32
    %lt3A_305 = arith.constant 0 : i32
    %lt3A_306 = arith.cmpi slt, %select_n3A_299, %lt3A_305 : i32
    %ne3A_307 = arith.xori %lt3A_304, %lt3A_306 : i1
    %and3A_308 = arith.andi %ne3A_307, %ne3A_302 : i1
    %add3A_309 = arith.addi %rem3A_300, %select_n3A_299 : i32
    %select_n3A_310 = arith.select %and3A_308, %add3A_309, %rem3A_300 : i32
    %eq3A_311 = arith.constant 0 : i32
    %eq3A_312 = arith.cmpi eq, %select_n3A_310, %eq3A_311 : i32
    %and3A_313 = arith.andi %ge3A_292, %eq3A_312 : i1
    %convert_element_type3A_314 = arith.extui %and3A_313 : i1 to i32
    %cond3A_315 = arith.constant 0 : i32
    %cond3A_316 = arith.cmpi ne, %convert_element_type3A_314, %cond3A_315 : i32
    scf.if %cond3A_316 {
      %dma_wait3A = arith.constant 0 : i32
      %dma_wait3A_382 = arith.constant 0 : i32
      %dma_wait3A_383 = tpu.memref_slice %arg3[%dma_wait3A, %dma_wait3A_382] : memref<320000x128xf32, #tpu.memory_space<hbm>> -> memref<128x128xf32, #tpu.memory_space<hbm>>
      %dma_wait3A_384 = arith.constant 0 : i32
      %dma_wait3A_385 = arith.constant 0 : i32
      %dma_wait3A_386 = tpu.memref_slice %arg3[%dma_wait3A_384, %dma_wait3A_385] : memref<320000x128xf32, #tpu.memory_space<hbm>> -> memref<128x128xf32, #tpu.memory_space<hbm>>
      tpu.wait_dma2 semaphore(%arg18 : memref<!tpu.dma_semaphore, #tpu.memory_space<semaphore_mem>>) src(%dma_wait3A_386 : memref<128x128xf32, #tpu.memory_space<hbm>>) dst(%arg9 : memref<128x128xf32, #tpu.memory_space<vmem>>)
    } else {
    }
    %ge3A_317 = arith.constant 1 : i32
    %ge3A_318 = arith.cmpi sge, %max3A_55, %ge3A_317 : i32
    %sub3A_319 = arith.constant 1 : i32
    %sub3A_320 = arith.subi %max3A_55, %sub3A_319 : i32
    %jit3A_321 = arith.constant 2 : i32
    %eq3A_322 = arith.constant 0 : i32
    %eq3A_323 = arith.cmpi eq, %jit3A_321, %eq3A_322 : i32
    %jit3A_324 = arith.constant 1 : i32
    %select_n3A_325 = arith.select %eq3A_323, %jit3A_324, %jit3A_321 : i32
    %rem3A_326 = arith.remsi %sub3A_320, %select_n3A_325 : i32
    %ne3A_327 = arith.constant 0 : i32
    %ne3A_328 = arith.cmpi ne, %rem3A_326, %ne3A_327 : i32
    %lt3A_329 = arith.constant 0 : i32
    %lt3A_330 = arith.cmpi slt, %rem3A_326, %lt3A_329 : i32
    %lt3A_331 = arith.constant 0 : i32
    %lt3A_332 = arith.cmpi slt, %select_n3A_325, %lt3A_331 : i32
    %ne3A_333 = arith.xori %lt3A_330, %lt3A_332 : i1
    %and3A_334 = arith.andi %ne3A_333, %ne3A_328 : i1
    %add3A_335 = arith.addi %rem3A_326, %select_n3A_325 : i32
    %select_n3A_336 = arith.select %and3A_334, %add3A_335, %rem3A_326 : i32
    %eq3A_337 = arith.constant 1 : i32
    %eq3A_338 = arith.cmpi eq, %select_n3A_336, %eq3A_337 : i32
    %and3A_339 = arith.andi %ge3A_318, %eq3A_338 : i1
    %convert_element_type3A_340 = arith.extui %and3A_339 : i1 to i32
    %cond3A_341 = arith.constant 0 : i32
    %cond3A_342 = arith.cmpi ne, %convert_element_type3A_340, %cond3A_341 : i32
    scf.if %cond3A_342 {
      %dma_wait3A = arith.constant 0 : i32
      %dma_wait3A_382 = arith.constant 0 : i32
      %dma_wait3A_383 = tpu.memref_slice %arg3[%dma_wait3A, %dma_wait3A_382] : memref<320000x128xf32, #tpu.memory_space<hbm>> -> memref<128x128xf32, #tpu.memory_space<hbm>>
      %dma_wait3A_384 = arith.constant 0 : i32
      %dma_wait3A_385 = arith.constant 0 : i32
      %dma_wait3A_386 = tpu.memref_slice %arg3[%dma_wait3A_384, %dma_wait3A_385] : memref<320000x128xf32, #tpu.memory_space<hbm>> -> memref<128x128xf32, #tpu.memory_space<hbm>>
      tpu.wait_dma2 semaphore(%arg19 : memref<!tpu.dma_semaphore, #tpu.memory_space<semaphore_mem>>) src(%dma_wait3A_386 : memref<128x128xf32, #tpu.memory_space<hbm>>) dst(%arg10 : memref<128x128xf32, #tpu.memory_space<vmem>>)
    } else {
    }
    %ge3A_343 = arith.constant 2 : i32
    %ge3A_344 = arith.cmpi sge, %max3A_55, %ge3A_343 : i32
    %sub3A_345 = arith.constant 2 : i32
    %sub3A_346 = arith.subi %max3A_55, %sub3A_345 : i32
    %jit3A_347 = arith.constant 2 : i32
    %eq3A_348 = arith.constant 0 : i32
    %eq3A_349 = arith.cmpi eq, %jit3A_347, %eq3A_348 : i32
    %jit3A_350 = arith.constant 1 : i32
    %select_n3A_351 = arith.select %eq3A_349, %jit3A_350, %jit3A_347 : i32
    %rem3A_352 = arith.remsi %sub3A_346, %select_n3A_351 : i32
    %ne3A_353 = arith.constant 0 : i32
    %ne3A_354 = arith.cmpi ne, %rem3A_352, %ne3A_353 : i32
    %lt3A_355 = arith.constant 0 : i32
    %lt3A_356 = arith.cmpi slt, %rem3A_352, %lt3A_355 : i32
    %lt3A_357 = arith.constant 0 : i32
    %lt3A_358 = arith.cmpi slt, %select_n3A_351, %lt3A_357 : i32
    %ne3A_359 = arith.xori %lt3A_356, %lt3A_358 : i1
    %and3A_360 = arith.andi %ne3A_359, %ne3A_354 : i1
    %add3A_361 = arith.addi %rem3A_352, %select_n3A_351 : i32
    %select_n3A_362 = arith.select %and3A_360, %add3A_361, %rem3A_352 : i32
    %eq3A_363 = arith.constant 1 : i32
    %eq3A_364 = arith.cmpi eq, %select_n3A_362, %eq3A_363 : i32
    %and3A_365 = arith.andi %ge3A_344, %eq3A_364 : i1
    %convert_element_type3A_366 = arith.extui %and3A_365 : i1 to i32
    %cond3A_367 = arith.constant 0 : i32
    %cond3A_368 = arith.cmpi ne, %convert_element_type3A_366, %cond3A_367 : i32
    scf.if %cond3A_368 {
      %dma_wait3A = arith.constant 0 : i32
      %dma_wait3A_382 = arith.constant 0 : i32
      %dma_wait3A_383 = tpu.memref_slice %arg3[%dma_wait3A, %dma_wait3A_382] : memref<320000x128xf32, #tpu.memory_space<hbm>> -> memref<128x128xf32, #tpu.memory_space<hbm>>
      %dma_wait3A_384 = arith.constant 0 : i32
      %dma_wait3A_385 = arith.constant 0 : i32
      %dma_wait3A_386 = tpu.memref_slice %arg3[%dma_wait3A_384, %dma_wait3A_385] : memref<320000x128xf32, #tpu.memory_space<hbm>> -> memref<128x128xf32, #tpu.memory_space<hbm>>
      tpu.wait_dma2 semaphore(%arg19 : memref<!tpu.dma_semaphore, #tpu.memory_space<semaphore_mem>>) src(%dma_wait3A_386 : memref<128x128xf32, #tpu.memory_space<hbm>>) dst(%arg10 : memref<128x128xf32, #tpu.memory_space<vmem>>)
    } else {
    }
    %barrier3A_369 = arith.constant 0 : index
    tpu.barrier barrier_id(%barrier3A_369)
    %mul3A_370 = arith.constant 312 : i32
    %mul3A_371 = arith.muli %arg1, %mul3A_370 : i32
    %eq3A_372 = arith.constant 15 : i32
    %eq3A_373 = arith.cmpi eq, %arg1, %eq3A_372 : i32
    %convert_element_type3A_374 = arith.extui %eq3A_373 : i1 to i32
    %cond3A_375 = arith.constant 0 : i32
    %cond3A_376 = arith.cmpi ne, %convert_element_type3A_374, %cond3A_375 : i32
    scf.if %cond3A_376 {
      "tpu.region"() ({
        %run_scoped3A = tpu.sem_alloc : memref<!tpu.dma_semaphore, #tpu.memory_space<semaphore_mem>>
        %dma_start3A = arith.constant 0 : i32
        %dma_start3A_382 = arith.constant 0 : i32
        %dma_start3A_383 = tpu.memref_slice %arg6[%arg0, %dma_start3A, %dma_start3A_382] : memref<2x5008x128xf32, #tpu.memory_space<hbm>> -> memref<1x5008x128xf32, #tpu.memory_space<hbm>>
        %dma_start3A_384 = tpu.memref_squeeze %dma_start3A_383 : memref<1x5008x128xf32, #tpu.memory_space<hbm>> -> memref<5008x128xf32, #tpu.memory_space<hbm>>
        %dma_start3A_385 = arith.constant 0 : i32
        %dma_start3A_386 = tpu.memref_slice %dma_start3A_384[%mul3A_371, %dma_start3A_385] : memref<5008x128xf32, #tpu.memory_space<hbm>> -> memref<328x128xf32, #tpu.memory_space<hbm>>
        %dma_start3A_387 = arith.constant 0 : i32
        %dma_start3A_388 = tpu.memref_slice %arg13[%mul3A_371, %dma_start3A_387] : memref<5008x128xf32, #tpu.memory_space<vmem_shared>> -> memref<328x128xf32, #tpu.memory_space<vmem_shared>>
        tpu.enqueue_dma source(%dma_start3A_388 : memref<328x128xf32, #tpu.memory_space<vmem_shared>>) target(%dma_start3A_386 : memref<328x128xf32, #tpu.memory_space<hbm>>) target_semaphore(%run_scoped3A : memref<!tpu.dma_semaphore, #tpu.memory_space<semaphore_mem>>)
        %dma_wait3A = arith.constant 0 : i32
        %dma_wait3A_389 = arith.constant 0 : i32
        %dma_wait3A_390 = tpu.memref_slice %arg6[%arg0, %dma_wait3A, %dma_wait3A_389] : memref<2x5008x128xf32, #tpu.memory_space<hbm>> -> memref<1x5008x128xf32, #tpu.memory_space<hbm>>
        %dma_wait3A_391 = tpu.memref_squeeze %dma_wait3A_390 : memref<1x5008x128xf32, #tpu.memory_space<hbm>> -> memref<5008x128xf32, #tpu.memory_space<hbm>>
        %dma_wait3A_392 = arith.constant 0 : i32
        %dma_wait3A_393 = tpu.memref_slice %dma_wait3A_391[%mul3A_371, %dma_wait3A_392] : memref<5008x128xf32, #tpu.memory_space<hbm>> -> memref<328x128xf32, #tpu.memory_space<hbm>>
        %dma_wait3A_394 = arith.constant 0 : i32
        %dma_wait3A_395 = tpu.memref_slice %arg13[%mul3A_371, %dma_wait3A_394] : memref<5008x128xf32, #tpu.memory_space<vmem_shared>> -> memref<328x128xf32, #tpu.memory_space<vmem_shared>>
        tpu.wait_dma2 semaphore(%run_scoped3A : memref<!tpu.dma_semaphore, #tpu.memory_space<semaphore_mem>>) src(%dma_wait3A_395 : memref<328x128xf32, #tpu.memory_space<vmem_shared>>) dst(%dma_wait3A_393 : memref<328x128xf32, #tpu.memory_space<hbm>>)
        tpu.yield
      }) : () -> ()
    } else {
    }
    %ne3A_377 = arith.constant 15 : i32
    %ne3A_378 = arith.cmpi ne, %arg1, %ne3A_377 : i32
    %convert_element_type3A_379 = arith.extui %ne3A_378 : i1 to i32
    %cond3A_380 = arith.constant 0 : i32
    %cond3A_381 = arith.cmpi ne, %convert_element_type3A_379, %cond3A_380 : i32
    scf.if %cond3A_381 {
      "tpu.region"() ({
        %run_scoped3A = tpu.sem_alloc : memref<!tpu.dma_semaphore, #tpu.memory_space<semaphore_mem>>
        %dma_start3A = arith.constant 0 : i32
        %dma_start3A_382 = arith.constant 0 : i32
        %dma_start3A_383 = tpu.memref_slice %arg6[%arg0, %dma_start3A, %dma_start3A_382] : memref<2x5008x128xf32, #tpu.memory_space<hbm>> -> memref<1x5008x128xf32, #tpu.memory_space<hbm>>
        %dma_start3A_384 = tpu.memref_squeeze %dma_start3A_383 : memref<1x5008x128xf32, #tpu.memory_space<hbm>> -> memref<5008x128xf32, #tpu.memory_space<hbm>>
        %dma_start3A_385 = arith.constant 0 : i32
        %dma_start3A_386 = tpu.memref_slice %dma_start3A_384[%mul3A_371, %dma_start3A_385] : memref<5008x128xf32, #tpu.memory_space<hbm>> -> memref<312x128xf32, #tpu.memory_space<hbm>>
        %dma_start3A_387 = arith.constant 0 : i32
        %dma_start3A_388 = tpu.memref_slice %arg13[%mul3A_371, %dma_start3A_387] : memref<5008x128xf32, #tpu.memory_space<vmem_shared>> -> memref<312x128xf32, #tpu.memory_space<vmem_shared>>
        tpu.enqueue_dma source(%dma_start3A_388 : memref<312x128xf32, #tpu.memory_space<vmem_shared>>) target(%dma_start3A_386 : memref<312x128xf32, #tpu.memory_space<hbm>>) target_semaphore(%run_scoped3A : memref<!tpu.dma_semaphore, #tpu.memory_space<semaphore_mem>>)
        %dma_wait3A = arith.constant 0 : i32
        %dma_wait3A_389 = arith.constant 0 : i32
        %dma_wait3A_390 = tpu.memref_slice %arg6[%arg0, %dma_wait3A, %dma_wait3A_389] : memref<2x5008x128xf32, #tpu.memory_space<hbm>> -> memref<1x5008x128xf32, #tpu.memory_space<hbm>>
        %dma_wait3A_391 = tpu.memref_squeeze %dma_wait3A_390 : memref<1x5008x128xf32, #tpu.memory_space<hbm>> -> memref<5008x128xf32, #tpu.memory_space<hbm>>
        %dma_wait3A_392 = arith.constant 0 : i32
        %dma_wait3A_393 = tpu.memref_slice %dma_wait3A_391[%mul3A_371, %dma_wait3A_392] : memref<5008x128xf32, #tpu.memory_space<hbm>> -> memref<312x128xf32, #tpu.memory_space<hbm>>
        %dma_wait3A_394 = arith.constant 0 : i32
        %dma_wait3A_395 = tpu.memref_slice %arg13[%mul3A_371, %dma_wait3A_394] : memref<5008x128xf32, #tpu.memory_space<vmem_shared>> -> memref<312x128xf32, #tpu.memory_space<vmem_shared>>
        tpu.wait_dma2 semaphore(%run_scoped3A : memref<!tpu.dma_semaphore, #tpu.memory_space<semaphore_mem>>) src(%dma_wait3A_395 : memref<312x128xf32, #tpu.memory_space<vmem_shared>>) dst(%dma_wait3A_393 : memref<312x128xf32, #tpu.memory_space<hbm>>)
        tpu.yield
      }) : () -> ()
    } else {
    }
    return
  }
}

module attributes {stable_mosaic.version = 14 : i64} {
  func.func @body(%arg0: i32, %arg1: memref<1x1000x128xf32, #tpu.memory_space<vmem>>, %arg2: memref<1x1000x128xf32, #tpu.memory_space<vmem>>, %arg3: memref<1000x128xf32, #tpu.memory_space<vmem>>, %arg4: memref<128x256xf32, #tpu.memory_space<vmem>>, %arg5: memref<128x256xf32, #tpu.memory_space<vmem>>, %arg6: memref<1x256xf32, #tpu.memory_space<vmem>>, %arg7: memref<256x128xf32, #tpu.memory_space<vmem>>, %arg8: memref<1x128xf32, #tpu.memory_space<vmem>>, %arg9: memref<1000x128xf32, #tpu.memory_space<vmem>>) attributes {dimension_semantics = [#tpu.dimension_semantics<arbitrary>], iteration_bounds = array<i64: 10>, scalar_prefetch = 0 : i64, scratch_operands = 0 : i64, tpu.core_type = #tpu.core_type<tc>, window_params = [{transform_indices = @transform_0, window_bounds = array<i64: 1, 1000, 128>}, {transform_indices = @transform_1, window_bounds = array<i64: 1, 1000, 128>}, {transform_indices = @transform_2, window_bounds = array<i64: 1000, 128>}, {pipeline_mode = #tpu.pipeline_mode<synchronous>, transform_indices = @transform_3, window_bounds = array<i64: 128, 256>}, {pipeline_mode = #tpu.pipeline_mode<synchronous>, transform_indices = @transform_4, window_bounds = array<i64: 128, 256>}, {pipeline_mode = #tpu.pipeline_mode<synchronous>, transform_indices = @transform_5, window_bounds = array<i64: 1, 256>}, {pipeline_mode = #tpu.pipeline_mode<synchronous>, transform_indices = @transform_6, window_bounds = array<i64: 256, 128>}, {pipeline_mode = #tpu.pipeline_mode<synchronous>, transform_indices = @transform_7, window_bounds = array<i64: 1, 128>}, {transform_indices = @transform_8, window_bounds = array<i64: 1000, 128>}]} {
    %get3A = arith.constant 0 : index
    %get3A_0 = arith.constant 0 : index
    %get3A_1 = arith.constant 0 : index
    %get3A_2 = vector.load %arg1[%get3A, %get3A_0, %get3A_1] : memref<1x1000x128xf32, #tpu.memory_space<vmem>>, vector<1x1000x128xf32>
    %get3A_3 = vector.shape_cast %get3A_2 : vector<1x1000x128xf32> to vector<1000x128xf32>
    %get3A_4 = arith.constant 0 : index
    %get3A_5 = arith.constant 0 : index
    %get3A_6 = arith.constant 0 : index
    %get3A_7 = vector.load %arg2[%get3A_4, %get3A_5, %get3A_6] : memref<1x1000x128xf32, #tpu.memory_space<vmem>>, vector<1x1000x1xf32>
    %get3A_8 = vector.shape_cast %get3A_7 : vector<1x1000x1xf32> to vector<1000x1xf32>
    %max3A = arith.constant 1.000000e+00 : f32
    %max3A_9 = vector.broadcast %max3A : f32 to vector<1000x1xf32>
    %max3A_10 = arith.maximumf %get3A_8, %max3A_9 : vector<1000x1xf32>
    %div3A = vector.broadcast %max3A_10 : vector<1000x1xf32> to vector<1000x128xf32>
    %div3A_11 = arith.divf %get3A_3, %div3A : vector<1000x128xf32>
    %get3A_12 = arith.constant 0 : index
    %get3A_13 = arith.constant 0 : index
    %get3A_14 = vector.load %arg4[%get3A_12, %get3A_13] : memref<128x256xf32, #tpu.memory_space<vmem>>, vector<128x256xf32>
    %dot_general3A = arith.constant dense<0.000000e+00> : vector<1000x256xf32>
    %dot_general3A_15 = tpu.matmul %div3A_11, %get3A_14, %dot_general3A {dimension_numbers = #tpu.dot_dimension_numbers<[1], [0], [0], [1], [0, 0, 1, 1], [], []>, precision = #tpu.contract_precision<fp32>, transpose_lhs_hint = false} : vector<1000x128xf32>, vector<128x256xf32>, vector<1000x256xf32> -> vector<1000x256xf32>
    %get3A_16 = arith.constant 0 : index
    %get3A_17 = arith.constant 0 : index
    %get3A_18 = vector.load %arg3[%get3A_16, %get3A_17] : memref<1000x128xf32, #tpu.memory_space<vmem>>, vector<1000x128xf32>
    %get3A_19 = arith.constant 0 : index
    %get3A_20 = arith.constant 0 : index
    %get3A_21 = vector.load %arg5[%get3A_19, %get3A_20] : memref<128x256xf32, #tpu.memory_space<vmem>>, vector<128x256xf32>
    %dot_general3A_22 = arith.constant dense<0.000000e+00> : vector<1000x256xf32>
    %dot_general3A_23 = tpu.matmul %get3A_18, %get3A_21, %dot_general3A_22 {dimension_numbers = #tpu.dot_dimension_numbers<[1], [0], [0], [1], [0, 0, 1, 1], [], []>, precision = #tpu.contract_precision<fp32>, transpose_lhs_hint = false} : vector<1000x128xf32>, vector<128x256xf32>, vector<1000x256xf32> -> vector<1000x256xf32>
    %add3A = arith.addf %dot_general3A_15, %dot_general3A_23 : vector<1000x256xf32>
    %get3A_24 = arith.constant 0 : index
    %get3A_25 = arith.constant 0 : index
    %get3A_26 = vector.load %arg6[%get3A_24, %get3A_25] : memref<1x256xf32, #tpu.memory_space<vmem>>, vector<1x256xf32>
    %add3A_27 = vector.broadcast %get3A_26 : vector<1x256xf32> to vector<1000x256xf32>
    %add3A_28 = arith.addf %add3A, %add3A_27 : vector<1000x256xf32>
    %max3A_29 = arith.constant 0.000000e+00 : f32
    %max3A_30 = vector.broadcast %max3A_29 : f32 to vector<1000x256xf32>
    %max3A_31 = arith.maximumf %add3A_28, %max3A_30 : vector<1000x256xf32>
    %get3A_32 = arith.constant 0 : index
    %get3A_33 = arith.constant 0 : index
    %get3A_34 = vector.load %arg7[%get3A_32, %get3A_33] : memref<256x128xf32, #tpu.memory_space<vmem>>, vector<256x128xf32>
    %dot_general3A_35 = arith.constant dense<0.000000e+00> : vector<1000x128xf32>
    %dot_general3A_36 = tpu.matmul %max3A_31, %get3A_34, %dot_general3A_35 {dimension_numbers = #tpu.dot_dimension_numbers<[1], [0], [0], [1], [0, 0, 1, 1], [], []>, precision = #tpu.contract_precision<fp32>, transpose_lhs_hint = false} : vector<1000x256xf32>, vector<256x128xf32>, vector<1000x128xf32> -> vector<1000x128xf32>
    %get3A_37 = arith.constant 0 : index
    %get3A_38 = arith.constant 0 : index
    %get3A_39 = vector.load %arg8[%get3A_37, %get3A_38] : memref<1x128xf32, #tpu.memory_space<vmem>>, vector<1x128xf32>
    %add3A_40 = vector.broadcast %get3A_39 : vector<1x128xf32> to vector<1000x128xf32>
    %add3A_41 = arith.addf %dot_general3A_36, %add3A_40 : vector<1000x128xf32>
    %swap3A = arith.constant 0 : index
    %swap3A_42 = arith.constant 0 : index
    %swap3A_43 = vector.load %arg9[%swap3A, %swap3A_42] : memref<1000x128xf32, #tpu.memory_space<vmem>>, vector<1000x128xf32>
    tpu.vector_store %arg9[%swap3A, %swap3A_42], %add3A_41 {strides = array<i32>} : memref<1000x128xf32, #tpu.memory_space<vmem>>, vector<1000x128xf32>,
    return
  }
  func.func @transform_0(%arg0: i32) -> (i32, i32, i32) {
    %jit3A = arith.constant 5 : i32
    %div3A = arith.divsi %arg0, %jit3A : i32
    %sign3A = arith.constant 0 : i32
    %sign3A_0 = arith.cmpi sgt, %arg0, %sign3A : i32
    %sign3A_1 = arith.extui %sign3A_0 : i1 to i32
    %sign3A_2 = arith.constant 0 : i32
    %sign3A_3 = arith.cmpi slt, %arg0, %sign3A_2 : i32
    %sign3A_4 = arith.extui %sign3A_3 : i1 to i32
    %sign3A_5 = arith.subi %sign3A_1, %sign3A_4 : i32
    %sign3A_6 = arith.constant 0 : i32
    %sign3A_7 = arith.cmpi sgt, %jit3A, %sign3A_6 : i32
    %sign3A_8 = arith.extui %sign3A_7 : i1 to i32
    %sign3A_9 = arith.constant 0 : i32
    %sign3A_10 = arith.cmpi slt, %jit3A, %sign3A_9 : i32
    %sign3A_11 = arith.extui %sign3A_10 : i1 to i32
    %sign3A_12 = arith.subi %sign3A_8, %sign3A_11 : i32
    %ne3A = arith.cmpi ne, %sign3A_5, %sign3A_12 : i32
    %rem3A = arith.remsi %arg0, %jit3A : i32
    %ne3A_13 = arith.constant 0 : i32
    %ne3A_14 = arith.cmpi ne, %rem3A, %ne3A_13 : i32
    %and3A = arith.andi %ne3A, %ne3A_14 : i1
    %sub3A = arith.constant 1 : i32
    %sub3A_15 = arith.subi %div3A, %sub3A : i32
    %select_n3A = arith.select %and3A, %sub3A_15, %div3A : i32
    %jit3A_16 = arith.constant 5 : i32
    %eq3A = arith.constant 0 : i32
    %eq3A_17 = arith.cmpi eq, %jit3A_16, %eq3A : i32
    %jit3A_18 = arith.constant 1 : i32
    %select_n3A_19 = arith.select %eq3A_17, %jit3A_18, %jit3A_16 : i32
    %rem3A_20 = arith.remsi %arg0, %select_n3A_19 : i32
    %ne3A_21 = arith.constant 0 : i32
    %ne3A_22 = arith.cmpi ne, %rem3A_20, %ne3A_21 : i32
    %lt3A = arith.constant 0 : i32
    %lt3A_23 = arith.cmpi slt, %rem3A_20, %lt3A : i32
    %lt3A_24 = arith.constant 0 : i32
    %lt3A_25 = arith.cmpi slt, %select_n3A_19, %lt3A_24 : i32
    %ne3A_26 = arith.xori %lt3A_23, %lt3A_25 : i1
    %and3A_27 = arith.andi %ne3A_26, %ne3A_22 : i1
    %add3A = arith.addi %rem3A_20, %select_n3A_19 : i32
    %select_n3A_28 = arith.select %and3A_27, %add3A, %rem3A_20 : i32
    %c0_i32 = arith.constant 0 : i32
    %c0_i32_29 = arith.constant 0 : i32
    return %select_n3A, %select_n3A_28, %c0_i32 : i32, i32, i32
  }
  func.func @transform_1(%arg0: i32) -> (i32, i32, i32) {
    %jit3A = arith.constant 5 : i32
    %div3A = arith.divsi %arg0, %jit3A : i32
    %sign3A = arith.constant 0 : i32
    %sign3A_0 = arith.cmpi sgt, %arg0, %sign3A : i32
    %sign3A_1 = arith.extui %sign3A_0 : i1 to i32
    %sign3A_2 = arith.constant 0 : i32
    %sign3A_3 = arith.cmpi slt, %arg0, %sign3A_2 : i32
    %sign3A_4 = arith.extui %sign3A_3 : i1 to i32
    %sign3A_5 = arith.subi %sign3A_1, %sign3A_4 : i32
    %sign3A_6 = arith.constant 0 : i32
    %sign3A_7 = arith.cmpi sgt, %jit3A, %sign3A_6 : i32
    %sign3A_8 = arith.extui %sign3A_7 : i1 to i32
    %sign3A_9 = arith.constant 0 : i32
    %sign3A_10 = arith.cmpi slt, %jit3A, %sign3A_9 : i32
    %sign3A_11 = arith.extui %sign3A_10 : i1 to i32
    %sign3A_12 = arith.subi %sign3A_8, %sign3A_11 : i32
    %ne3A = arith.cmpi ne, %sign3A_5, %sign3A_12 : i32
    %rem3A = arith.remsi %arg0, %jit3A : i32
    %ne3A_13 = arith.constant 0 : i32
    %ne3A_14 = arith.cmpi ne, %rem3A, %ne3A_13 : i32
    %and3A = arith.andi %ne3A, %ne3A_14 : i1
    %sub3A = arith.constant 1 : i32
    %sub3A_15 = arith.subi %div3A, %sub3A : i32
    %select_n3A = arith.select %and3A, %sub3A_15, %div3A : i32
    %jit3A_16 = arith.constant 5 : i32
    %eq3A = arith.constant 0 : i32
    %eq3A_17 = arith.cmpi eq, %jit3A_16, %eq3A : i32
    %jit3A_18 = arith.constant 1 : i32
    %select_n3A_19 = arith.select %eq3A_17, %jit3A_18, %jit3A_16 : i32
    %rem3A_20 = arith.remsi %arg0, %select_n3A_19 : i32
    %ne3A_21 = arith.constant 0 : i32
    %ne3A_22 = arith.cmpi ne, %rem3A_20, %ne3A_21 : i32
    %lt3A = arith.constant 0 : i32
    %lt3A_23 = arith.cmpi slt, %rem3A_20, %lt3A : i32
    %lt3A_24 = arith.constant 0 : i32
    %lt3A_25 = arith.cmpi slt, %select_n3A_19, %lt3A_24 : i32
    %ne3A_26 = arith.xori %lt3A_23, %lt3A_25 : i1
    %and3A_27 = arith.andi %ne3A_26, %ne3A_22 : i1
    %add3A = arith.addi %rem3A_20, %select_n3A_19 : i32
    %select_n3A_28 = arith.select %and3A_27, %add3A, %rem3A_20 : i32
    %c0_i32 = arith.constant 0 : i32
    %c0_i32_29 = arith.constant 0 : i32
    return %select_n3A, %select_n3A_28, %c0_i32 : i32, i32, i32
  }
  func.func @transform_2(%arg0: i32) -> (i32, i32) {
    %c0_i32 = arith.constant 0 : i32
    %c0_i32_0 = arith.constant 0 : i32
    return %arg0, %c0_i32 : i32, i32
  }
  func.func @transform_3(%arg0: i32) -> (i32, i32) {
    %c0_i32 = arith.constant 0 : i32
    %c0_i32_0 = arith.constant 0 : i32
    %c0_i32_1 = arith.constant 0 : i32
    return %c0_i32, %c0_i32_0 : i32, i32
  }
  func.func @transform_4(%arg0: i32) -> (i32, i32) {
    %c0_i32 = arith.constant 0 : i32
    %c0_i32_0 = arith.constant 0 : i32
    %c0_i32_1 = arith.constant 0 : i32
    return %c0_i32, %c0_i32_0 : i32, i32
  }
  func.func @transform_5(%arg0: i32) -> (i32, i32) {
    %c0_i32 = arith.constant 0 : i32
    %c0_i32_0 = arith.constant 0 : i32
    %c0_i32_1 = arith.constant 0 : i32
    return %c0_i32, %c0_i32_0 : i32, i32
  }
  func.func @transform_6(%arg0: i32) -> (i32, i32) {
    %c0_i32 = arith.constant 0 : i32
    %c0_i32_0 = arith.constant 0 : i32
    %c0_i32_1 = arith.constant 0 : i32
    return %c0_i32, %c0_i32_0 : i32, i32
  }
  func.func @transform_7(%arg0: i32) -> (i32, i32) {
    %c0_i32 = arith.constant 0 : i32
    %c0_i32_0 = arith.constant 0 : i32
    %c0_i32_1 = arith.constant 0 : i32
    return %c0_i32, %c0_i32_0 : i32, i32
  }
  func.func @transform_8(%arg0: i32) -> (i32, i32) {
    %c0_i32 = arith.constant 0 : i32
    %c0_i32_0 = arith.constant 0 : i32
    return %arg0, %c0_i32 : i32, i32
  }
}

</mosaic_0001>

<sc_bundles>
// kernel: kernel.4.cloned.1.call-start
scs
__scs_entry_jumppad:
0x0: {  	(pc) =	sbr.rel $0x88, $3  }
0x1: {  	(tag) =	ssettag $0x0;
	lr =	simm.s32 $0x1  }
0x2: {  	[smem:$0x3F9A] =	sst lr;
	_ =	strace $0xD0000000  }
0x3: {  	_ = 	snop  }
0x4: {  	_ = 	snop  }
0x5: {  	_ = 	snop  }
0x6: {  	_ = 	snop  }
0x7: {  	_ = 	snop  }
__scs_overlays_trampoline_lowered:
0x8: {  	[smem:$0x3FA9] =	sst s0  }
0x9: {  	[smem:$0x3FAA] =	sst s1  }
0xa: {  	[smem:$0x3FAB] =	sst s2  }
0xb: {  	[smem:$0x3FAC] =	sst s3  }
0xc: {  	[smem:$0x3FAD] =	sst s4  }
0xd: {  	[smem:$0x3FAE] =	sst s5  }
0xe: {  	[smem:$0x3FAF] =	sst s6  }
0xf: {  	[smem:$0x3FB0] =	sst s7  }
0x10: {  	[smem:$0x3FB1] =	sst s8  }
0x11: {  	[smem:$0x3FB2] =	sst s9;
	s0 =	simm.s32 @!p0 $0x0  }
0x12: {  	s1 =	sld [smem:$0x3F98];
	s0 =	simm.s32 @p0 $0x1  }
0x13: {  	[smem:$0x3FB3] =	sst s0;
	s0 =	simm.s32 @!p1 $0x0  }
0x14: {  	s2 =	sld [smem:$0x3F97];
	s0 =	simm.s32 @p1 $0x1  }
0x15: {  	[smem:$0x3FB4] =	sst s0;
	s0 =	simm.s32 @!p2 $0x0  }
0x16: {  	s3 =	sld [smem:$0x3FDB];
	s0 =	simm.s32 @p2 $0x1  }
0x17: {  	s4 =	simm.s32 $0x1BF5;
	[smem:$0x3FB6] =	sst s0  }
0x18: {  	s0 =	sld [smem:$0x3F99];
	_ =	swait.ge [sflag:s4], $0x0  }
0x19: {  	s7 =	sld [smem:$0x3F9A]  }
0x1a: {  	s8 =	sadd.s32 $0xFFFFE003, lr  }
0x1b: {  	s9 =	sadd.s32 $0xFFFFFEF7, lr;
	s5 =	simm.s32 $0xFFFFFFFF;
	p2 =	slt.u32 s8, $0xFFFFF086  }
0x1c: {  	p1 =	slt.u32 s9, $0xF7A;
	s5 =	simm.s32 @!p2 $0x0  }
0x1d: {  	s5 =	simm.s32 @p1 $0x1;
	p0 =	seq.s32 s7, s2  }
0x1e: {  	s7 =	smul.u32 @!p0 $0xF7A, s2;
	p2 =	seq.s32 @!p0 s5, $0x0  }
0x1f: {  	s9 =	smul.u32 $0xF7A, s1;
	s8 =	simm.s32 @!p0 $0x1BF5;
	p2 =	por !p2, p0  }
0x20: {  	[sflag:s8] =	ssyncset.s32 @!p0 $0xFFFFF086;
	s6 =	sadd.s32 @!p0 s3, s7;
	s7 =	simm.s32 @!p0 $0x108  }
0x21: {  	s3 =	sadd.s32 s3, s9;
	s6 =	sadd.s32 @!p0 $0x88, s6;
	s7 =	simm.s32 @p2 $0x1082  }
0x22: {  	[simem:s7], [sflag:s8] =	dma.local @!p0 [hbm:s6], $0xF7A  }
0x23: {  	s9 =	sor.u32 $0xD0000000, s2;
	s6 =	simm.s32 $0x108;
	_ =	swait.ge @!p0 [sflag:s8], $0x0  }
0x24: {  	s3 =	sadd.s32 $0x88, s3;
	s6 =	simm.s32 @!p1 $0x1082;
	[sflag:s4] =	ssyncset.s32 $0xFFFFF086  }
0x25: {  	[simem:s6], [sflag:s4] =	dma.local [hbm:s3], $0xF7A  }
0x26: {  	[smem:$0x3F9A] =	sst s1;
	(tag) =	ssettag s2;
	_ =	strace s9  }
0x27: {  	s1 =	sld [smem:$0x3FAA]  }
0x28: {  	s2 =	sld [smem:$0x3FAB]  }
0x29: {  	s4 =	sld [smem:$0x3FAD]  }
0x2a: {  	p0 =	seq.s32 s5, $0x0;
	s5 =	sld [smem:$0x3FAE]  }
0x2b: {  	s6 =	sld [smem:$0x3FAF]  }
0x2c: {  	s7 =	sld [smem:$0x3FB0]  }
0x2d: {  	s3 =	simm.s32 $0x108;
	s8 =	sld [smem:$0x3FB1]  }
0x2e: {  	s3 =	simm.s32 @!p0 $0x1082;
	s9 =	sld [smem:$0x3FB2]  }
0x2f: {  	lr =	sadd.s32 s0, s3;
	s0 =	sld [smem:$0x3FA9]  }
0x30: {  	s3 =	sld [smem:$0x3FAC]  }
0x31: {  	[smem:$0x3FB5] =	sst s10  }
0x32: {  	s10 =	sld [smem:$0x3FB3];
	_ =	sdelay $0x3  }
0x33: {  	p0 =	seq.s32 s10, $0x1;
	s10 =	sld [smem:$0x3FB5];
	_ =	sdelay $0x3  }
0x34: {  	[smem:$0x3FB5] =	sst s10  }
0x35: {  	s10 =	sld [smem:$0x3FB4];
	_ =	sdelay $0x3  }
0x36: {  	p1 =	seq.s32 s10, $0x1;
	s10 =	sld [smem:$0x3FB5];
	_ =	sdelay $0x3  }
0x37: {  	[smem:$0x3FB5] =	sst s10  }
0x38: {  	s10 =	sld [smem:$0x3FB6]  }
0x39: {  	_ = 	snop;
	(pc) =	sbr.ind lr, $3  }
0x3a: {  	_ = 	snop  }
0x3b: {  	_ = 	snop  }
0x3c: {  	p2 =	seq.s32 s10, $0x1;
	s10 =	sld [smem:$0x3FB5]  }
0x3d: {  	_ =	shalt  }
0x3e: {  	_ =	shalt  }
0x3f: {  	_ =	shalt  }
0x40: {  	_ =	shalt  }
0x41: {  	_ =	shalt  }
0x42: {  	_ =	shalt  }
0x43: {  	_ =	shalt  }
0x44: {  	_ =	shalt  }
0x45: {  	_ =	shalt  }
0x46: {  	_ =	shalt  }
0x47: {  	_ =	shalt  }
0x48: {  	_ =	shalt  }
0x49: {  	_ =	shalt  }
0x4a: {  	_ =	shalt  }
0x4b: {  	_ =	shalt  }
0x4c: {  	_ =	shalt  }
0x4d: {  	_ =	shalt  }
0x4e: {  	_ =	shalt  }
0x4f: {  	_ =	shalt  }
0x50: {  	_ =	shalt  }
0x51: {  	_ =	shalt  }
0x52: {  	_ =	shalt  }
0x53: {  	_ =	shalt  }
0x54: {  	_ =	shalt  }
0x55: {  	_ =	shalt  }
0x56: {  	_ =	shalt  }
0x57: {  	_ =	shalt  }
0x58: {  	_ =	shalt  }
0x59: {  	_ =	shalt  }
0x5a: {  	_ =	shalt  }
0x5b: {  	_ =	shalt  }
0x5c: {  	_ =	shalt  }
0x5d: {  	_ =	shalt  }
0x5e: {  	_ =	shalt  }
0x5f: {  	_ =	shalt  }
0x60: {  	_ =	shalt  }
0x61: {  	_ =	shalt  }
0x62: {  	_ =	shalt  }
0x63: {  	_ =	shalt  }
0x64: {  	_ =	shalt  }
0x65: {  	_ =	shalt  }
0x66: {  	_ =	shalt  }
0x67: {  	_ =	shalt  }
0x68: {  	_ =	shalt  }
0x69: {  	_ =	shalt  }
0x6a: {  	_ =	shalt  }
0x6b: {  	_ =	shalt  }
0x6c: {  	_ =	shalt  }
0x6d: {  	_ =	shalt  }
0x6e: {  	_ =	shalt  }
0x6f: {  	_ =	shalt  }
0x70: {  	_ =	shalt  }
0x71: {  	_ =	shalt  }
0x72: {  	_ =	shalt  }
0x73: {  	_ =	shalt  }
0x74: {  	_ =	shalt  }
0x75: {  	_ =	shalt  }
0x76: {  	_ =	shalt  }
0x77: {  	_ =	shalt  }
0x78: {  	_ =	shalt  }
0x79: {  	_ =	shalt  }
0x7a: {  	_ =	shalt  }
0x7b: {  	_ =	shalt  }
0x7c: {  	_ =	shalt  }
0x7d: {  	_ =	shalt  }
0x7e: {  	_ =	shalt  }
0x7f: {  	_ =	shalt  }
0x80: {  	_ =	shalt  }
0x81: {  	_ =	shalt  }
0x82: {  	_ =	shalt  }
0x83: {  	_ =	shalt  }
0x84: {  	_ =	shalt  }
0x85: {  	_ =	shalt  }
0x86: {  	_ =	shalt  }
0x87: {  	_ =	shalt  }
.Lfunc_end0:
.L_simem_size_0:
called_computation_lowered:
.L_overlay_start_0:
0x88: {  	s2 =	sld [smem:$0x3FD9]  }
0x89: {  	s3 =	sld [smem:$0x3FFE];
	_ =	sdelay $0x1  }
0x8a: {  	s1 =	srdreg.scid  }
0x8b: {  	s0 =	sand.u32 $0x1, s1  }
0x8c: {  	s17 =	sshll.u32 s0, $0xA;
	s2 =	sadd.s32 s3, s2  }
0x8d: {  	s2 =	sadd.s32 s2, s17  }
0x8e: {  	[smem:$0x3FC1] =	sst s2  }
0x8f: {  	_ = 	snop  }
0x90: {  	s2 =	sld [smem:$0x3FC9]  }
0x91: {  	s18 =	sld [smem:$0x3FC7]  }
0x92: {  	s4 =	sld [smem:$0x3FD0];
	(tm) =	ssettm $0x1  }
0x93: {  	s5 =	sld [smem:$0x3FFB];
	_ =	sdelay $0x3  }
0x94: {  	_ =	strace s5  }
0x95: {  	s5 =	sld [smem:$0x3FFC];
	_ =	sdelay $0x3  }
0x96: {  	_ =	strace s5  }
0x97: {  	s5 =	sld [smem:$0x3FFD];
	_ =	sdelay $0x3  }
0x98: {  	_ =	strace s5  }
0x99: {  	_ =	strace $0x8FFFFFFF  }
0x9a: {  	s19 =	sld [smem:$0x3FDB];
	_ =	sdelay $0x1  }
0x9b: {  	s6 =	simm.s32 $_scs_section_size  }
0x9c: {  	s7 =	simm.s32 $_size__tile_overlayer_lowered;
	s8 =	simm.s32 $_tile_overlayer_lowered  }
0x9d: {  	s22 =	simm.s32 $0x1BFF;
	s21 =	sshll.u32 s8, $0x1;
	s5 =	sadd.s32 s6, s19  }
0x9e: {  	s9 =	simm.s32 $0x0;
	s20 =	sshll.u32 s7, $0x1;
	s7 =	sadd.s32 s21, s5  }
0x9f: {  	[timem:s9], [sflag:s22] =	dma.local [hbm:s7], s20  }
0xa0: {  	_ =	swait.ge [sflag:s22], s20  }
0xa1: {  	s6 =	ssub.s32 $0x0, s20;
	[sflag:s22] =	ssyncset.done $0x0  }
0xa2: {  	[sflag:s22] =	ssyncadd.s32 s6;
	_ =	sdelay $0x1  }
0xa3: {  	s23 =	simm.s32 $0x1B8B  }
0xa4: {  	_ =	swait.ge [sflag:s23], $0x1  }
0xa5: {  	[sflag:s23] =	ssyncset.done $0x0  }
0xa6: {  	s25 =	simm.s32 $0x1B8E;
	s24 =	sld [smem:$0x3FFE];
	[sflag:s23] =	ssyncadd.s32 $0xFFFFFFFF  }
0xa7: {  	s26 =	simm.s32 $execute0_lowered;
	[smem:$0x3FD2] =	sst s25  }
0xa8: {  	s7 =	sshll.u32 s26, $0x1;
	_ =	strace $0x80000046;
	[dreg:$0x1] =	wrdreg $0xFFFFFFFF  }
0xa9: {  	s28 =	simm.s32 $_size_execute0_lowered;
	s5 =	sadd.s32 s5, s7;
	[dreg:$0x0] =	wrdreg $0x0  }
0xaa: {  	s7 =	sshll.u32 s28, $0x1;
	[dreg:$0x2] =	wrdreg s5  }
0xab: {  	[dreg:$0x3] =	wrdreg s7  }
0xac: {  	[dreg:$0x4] =	wrdreg $0xC0  }
0xad: {  	_ =	task [dreg:s9], $0x5FFFF  }
0xae: {  	[dreg:$0x1] =	wrdreg $0xFFFFFFFF  }
0xaf: {  	[dreg:$0x0] =	wrdreg $0x60  }
0xb0: {  	[dreg:$0x2] =	wrdreg s18  }
0xb1: {  	[dreg:$0x3] =	wrdreg s2  }
0xb2: {  	[dreg:$0x4] =	wrdreg s4  }
0xb3: {  	[dreg:$0x5] =	wrdreg s24  }
0xb4: {  	[dreg:$0x6] =	wrdreg $0xC1800  }
0xb5: {  	[dreg:$0x7] =	wrdreg $0x9  }
0xb6: {  	_ =	task.clear_ibuf [dreg:s9], $0x8FFFF;
	_ =	strace $0x90000046  }
0xb7: {  	s29 =	simm.s32 $0x9;
	_ =	strace $0x80000048  }
0xb8: {  	_ =	swait.ge [sflag:s29], $0x1  }
0xb9: {  	[sflag:s29] =	ssyncadd.s32 $0xFFFFFFFF  }
0xba: {  	_ =	strace $0x90000048  }
0xbb: {  	_ =	sfence  }
0xbc: {  	s30 =	sld [smem:$0x0];
	_ =	sdelay $0x2  }
0xbd: {  	s31 =	sshll.u32 s1, $0xD;
	s1 =	sshrl.u32 s1, $0x2  }
0xbe: {  	s3 =	sand.u32 $0x4000, s31;
	s1 =	sadd.s32 s1, s30  }
0xbf: {  	s0 =	sor.u32 s3, s0;
	s1 =	sshll.u32 s1, $0x11  }
0xc0: {  	s0 =	sor.u32 s1, s0  }
0xc1: {  	s0 =	sadd.s32 $0x8F2B, s0  }
0xc2: {  	[sflag:s0] =	ssyncadd.remote.s32 $0x1  }
0xc3: {  	_ =	sfence.sel $0xFFFF  }
0xc4: {  	[dreg:$0x0] =	wrdreg $0xFFFFFFFF;
	(pc) =	sbr.abs _section_cstart, $3  }
0xc5: {  	[dreg:$0x1] =	wrdreg $0xFFFFFFFF  }
0xc6: {  	_ =	task.clear_ibuf [dreg:s9], $0x2FFFF;
	_ =	strace $0x9FFFFFFF  }
0xc7: {  	(tm) =	ssettm $0x7FFFFFFF  }
tec
execute0_lowered:
.L_overlay_start_1:
0x0: {  	(tag) =	ssettag $0x1  }
0x1: {  	s1 =	rddreg [dreg:$0x0]  }
0x2: {  	s6 =	rddreg [dreg:$0x1]  }
0x3: {  	s0 =	rddreg [dreg:$0x2]  }
0x4: {  	s2 =	rddreg [dreg:$0x3]  }
0x5: {  	s3 =	rddreg [dreg:$0x4];
	s4 =	srdreg.scid  }
0x6: {  	s5 =	simm.s32 $0x0;
	s10 =	stileid.u32;
	s16 =	simm.s32 $0x1  }
0x7: {  	s17 =	simm.s32 $0xC100;
	s18 =	simm.s32 $0x7;
	s19 =	simm.s32 $0x80  }
0x8: {  	s20 =	simm.s32 $0x8100;
	s21 =	simm.s32 $0x2;
	s22 =	simm.s32 $0x3  }
0x9: {  	s23 =	simm.s32 $0x100;
	s24 =	simm.s32 $0x4;
	s8 =	smul.u32 $0x27000, s10  }
0xa: {  	s4 =	sand.u32 $0x1, s4;
	[smem:$0x7FF] =	sst s5;
	s11 =	smul.u32 $0x1380, s10  }
0xb: {  	p0 =	sne.s32 s10, $0xF;
	s31 =	sadd.s32 $0x10000, s6;
	s7 =	smul.u32 $0x13900, s4  }
0xc: {  	_ =	strace $0x80000047;
	s9 =	ssub.s32 $0x2, s4;
	[dreg:$0xc] =	wrdreg s31  }
0xd: {  	p1 =	seq.s32 s4, $0x0;
	p2 =	sne.s32 s4, $0x0;
	s25 =	sshrl.u32 s9, $0x1  }
0xe: {  	s8 =	sshrl.u32 s8, $0x2;
	[dreg:$0x6] =	wrdreg s11;
	s26 =	sadd.s32 s0, s11  }
0xf: {  	s0 =	sadd.s32 $0x12480, s0;
	s2 =	sadd.s32 s7, s2;
	s7 =	ssub.s32 s9, s25  }
0x10: {  	s8 =	sadd.s32 s8, s3;
	[dreg:$0x7] =	wrdreg s26;
	s9 =	sadd.s32 $0x92400, s3  }
0x11: {  	[dreg:$0x8] =	wrdreg s0;
	s0 =	sshll.u32 @p0 s10, $0x6;
	s28 =	sadd.s32 $0x1800, s2  }
.Ltmp0:
0x12: {  	s29 =	sadd.s32 $0x28A00, s2;
	[dreg:$0x9] =	wrdreg s28;
	(pc) =	sbr.rel .LBB2_1-.Ltmp0, $4  }
0x13: {  	s25 =	simm.s32 $0x4100;
	s0 =	sor.u32 @p0 $0x1C07, s0;
	[dreg:$0xa] =	wrdreg s29  }
0x14: {  	s30 =	smax.u32 s7, $0x1;
	[dreg:$0xd] =	wrdreg s0;
	s0 =	simm.s32 @!p1 $0x0  }
0x15: {  	s26 =	simm.s32 $0x0;
	[dreg:$0xb] =	wrdreg s30;
	s0 =	simm.s32 @p1 $0x1  }
0x16: {  	v0 =	vimm.f32 $1.000000000e+00;
	s14 =	sshrl.u32 @p0 s8, $0x3;
	s15 =	sshrl.u32 @!p0 s9, $0x3;
	[smem:$0x7FD] =	sst s0  }
.LBB2_19:
0x17: {  	s0 =	sld [smem:$0x7F9];
	_ =	sdelay $0x2  }
0x18: {  	p3 =	seq.s32 s0, $0x1  }
0x19: {  	_ =	swait.ge @p3 [sflag:s4], $0x4000  }
0x1a: {  	[sflag:s4] =	ssyncset.done @p3 $0x0  }
0x1b: {  	[sflag:s4] =	ssyncadd.s32 @p3 $0xFFFFC000  }
0x1c: {  	_ =	swait.ge @p6 [sflag:s12], $0x4000  }
0x1d: {  	[sflag:s12] =	ssyncset.done @p6 $0x0  }
0x1e: {  	[sflag:s12] =	ssyncadd.s32 @p6 $0xFFFFC000  }
0x1f: {  	_ =	swait.ge @p1 [sflag:s11], $0x4000  }
0x20: {  	[sflag:s11] =	ssyncset.done @p1 $0x0  }
0x21: {  	[sflag:s11] =	ssyncadd.s32 @p1 $0xFFFFC000  }
0x22: {  	_ =	swait.ge @p4 [sflag:s7], $0x4000  }
0x23: {  	[sflag:s7] =	ssyncset.done @p4 $0x0  }
0x24: {  	[sflag:s7] =	ssyncadd.s32 @p4 $0xFFFFC000  }
0x25: {  	[bflag:$0x0] =	sbarrier.arrive $0xFFFF  }
0x26: {  	s0 =	rddreg [dreg:$0x6]  }
0x27: {  	s2 =	rddreg [dreg:$0xa]  }
0x28: {  	s4 =	rddreg [dreg:$0xd];
	s0 =	sadd.s32 @p0 s0, s2  }
0x29: {  	[hbm:s0], [sflag:s4] =	dma.local @p0 [spmem:s14], $0x1380  }
0x2a: {  	_ =	swait.ge @p0 [sflag:s8], $0x1380  }
0x2b: {  	[sflag:s8] =	ssyncset.done @p0 $0x0  }
0x2c: {  	s0 =	sadd.s32 @!p0 $0x12480, s2;
	[sflag:s8] =	ssyncadd.s32 @p0 $0xFFFFEC80  }
0x2d: {  	[hbm:s0], [sflag:s10] =	dma.local @!p0 [spmem:s15], $0x1480  }
0x2e: {  	_ =	swait.ge @!p0 [sflag:s9], $0x1480  }
0x2f: {  	s26 =	sadd.s32 $0x1, s26;
	s31 =	rddreg [dreg:$0xb]  }
0x30: {  	p1 =	sne.s32 s26, s31  }
.Ltmp1:
0x31: {  	_ = 	snop;
	(pc) =	sbr.rel @!p1 .LBB2_20-.Ltmp1, $3  }
0x32: {  	_ =	sdelay $0x1  }
0x33: {  	[sflag:s9] =	ssyncset.done @!p0 $0x0  }
0x34: {  	[sflag:s9] =	ssyncadd.s32 @!p0 $0xFFFFEB80  }
.LBB2_1:
0x35: {  	s0 =	simm.s32 $0x0;
	s2 =	simm.s32 $0x200  }
.LBB2_2:
0x36: {  	p1 =	sne.s32 s2, $0xFE00;
	[tilespmem:s0+$0x8170] =	vst v0  }
0x37: {  	[tilespmem:s0+$0x8100] =	vst v0  }
0x38: {  	[tilespmem:s0+$0x8110] =	vst v0  }
.Ltmp2:
0x39: {  	[tilespmem:s0+$0x8120] =	vst v0;
	(pc) =	sbr.rel @p1 .LBB2_2-.Ltmp2, $4  }
0x3a: {  	[tilespmem:s0+$0x8130] =	vst v0  }
0x3b: {  	[tilespmem:s0+$0x8140] =	vst v0  }
0x3c: {  	[tilespmem:s0+$0x8150] =	vst v0  }
0x3d: {  	[tilespmem:s0+$0x8160] =	vst v0;
	s0 =	sshra.s32 s2, $0x2;
	s2 =	sadd.s32 $0x200, s2  }
0x3e: {  	[tilespmem:s0+$0x8170] =	vst v0  }
0x3f: {  	[tilespmem:s0+$0x8100] =	vst v0  }
0x40: {  	[tilespmem:s0+$0x8110] =	vst v0  }
0x41: {  	[tilespmem:s0+$0x8120] =	vst v0  }
0x42: {  	[tilespmem:s0+$0x8130] =	vst v0  }
0x43: {  	[tilespmem:s0+$0x8140] =	vst v0  }
0x44: {  	[tilespmem:s0+$0x8150] =	vst v0  }
0x45: {  	[tilespmem:s0+$0x8160] =	vst v0;
	s0 =	rddreg [dreg:$0x7]  }
0x46: {  	s2 =	rddreg [dreg:$0xd]  }
0x47: {  	[spmem:s14], [sflag:s2] =	dma.local @p0 [hbm:s0], $0x1380  }
0x48: {  	s0 =	simm.s32 @p0 $0x7  }
0x49: {  	_ =	swait.ge @p0 [sflag:s0], $0x1380  }
0x4a: {  	s29 =	simm.s32 $0x9C4;
	[sflag:s0] =	ssyncset.done @p0 $0x0  }
0x4b: {  	s2 =	rddreg [dreg:$0x8];
	[sflag:s0] =	ssyncadd.s32 @p0 $0xFFFFEC80;
	s0 =	simm.s32 @!p0 $0x1FC7  }
0x4c: {  	[spmem:s15], [sflag:s0] =	dma.local @!p0 [hbm:s2], $0x1480  }
0x4d: {  	s0 =	sand.u32 $0x1, s29  }
0x4e: {  	p1 =	por $0x0, $0x0;
	p3 =	seq.s32 s0, $0x1  }
0x4f: {  	p1 =	por !p1, !p3  }
0x50: {  	s0 =	simm.s32 $0x1;
	p1 =	por !p1, !p1  }
0x51: {  	s0 =	simm.s32 @!p1 $0x0  }
0x52: {  	s9 =	ssub.s32 $0x4E2, s0  }
0x53: {  	p1 =	slt.s32 s9, $0x9C3  }
0x54: {  	s0 =	simm.s32 @!p0 $0x7;
	s9 =	simm.s32 @!p1 $0x9C3  }
0x55: {  	_ =	swait.ge @!p0 [sflag:s0], $0x1480;
	s30 =	sshll.u32 s9, $0x4  }
0x56: {  	[sflag:s0] =	ssyncset.done @!p0 $0x0;
	s2 =	sand.u32 $0x1FFFFFF0, s30  }
0x57: {  	[sflag:s0] =	ssyncadd.s32 @!p0 $0xFFFFEB80;
	s31 =	sadd.s32 s1, s2  }
0x58: {  	[tilespmem:s17], [sflag:$0x7] =	stream.linear.gather [hbm4b:s31+s5], $0x10, $0x38;
	[tilespmem:$0x15E00] =	vst v63  }
0x59: {  	_ =	swait.ge [sflag:s18], $0x10  }
0x5a: {  	[sflag:s18] =	ssyncset.done $0x0  }
0x5b: {  	[sflag:s18] =	ssyncadd.s32 $0xFFFFFFF0  }
0x5c: {  	v1 =	vld [tilespmem:$0xC100];
	_ =	sdelay $0x4  }
0x5d: {  	(v2sf) =	vpush v1, $0x0;
	_ =	sdelay $0xe  }
0x5e: {  	s7 =	simm.s32 $0x0;
	p3 =	por $0x1, $0x1;
	s4 =	spop (v2sf)  }
0x5f: {  	s0 =	simm.s32 $0x9C4;
	s8 =	sadd.s32 $0x1, s9;
	p1 =	slt.s32 s4, $0x1388  }
0x60: {  	p4 =	sgt.s32 s4, $0x1387;
	s7 =	smov.u32 @p1 s8;
	s8 =	simm.s32 $0x9C4  }
0x61: {  	s2 =	simm.s32 $0x0;
	s4 =	simm.s32 $0xB;
	s8 =	smov.u32 @p4 s9  }
.LBB2_4:
0x62: {  	p1 =	sne.s32 s4, $0x1;
	s2 =	smov.u32 @p3 s7;
	s0 =	smov.u32 @p3 s8  }
0x63: {  	s4 =	sadd.s32 $0xFFFFFFFF, s4;
	s7 =	sadd.s32 s2, s0  }
0x64: {  	s8 =	sshrl.u32 s7, $0x1F;
	s9 =	sand.u32 $0x1, s7  }
0x65: {  	p3 =	slt.s32 s7, $0x1;
	s8 =	sadd.s32 s8, s7;
	p4 =	seq.s32 s9, $0x1  }
0x66: {  	p3 =	por !p3, !p4  }
0x67: {  	s7 =	sshra.s32 s8, $0x1;
	s8 =	simm.s32 $0x1;
	p3 =	por !p3, !p3  }
0x68: {  	s8 =	simm.s32 @!p3 $0x0  }
0x69: {  	s9 =	ssub.s32 s7, s8  }
0x6a: {  	p3 =	slt.s32 s9, $0x9C3  }
0x6b: {  	s9 =	simm.s32 @!p3 $0x9C3  }
0x6c: {  	s7 =	sshll.u32 s9, $0x4  }
0x6d: {  	s7 =	sand.u32 $0x1FFFFFF0, s7  }
0x6e: {  	s7 =	sadd.s32 s1, s7  }
0x6f: {  	[tilespmem:s17], [sflag:$0x7] =	stream.linear.gather [hbm4b:s7+s5], $0x10, $0x38;
	[tilespmem:$0x15E00] =	vst v63  }
0x70: {  	_ =	swait.ge [sflag:s18], $0x10  }
0x71: {  	[sflag:s18] =	ssyncset.done $0x0  }
0x72: {  	[sflag:s18] =	ssyncadd.s32 $0xFFFFFFF0  }
0x73: {  	v1 =	vld [tilespmem:$0xC100];
	_ =	sdelay $0x4  }
0x74: {  	(v2sf) =	vpush v1, $0x0;
	_ =	sdelay $0xd  }
.Ltmp3:
0x75: {  	(pc) =	sbr.rel @p1 .LBB2_4-.Ltmp3, $4  }
0x76: {  	s8 =	sadd.s32 $0x1, s9;
	s7 =	spop (v2sf)  }
0x77: {  	p4 =	sgt.s32 s7, $0x1387;
	p5 =	slt.s32 s7, $0x1388;
	s7 =	smov.u32 s2  }
0x78: {  	s7 =	smov.u32 @p5 s8;
	s8 =	smov.u32 s0  }
0x79: {  	p3 =	slt.s32 s2, s0;
	s8 =	smov.u32 @p4 s9  }
0x7a: {  	s0 =	smov.u32 @p3 s8;
	s4 =	sld [smem:$0x7FD]  }
0x7b: {  	s2 =	sadd.s32 $0xFFFFFFFF, s0  }
0x7c: {  	p1 =	sgt.s32 s2, $0x0  }
0x7d: {  	s2 =	simm.s32 @!p1 $0x0;
	p1 =	seq.s32 s4, $0x1  }
0x7e: {  	s9 =	stileid.u32;
	s2 =	simm.s32 @p1 $0x0  }
0x7f: {  	s0 =	simm.s32 @!p1 $0x9C4;
	s30 =	sadd.s32 s9, s2  }
0x80: {  	s0 =	ssub.s32 s0, s30  }
0x81: {  	s0 =	sadd.s32 $0xF, s0  }
0x82: {  	s10 =	sand.u32 $0xF, s0  }
0x83: {  	s11 =	sshra.s32 s0, $0x1F;
	p5 =	slt.s32 s0, $0x1;
	p6 =	sne.s32 s10, $0x0  }
0x84: {  	s12 =	sshrl.u32 s11, $0x1C;
	p1 =	por !p5, !p6  }
0x85: {  	s2 =	simm.s32 $0x1;
	s0 =	sadd.s32 s12, s0;
	p1 =	por !p1, !p1  }
0x86: {  	s0 =	sshra.s32 s0, $0x4;
	s2 =	simm.s32 @!p1 $0x0  }
0x87: {  	[bflag:$0x0] =	sbarrier.arrive $0xFFFF;
	s7 =	ssub.s32 s0, s2  }
0x88: {  	s4 =	rddreg [dreg:$0x1];
	p1 =	slt.s32 s7, $0x1  }
0x89: {  	p3 =	sgt.s32 s7, $0x0;
	s28 =	smov.u32 s7;
	s0 =	sshll.u32 @!p1 s30, $0x4  }
0x8a: {  	s2 =	sshll.u32 @!p1 s30, $0xB;
	s28 =	simm.s32 @!p3 $0x0;
	s0 =	sand.u32 @!p1 $0x1FFFFFF0, s0  }
0x8b: {  	s2 =	sand.u32 @!p1 $0x1FFFF800, s2;
	s31 =	sadd.s32 @!p1 s1, s0;
	s0 =	simm.s32 @!p1 $0x0  }
0x8c: {  	[tilespmem:s0], [sflag:$0x1] =	stream.linear.gather @!p1 [hbm4b:s31+s0], $0x80, $0x38;
	[tilespmem:$0x15E00] =	vst v63  }
0x8d: {  	s13 =	sadd.s32 $0x1, s28;
	s2 =	sadd.s32 @!p1 s4, s2;
	s4 =	simm.s32 @!p1 $0x100  }
0x8e: {  	[tilespmem:s4], [sflag:$0x3] =	stream.linear.gather @!p1 [hbm4b:s2+s0], $0x4000, $0x38;
	[tilespmem:$0x15E00] =	vst v63  }
0x8f: {  	s6 =	simm.s32 @!p1 $0x0;
	s2 =	sshrl.u32 s13, $0x1  }
0x90: {  	s6 =	simm.s32 @p1 $0x1;
	p1 =	seq.s32 s2, $0x0  }
.Ltmp4:
0x91: {  	_ = 	snop;
	(pc) =	sbr.rel @p1 .LBB2_12-.Ltmp4, $4  }
0x92: {  	_ = 	snop  }
0x93: {  	s4 =	simm.s32 @!p1 $0x0  }
0x94: {  	[smem:$0x7FB] =	sst s6;
	s4 =	simm.s32 @p1 $0x1  }
0x95: {  	s29 =	sadd.s32 $0xFFFFFFFF, s28;
	[smem:$0x7FC] =	sst s4  }
.Ltmp5:
0x96: {  	(pc) =	sbr.rel .LBB2_7-.Ltmp5, $4  }
0x97: {  	_ = 	snop  }
0x98: {  	s9 =	sshll.u32 s30, $0x7  }
0x99: {  	s4 =	sshll.u32 s2, $0x1;
	s8 =	sshll.u32 s30, $0xB;
	s6 =	rddreg [dreg:$0xc]  }
0x9a: {  	s10 =	simm.s32 $0x0;
	s8 =	sadd.s32 s8, s6;
	s9 =	sadd.s32 $0x1000, s9  }
.LBB2_11:
0x9b: {  	s10 =	sadd.s32 $0x2, s10  }
0x9c: {  	p4 =	sne.s32 s4, s10  }
.Ltmp6:
0x9d: {  	_ = 	snop;
	(pc) =	sbr.rel @!p4 .LBB2_12-.Ltmp6, $2  }
0x9e: {  	_ =	sdelay $0x2  }
0x9f: {  	s8 =	sadd.s32 $0x10000, s8;
	s9 =	sadd.s32 $0x1000, s9  }
.LBB2_7:
0xa0: {  	p4 =	sge.u32 s10, s28  }
.Ltmp7:
0xa1: {  	_ = 	snop;
	(pc) =	sbr.rel @p4 .LBB2_9-.Ltmp7, $1  }
0xa2: {  	_ =	sdelay $0x3  }
0xa3: {  	_ =	swait.ge [sflag:s16], $0x80  }
0xa4: {  	[sflag:s16] =	ssyncset.done $0x0  }
0xa5: {  	[sflag:s16] =	ssyncadd.s32 $0xFFFFFF80  }
0xa6: {  	v1 =	vld @p2 [tilespmem:$0x10]  }
0xa7: {  	v2 =	vld @p2 [tilespmem:$0x20]  }
0xa8: {  	v3 =	vld @p2 [tilespmem:$0x30]  }
0xa9: {  	v4 =	vld @p2 [tilespmem:$0x40]  }
0xaa: {  	v5 =	vld @p2 [tilespmem:$0x50]  }
0xab: {  	v6 =	vld @p2 [tilespmem:$0x60];
	vm0 =	vgt.s32 @p2 v1, $0x1387;
	v1 =	vadd.s32 @p2 $0xFFFFEC78, v1  }
0xac: {  	v7 =	vld [tilespmem:$0x0];
	v1 =	vnsel @p2 vm0, $0x138F, v1;
	vm0 =	vgt.s32 @p2 v2, $0x1387;
	v2 =	vadd.s32 @p2 $0xFFFFEC78, v2  }
0xad: {  	[tilespmem:$0x10] =	vst @p2 v1;
	v1 =	vnsel @p2 vm0, $0x138F, v2;
	vm0 =	vgt.s32 @p2 v3, $0x1387;
	v2 =	vadd.s32 @p2 $0xFFFFEC78, v3;
	v3 =	vld @p2 [tilespmem:$0x70]  }
0xae: {  	[tilespmem:$0x20] =	vst @p2 v1;
	v1 =	vnsel @p2 vm0, $0x138F, v2;
	vm0 =	vgt.s32 @p2 v4, $0x1387;
	v2 =	vadd.s32 @p2 $0xFFFFEC78, v4;
	v4 =	vld @!p2 [tilespmem:$0x10]  }
0xaf: {  	[tilespmem:$0x30] =	vst @p2 v1;
	v1 =	vnsel @p2 vm0, $0x138F, v2;
	vm0 =	vgt.s32 @p2 v5, $0x1387;
	v2 =	vadd.s32 @p2 $0xFFFFEC78, v5;
	v5 =	vld @!p2 [tilespmem:$0x20]  }
0xb0: {  	[tilespmem:$0x40] =	vst @p2 v1;
	v1 =	vnsel @p2 vm0, $0x138F, v2;
	vm0 =	vgt.s32 @p2 v6, $0x1387;
	v2 =	vadd.s32 @p2 $0xFFFFEC78, v6;
	v6 =	vld @!p2 [tilespmem:$0x30]  }
0xb1: {  	[tilespmem:$0x50] =	vst @p2 v1;
	v1 =	vnsel @p2 vm0, $0x138F, v2;
	v2 =	vld @!p2 [tilespmem:$0x40]  }
0xb2: {  	v8 =	vadd.s32 @p2 $0xFFFFEC78, v7;
	vm0 =	vgt.s32 @p2 v7, $0x1387;
	[tilespmem:$0x60] =	vst @p2 v1;
	v1 =	vld @!p2 [tilespmem:$0x50]  }
0xb3: {  	v8 =	vnsel @p2 vm0, $0x138F, v8;
	vm0 =	vlt.s32 @!p2 v7, $0x1388;
	v9 =	vld @!p2 [tilespmem:$0x60]  }
0xb4: {  	[tilespmem:$0x0] =	vst @p2 v8;
	v7 =	vnsel @!p2 vm0, $0x1388, v7;
	vm0 =	vlt.s32 @!p2 v4, $0x1388;
	v8 =	vld @!p2 [tilespmem:$0x70]  }
0xb5: {  	[tilespmem:$0x0] =	vst @!p2 v7;
	v4 =	vnsel @!p2 vm0, $0x1388, v4;
	vm0 =	vlt.s32 @!p2 v5, $0x1388  }
0xb6: {  	[tilespmem:$0x10] =	vst @!p2 v4;
	v4 =	vnsel @!p2 vm0, $0x1388, v5;
	vm0 =	vlt.s32 @!p2 v6, $0x1388  }
0xb7: {  	vm1 =	vgt.s32 @p2 v3, $0x1387;
	[tilespmem:$0x20] =	vst @!p2 v4;
	v4 =	vnsel @!p2 vm0, $0x1388, v6;
	vm0 =	vlt.s32 @!p2 v2, $0x1388  }
0xb8: {  	v3 =	vadd.s32 @p2 $0xFFFFEC78, v3;
	[tilespmem:$0x30] =	vst @!p2 v4;
	v2 =	vnsel @!p2 vm0, $0x1388, v2;
	vm0 =	vlt.s32 @!p2 v1, $0x1388  }
0xb9: {  	[tilespmem:$0x40] =	vst @!p2 v2;
	v1 =	vnsel @!p2 vm0, $0x1388, v1;
	vm0 =	vlt.s32 @!p2 v9, $0x1388;
	vm2 =	vlt.s32 @!p2 v8, $0x1388  }
0xba: {  	v2 =	vnsel @p2 vm1, $0x138F, v3;
	v3 =	vnsel @!p2 vm0, $0x1388, v9;
	[tilespmem:$0x50] =	vst @!p2 v1;
	v1 =	vnsel @!p2 vm2, $0x1388, v8  }
0xbb: {  	[tilespmem:$0x60] =	vst @!p2 v3;
	v1 =	vpsel p2, v2, v1  }
0xbc: {  	s11 =	sadd.s32 $0x1, s10;
	p4 =	seq.s32 s10, $0x0;
	[tilespmem:$0x70] =	vst v1  }
0xbd: {  	p5 =	sge.u32 @!p4 s11, s28;
	_ =	swait.ge [sflag:s22], $0x4000  }
0xbe: {  	p4 =	por p5, p4;
	[sflag:s22] =	ssyncset.done $0x0  }
0xbf: {  	p5 =	sge.u32 s11, s28;
	s12 =	simm.s32 @!p4 $0x6;
	[sflag:s22] =	ssyncadd.s32 $0xFFFFC000  }
0xc0: {  	s11 =	sadd.s32 @!p5 $0xFFFFF800, s9;
	_ =	swait.ge @!p4 [sflag:s12], $0x4000  }
0xc1: {  	s6 =	simm.s32 @!p5 $0x80;
	s11 =	sshrl.u32 @!p5 s11, $0x3;
	[sflag:s12] =	ssyncset.done @!p4 $0x0  }
0xc2: {  	s11 =	sadd.s32 @!p5 s1, s11;
	[sflag:s12] =	ssyncadd.s32 @!p4 $0xFFFFC000;
	s12 =	simm.s32 @!p5 $0x0  }
0xc3: {  	[tilespmem:s6], [sflag:$0x2] =	stream.linear.gather @!p5 [hbm4b:s11+s12], $0x80, $0x38;
	[tilespmem:$0x15E00] =	vst v63  }
0xc4: {  	s6 =	sadd.s32 @!p5 $0xFFFF8000, s8;
	s11 =	simm.s32 @!p5 $0x4100  }
0xc5: {  	[tilespmem:s11], [sflag:$0x4] =	stream.linear.gather @!p5 [hbm4b:s6+s12], $0x4000, $0x38;
	[tilespmem:$0x15E00] =	vst v63  }
0xc6: {  	_ = 	snop  }
0xc7: {  	[spmem:s3] =	stream.indirect.scatter.add.f32 [tilespmem:s23], [sflag:$0x5], $0x80, s5, s19, $0xb8;
	[tilespmem:$0x15E00] =	vst v63  }
.LBB2_9:
0xc8: {  	p4 =	sge.s32 s10, s29  }
.Ltmp8:
0xc9: {  	_ = 	snop;
	(pc) =	sbr.rel @p4 .LBB2_11-.Ltmp8, $1  }
0xca: {  	_ =	sdelay $0x3  }
0xcb: {  	_ =	swait.ge [sflag:s21], $0x80  }
0xcc: {  	[sflag:s21] =	ssyncset.done $0x0  }
0xcd: {  	[sflag:s21] =	ssyncadd.s32 $0xFFFFFF80  }
0xce: {  	v1 =	vld @p2 [tilespmem:$0x90]  }
0xcf: {  	v2 =	vld @p2 [tilespmem:$0xA0]  }
0xd0: {  	v3 =	vld @p2 [tilespmem:$0xB0]  }
0xd1: {  	v4 =	vld @p2 [tilespmem:$0xC0]  }
0xd2: {  	v5 =	vld @p2 [tilespmem:$0xD0]  }
0xd3: {  	v6 =	vld @p2 [tilespmem:$0xE0];
	vm0 =	vgt.s32 @p2 v1, $0x1387;
	v1 =	vadd.s32 @p2 $0xFFFFEC78, v1  }
0xd4: {  	v7 =	vld [tilespmem:$0x80];
	v1 =	vnsel @p2 vm0, $0x138F, v1;
	vm0 =	vgt.s32 @p2 v2, $0x1387;
	v2 =	vadd.s32 @p2 $0xFFFFEC78, v2  }
0xd5: {  	[tilespmem:$0x90] =	vst @p2 v1;
	v1 =	vnsel @p2 vm0, $0x138F, v2;
	vm0 =	vgt.s32 @p2 v3, $0x1387;
	v2 =	vadd.s32 @p2 $0xFFFFEC78, v3;
	v3 =	vld @p2 [tilespmem:$0xF0]  }
0xd6: {  	[tilespmem:$0xA0] =	vst @p2 v1;
	v1 =	vnsel @p2 vm0, $0x138F, v2;
	vm0 =	vgt.s32 @p2 v4, $0x1387;
	v2 =	vadd.s32 @p2 $0xFFFFEC78, v4;
	v4 =	vld @!p2 [tilespmem:$0x90]  }
0xd7: {  	[tilespmem:$0xB0] =	vst @p2 v1;
	v1 =	vnsel @p2 vm0, $0x138F, v2;
	vm0 =	vgt.s32 @p2 v5, $0x1387;
	v2 =	vadd.s32 @p2 $0xFFFFEC78, v5;
	v5 =	vld @!p2 [tilespmem:$0xA0]  }
0xd8: {  	[tilespmem:$0xC0] =	vst @p2 v1;
	v1 =	vnsel @p2 vm0, $0x138F, v2;
	vm0 =	vgt.s32 @p2 v6, $0x1387;
	v2 =	vadd.s32 @p2 $0xFFFFEC78, v6;
	v6 =	vld @!p2 [tilespmem:$0xB0]  }
0xd9: {  	[tilespmem:$0xD0] =	vst @p2 v1;
	v1 =	vnsel @p2 vm0, $0x138F, v2;
	v2 =	vld @!p2 [tilespmem:$0xC0]  }
0xda: {  	v8 =	vadd.s32 @p2 $0xFFFFEC78, v7;
	vm0 =	vgt.s32 @p2 v7, $0x1387;
	[tilespmem:$0xE0] =	vst @p2 v1;
	v1 =	vld @!p2 [tilespmem:$0xD0]  }
0xdb: {  	v8 =	vnsel @p2 vm0, $0x138F, v8;
	vm0 =	vlt.s32 @!p2 v7, $0x1388;
	v9 =	vld @!p2 [tilespmem:$0xE0]  }
0xdc: {  	[tilespmem:$0x80] =	vst @p2 v8;
	v7 =	vnsel @!p2 vm0, $0x1388, v7;
	vm0 =	vlt.s32 @!p2 v4, $0x1388;
	v8 =	vld @!p2 [tilespmem:$0xF0]  }
0xdd: {  	[tilespmem:$0x80] =	vst @!p2 v7;
	v4 =	vnsel @!p2 vm0, $0x1388, v4;
	vm0 =	vlt.s32 @!p2 v5, $0x1388  }
0xde: {  	[tilespmem:$0x90] =	vst @!p2 v4;
	v4 =	vnsel @!p2 vm0, $0x1388, v5;
	vm0 =	vlt.s32 @!p2 v6, $0x1388  }
0xdf: {  	vm1 =	vgt.s32 @p2 v3, $0x1387;
	[tilespmem:$0xA0] =	vst @!p2 v4;
	v4 =	vnsel @!p2 vm0, $0x1388, v6;
	vm0 =	vlt.s32 @!p2 v2, $0x1388  }
0xe0: {  	v3 =	vadd.s32 @p2 $0xFFFFEC78, v3;
	[tilespmem:$0xB0] =	vst @!p2 v4;
	v2 =	vnsel @!p2 vm0, $0x1388, v2;
	vm0 =	vlt.s32 @!p2 v1, $0x1388  }
0xe1: {  	[tilespmem:$0xC0] =	vst @!p2 v2;
	v1 =	vnsel @!p2 vm0, $0x1388, v1;
	vm0 =	vlt.s32 @!p2 v9, $0x1388;
	vm2 =	vlt.s32 @!p2 v8, $0x1388  }
0xe2: {  	v2 =	vnsel @p2 vm1, $0x138F, v3;
	v3 =	vnsel @!p2 vm0, $0x1388, v9;
	[tilespmem:$0xD0] =	vst @!p2 v1;
	v1 =	vnsel @!p2 vm2, $0x1388, v8  }
0xe3: {  	[tilespmem:$0xE0] =	vst @!p2 v3;
	v1 =	vpsel p2, v2, v1  }
0xe4: {  	[tilespmem:$0xF0] =	vst v1  }
0xe5: {  	s6 =	sadd.s32 $0x2, s10;
	_ =	swait.ge [sflag:s24], $0x4000  }
0xe6: {  	p4 =	sge.u32 s6, s28;
	[sflag:s24] =	ssyncset.done $0x0  }
0xe7: {  	s6 =	simm.s32 @!p4 $0x5;
	[sflag:s24] =	ssyncadd.s32 $0xFFFFC000  }
0xe8: {  	_ =	swait.ge @!p4 [sflag:s6], $0x4000  }
0xe9: {  	s11 =	sshrl.u32 @!p4 s9, $0x3;
	[sflag:s6] =	ssyncset.done @!p4 $0x0  }
0xea: {  	[sflag:s6] =	ssyncadd.s32 @!p4 $0xFFFFC000;
	s6 =	sadd.s32 @!p4 s1, s11;
	s11 =	simm.s32 @!p4 $0x0  }
0xeb: {  	[tilespmem:s11], [sflag:$0x1] =	stream.linear.gather @!p4 [hbm4b:s6+s11], $0x80, $0x38;
	[tilespmem:$0x15E00] =	vst v63  }
.Ltmp9:
0xec: {  	_ = 	snop;
	(pc) =	sbr.rel .LBB2_11-.Ltmp9, $4  }
0xed: {  	s6 =	simm.s32 @!p4 $0x100  }
0xee: {  	[tilespmem:s6], [sflag:$0x3] =	stream.linear.gather @!p4 [hbm4b:s8+s11], $0x4000, $0x38;
	[tilespmem:$0x15E00] =	vst v63  }
0xef: {  	_ = 	snop  }
0xf0: {  	[spmem:s3] =	stream.indirect.scatter.add.f32 [tilespmem:s25], [sflag:$0x6], $0x80, s19, s19, $0xb8;
	[tilespmem:$0x15E00] =	vst v63  }
.LBB2_12:
0xf1: {  	s6 =	sand.u32 $0x1, s28  }
0xf2: {  	p4 =	seq.s32 s6, $0x1  }
0xf3: {  	s4 =	simm.s32 @!p3 $0x0;
	p5 =	por !p3, !p4  }
0xf4: {  	s4 =	simm.s32 @p3 $0x1;
	p3 =	por !p5, !p5  }
0xf5: {  	[smem:$0x7FA] =	sst s4;
	s4 =	simm.s32 @p3 $0x5  }
0xf6: {  	p1 =	seq.s32 s6, $0x0;
	_ =	swait.ge @p3 [sflag:s4], $0x4000  }
0xf7: {  	p5 =	sgt.s32 s7, $0x1;
	s6 =	simm.s32 @!p3 $0x0;
	s11 =	sld [smem:$0x7FA]  }
0xf8: {  	p6 =	por !p5, !p1;
	s6 =	simm.s32 @p3 $0x1  }
0xf9: {  	p6 =	por !p6, !p6;
	[sflag:s4] =	ssyncset.done @p3 $0x0;
	[smem:$0x7F9] =	sst s6  }
0xfa: {  	s12 =	simm.s32 @p6 $0x5;
	[sflag:s4] =	ssyncadd.s32 @p3 $0xFFFFC000;
	p3 =	seq.s32 s11, $0x1  }
0xfb: {  	_ =	swait.ge @p6 [sflag:s12], $0x4000;
	p1 =	por !p3, !p1  }
0xfc: {  	[sflag:s12] =	ssyncset.done @p6 $0x0;
	p1 =	por !p1, !p1  }
0xfd: {  	[sflag:s12] =	ssyncadd.s32 @p6 $0xFFFFC000;
	s11 =	simm.s32 @p1 $0x6  }
0xfe: {  	p4 =	por !p5, !p4;
	_ =	swait.ge @p1 [sflag:s11], $0x4000  }
0xff: {  	p4 =	por !p4, !p4;
	[sflag:s11] =	ssyncset.done @p1 $0x0  }
0x100: {  	s7 =	simm.s32 @p4 $0x6;
	[sflag:s11] =	ssyncadd.s32 @p1 $0xFFFFC000  }
0x101: {  	_ =	swait.ge @p4 [sflag:s7], $0x4000  }
0x102: {  	[sflag:s7] =	ssyncset.done @p4 $0x0  }
0x103: {  	[sflag:s7] =	ssyncadd.s32 @p4 $0xFFFFC000  }
0x104: {  	[bflag:$0x0] =	sbarrier.arrive $0xFFFF  }
0x105: {  	s6 =	rddreg [dreg:$0x6]  }
0x106: {  	s9 =	rddreg [dreg:$0x9]  }
0x107: {  	s8 =	simm.s32 @p0 $0x7;
	s10 =	rddreg [dreg:$0xd];
	s6 =	sadd.s32 @p0 s6, s9  }
0x108: {  	[hbm:s6], [sflag:s10] =	dma.local @p0 [spmem:s14], $0x1380  }
0x109: {  	_ =	swait.ge @p0 [sflag:s8], $0x1380  }
0x10a: {  	[sflag:s8] =	ssyncset.done @p0 $0x0  }
0x10b: {  	[sflag:s8] =	ssyncadd.s32 @p0 $0xFFFFEC80  }
0x10c: {  	[bflag:$0x0] =	sbarrier.arrive @p0 $0xFFFF  }
0x10d: {  	s6 =	rddreg [dreg:$0x7]  }
0x10e: {  	[spmem:s14], [sflag:s10] =	dma.local @p0 [hbm:s6], $0x1380  }
0x10f: {  	_ =	swait.ge @p0 [sflag:s8], $0x1380  }
0x110: {  	s6 =	sadd.s32 @!p0 $0x12480, s9;
	[sflag:s8] =	ssyncset.done @p0 $0x0  }
0x111: {  	s10 =	simm.s32 @!p0 $0x1FC7;
	s9 =	simm.s32 @!p0 $0x7;
	[sflag:s8] =	ssyncadd.s32 @p0 $0xFFFFEC80  }
0x112: {  	[hbm:s6], [sflag:s10] =	dma.local @!p0 [spmem:s15], $0x1480  }
0x113: {  	_ =	swait.ge @!p0 [sflag:s9], $0x1480  }
0x114: {  	[sflag:s9] =	ssyncset.done @!p0 $0x0  }
0x115: {  	[sflag:s9] =	ssyncadd.s32 @!p0 $0xFFFFEB80  }
0x116: {  	[bflag:$0x0] =	sbarrier.arrive @!p0 $0xFFFF  }
0x117: {  	s6 =	rddreg [dreg:$0x8]  }
0x118: {  	[spmem:s15], [sflag:s10] =	dma.local @!p0 [hbm:s6], $0x1480  }
0x119: {  	_ =	swait.ge @!p0 [sflag:s9], $0x1480  }
0x11a: {  	[sflag:s9] =	ssyncset.done @!p0 $0x0  }
0x11b: {  	[sflag:s9] =	ssyncadd.s32 @!p0 $0xFFFFEB80  }
0x11c: {  	[bflag:$0x0] =	sbarrier.arrive $0xFFFF  }
0x11d: {  	s13 =	sld [smem:$0x7FB];
	_ =	sdelay $0x2  }
0x11e: {  	p3 =	seq.s32 s13, $0x1  }
0x11f: {  	[tilespmem:s0], [sflag:$0x1] =	stream.linear.gather @!p3 [hbm4b:s31+s0], $0x80, $0x38;
	[tilespmem:$0x15E00] =	vst v63  }
0x120: {  	s31 =	sld [smem:$0x7FC];
	_ =	sdelay $0x2  }
0x121: {  	p3 =	seq.s32 s31, $0x1  }
.Ltmp10:
0x122: {  	_ = 	snop;
	(pc) =	sbr.rel @p3 .LBB2_19-.Ltmp10, $1  }
0x123: {  	_ =	sdelay $0x3  }
.Ltmp11:
0x124: {  	(pc) =	sbr.rel .LBB2_14-.Ltmp11, $3  }
0x125: {  	_ =	sdelay $0x1  }
0x126: {  	s6 =	sshll.u32 s30, $0x7  }
0x127: {  	s0 =	sshll.u32 s2, $0x1;
	s30 =	simm.s32 $0x0;
	s2 =	sadd.s32 $0x1000, s6  }
.LBB2_18:
0x128: {  	s30 =	sadd.s32 $0x2, s30  }
0x129: {  	p3 =	sne.s32 s0, s30  }
.Ltmp12:
0x12a: {  	_ = 	snop;
	(pc) =	sbr.rel @!p3 .LBB2_19-.Ltmp12, $2  }
0x12b: {  	_ =	sdelay $0x2  }
0x12c: {  	s2 =	sadd.s32 $0x1000, s2  }
.LBB2_14:
0x12d: {  	p3 =	sge.u32 s30, s28  }
.Ltmp13:
0x12e: {  	_ = 	snop;
	(pc) =	sbr.rel @p3 .LBB2_16-.Ltmp13, $1  }
0x12f: {  	_ =	sdelay $0x3  }
0x130: {  	_ =	swait.ge [sflag:s16], $0x80  }
0x131: {  	[sflag:s16] =	ssyncset.done $0x0  }
0x132: {  	[sflag:s16] =	ssyncadd.s32 $0xFFFFFF80  }
0x133: {  	v1 =	vld @p2 [tilespmem:$0x10]  }
0x134: {  	v2 =	vld @p2 [tilespmem:$0x20]  }
0x135: {  	v3 =	vld @p2 [tilespmem:$0x30]  }
0x136: {  	v4 =	vld @p2 [tilespmem:$0x40]  }
0x137: {  	v5 =	vld @p2 [tilespmem:$0x50]  }
0x138: {  	v6 =	vld @p2 [tilespmem:$0x60];
	vm0 =	vgt.s32 @p2 v1, $0x1387;
	v1 =	vadd.s32 @p2 $0xFFFFEC78, v1  }
0x139: {  	v7 =	vld [tilespmem:$0x0];
	v1 =	vnsel @p2 vm0, $0x138F, v1;
	vm0 =	vgt.s32 @p2 v2, $0x1387;
	v2 =	vadd.s32 @p2 $0xFFFFEC78, v2  }
0x13a: {  	[tilespmem:$0x10] =	vst @p2 v1;
	v1 =	vnsel @p2 vm0, $0x138F, v2;
	vm0 =	vgt.s32 @p2 v3, $0x1387;
	v2 =	vadd.s32 @p2 $0xFFFFEC78, v3;
	v3 =	vld @p2 [tilespmem:$0x70]  }
0x13b: {  	[tilespmem:$0x20] =	vst @p2 v1;
	v1 =	vnsel @p2 vm0, $0x138F, v2;
	vm0 =	vgt.s32 @p2 v4, $0x1387;
	v2 =	vadd.s32 @p2 $0xFFFFEC78, v4;
	v4 =	vld @!p2 [tilespmem:$0x10]  }
0x13c: {  	[tilespmem:$0x30] =	vst @p2 v1;
	v1 =	vnsel @p2 vm0, $0x138F, v2;
	vm0 =	vgt.s32 @p2 v5, $0x1387;
	v2 =	vadd.s32 @p2 $0xFFFFEC78, v5;
	v5 =	vld @!p2 [tilespmem:$0x20]  }
0x13d: {  	[tilespmem:$0x40] =	vst @p2 v1;
	v1 =	vnsel @p2 vm0, $0x138F, v2;
	vm0 =	vgt.s32 @p2 v6, $0x1387;
	v2 =	vadd.s32 @p2 $0xFFFFEC78, v6;
	v6 =	vld @!p2 [tilespmem:$0x30]  }
0x13e: {  	[tilespmem:$0x50] =	vst @p2 v1;
	v1 =	vnsel @p2 vm0, $0x138F, v2;
	v2 =	vld @!p2 [tilespmem:$0x40]  }
0x13f: {  	v8 =	vadd.s32 @p2 $0xFFFFEC78, v7;
	vm0 =	vgt.s32 @p2 v7, $0x1387;
	[tilespmem:$0x60] =	vst @p2 v1;
	v1 =	vld @!p2 [tilespmem:$0x50]  }
0x140: {  	v8 =	vnsel @p2 vm0, $0x138F, v8;
	vm0 =	vlt.s32 @!p2 v7, $0x1388;
	v9 =	vld @!p2 [tilespmem:$0x60]  }
0x141: {  	[tilespmem:$0x0] =	vst @p2 v8;
	v7 =	vnsel @!p2 vm0, $0x1388, v7;
	vm0 =	vlt.s32 @!p2 v4, $0x1388;
	v8 =	vld @!p2 [tilespmem:$0x70]  }
0x142: {  	[tilespmem:$0x0] =	vst @!p2 v7;
	v4 =	vnsel @!p2 vm0, $0x1388, v4;
	vm0 =	vlt.s32 @!p2 v5, $0x1388  }
0x143: {  	[tilespmem:$0x10] =	vst @!p2 v4;
	v4 =	vnsel @!p2 vm0, $0x1388, v5;
	vm0 =	vlt.s32 @!p2 v6, $0x1388  }
0x144: {  	vm1 =	vgt.s32 @p2 v3, $0x1387;
	[tilespmem:$0x20] =	vst @!p2 v4;
	v4 =	vnsel @!p2 vm0, $0x1388, v6;
	vm0 =	vlt.s32 @!p2 v2, $0x1388  }
0x145: {  	v3 =	vadd.s32 @p2 $0xFFFFEC78, v3;
	[tilespmem:$0x30] =	vst @!p2 v4;
	v2 =	vnsel @!p2 vm0, $0x1388, v2;
	vm0 =	vlt.s32 @!p2 v1, $0x1388  }
0x146: {  	s6 =	sadd.s32 $0x1, s30;
	p3 =	seq.s32 s30, $0x0;
	[tilespmem:$0x40] =	vst @!p2 v2;
	v1 =	vnsel @!p2 vm0, $0x1388, v1;
	vm0 =	vlt.s32 @!p2 v9, $0x1388;
	vm2 =	vlt.s32 @!p2 v8, $0x1388  }
0x147: {  	p5 =	sge.u32 @!p3 s6, s28;
	v2 =	vnsel @p2 vm1, $0x138F, v3;
	v3 =	vnsel @!p2 vm0, $0x1388, v9;
	[tilespmem:$0x50] =	vst @!p2 v1;
	v1 =	vnsel @!p2 vm2, $0x1388, v8  }
0x148: {  	p3 =	por p5, p3;
	[tilespmem:$0x60] =	vst @!p2 v3;
	v1 =	vpsel p2, v2, v1  }
0x149: {  	p5 =	sge.u32 s6, s28;
	s31 =	simm.s32 @!p3 $0x6;
	[tilespmem:$0x70] =	vst v1  }
0x14a: {  	s6 =	sadd.s32 @!p5 $0xFFFFF800, s2;
	_ =	swait.ge @!p3 [sflag:s31], $0x4000  }
0x14b: {  	s13 =	simm.s32 @!p5 $0x80;
	s6 =	sshrl.u32 @!p5 s6, $0x3;
	[sflag:s31] =	ssyncset.done @!p3 $0x0  }
0x14c: {  	s6 =	sadd.s32 @!p5 s1, s6;
	[sflag:s31] =	ssyncadd.s32 @!p3 $0xFFFFC000;
	s31 =	simm.s32 @!p5 $0x0  }
0x14d: {  	[tilespmem:s13], [sflag:$0x2] =	stream.linear.gather @!p5 [hbm4b:s6+s31], $0x80, $0x38;
	[tilespmem:$0x15E00] =	vst v63  }
0x14e: {  	_ = 	snop  }
0x14f: {  	[spmem:s3] =	stream.indirect.scatter.add.f32 [tilespmem:s20], [sflag:$0x5], $0x80, s5, s19, $0xb8;
	[tilespmem:$0x15E00] =	vst v63  }
.LBB2_16:
0x150: {  	p3 =	sge.s32 s30, s29  }
.Ltmp14:
0x151: {  	_ = 	snop;
	(pc) =	sbr.rel @p3 .LBB2_18-.Ltmp14, $1  }
0x152: {  	_ =	sdelay $0x3  }
0x153: {  	_ =	swait.ge [sflag:s21], $0x80  }
0x154: {  	[sflag:s21] =	ssyncset.done $0x0  }
0x155: {  	[sflag:s21] =	ssyncadd.s32 $0xFFFFFF80  }
0x156: {  	v1 =	vld @p2 [tilespmem:$0x90]  }
0x157: {  	v2 =	vld @p2 [tilespmem:$0xA0]  }
0x158: {  	v3 =	vld @p2 [tilespmem:$0xB0]  }
0x159: {  	v4 =	vld @p2 [tilespmem:$0xC0]  }
0x15a: {  	v5 =	vld @p2 [tilespmem:$0xD0]  }
0x15b: {  	v6 =	vld @p2 [tilespmem:$0xE0];
	vm0 =	vgt.s32 @p2 v1, $0x1387;
	v1 =	vadd.s32 @p2 $0xFFFFEC78, v1  }
0x15c: {  	v7 =	vld [tilespmem:$0x80];
	v1 =	vnsel @p2 vm0, $0x138F, v1;
	vm0 =	vgt.s32 @p2 v2, $0x1387;
	v2 =	vadd.s32 @p2 $0xFFFFEC78, v2  }
0x15d: {  	[tilespmem:$0x90] =	vst @p2 v1;
	v1 =	vnsel @p2 vm0, $0x138F, v2;
	vm0 =	vgt.s32 @p2 v3, $0x1387;
	v2 =	vadd.s32 @p2 $0xFFFFEC78, v3;
	v3 =	vld @p2 [tilespmem:$0xF0]  }
0x15e: {  	[tilespmem:$0xA0] =	vst @p2 v1;
	v1 =	vnsel @p2 vm0, $0x138F, v2;
	vm0 =	vgt.s32 @p2 v4, $0x1387;
	v2 =	vadd.s32 @p2 $0xFFFFEC78, v4;
	v4 =	vld @!p2 [tilespmem:$0x90]  }
0x15f: {  	[tilespmem:$0xB0] =	vst @p2 v1;
	v1 =	vnsel @p2 vm0, $0x138F, v2;
	vm0 =	vgt.s32 @p2 v5, $0x1387;
	v2 =	vadd.s32 @p2 $0xFFFFEC78, v5;
	v5 =	vld @!p2 [tilespmem:$0xA0]  }
0x160: {  	[tilespmem:$0xC0] =	vst @p2 v1;
	v1 =	vnsel @p2 vm0, $0x138F, v2;
	vm0 =	vgt.s32 @p2 v6, $0x1387;
	v2 =	vadd.s32 @p2 $0xFFFFEC78, v6;
	v6 =	vld @!p2 [tilespmem:$0xB0]  }
0x161: {  	[tilespmem:$0xD0] =	vst @p2 v1;
	v1 =	vnsel @p2 vm0, $0x138F, v2;
	v2 =	vld @!p2 [tilespmem:$0xC0]  }
0x162: {  	v8 =	vadd.s32 @p2 $0xFFFFEC78, v7;
	vm0 =	vgt.s32 @p2 v7, $0x1387;
	[tilespmem:$0xE0] =	vst @p2 v1;
	v1 =	vld @!p2 [tilespmem:$0xD0]  }
0x163: {  	v8 =	vnsel @p2 vm0, $0x138F, v8;
	vm0 =	vlt.s32 @!p2 v7, $0x1388;
	v9 =	vld @!p2 [tilespmem:$0xE0]  }
0x164: {  	[tilespmem:$0x80] =	vst @p2 v8;
	v7 =	vnsel @!p2 vm0, $0x1388, v7;
	vm0 =	vlt.s32 @!p2 v4, $0x1388;
	v8 =	vld @!p2 [tilespmem:$0xF0]  }
0x165: {  	[tilespmem:$0x80] =	vst @!p2 v7;
	v4 =	vnsel @!p2 vm0, $0x1388, v4;
	vm0 =	vlt.s32 @!p2 v5, $0x1388  }
0x166: {  	[tilespmem:$0x90] =	vst @!p2 v4;
	v4 =	vnsel @!p2 vm0, $0x1388, v5;
	vm0 =	vlt.s32 @!p2 v6, $0x1388  }
0x167: {  	vm1 =	vgt.s32 @p2 v3, $0x1387;
	[tilespmem:$0xA0] =	vst @!p2 v4;
	v4 =	vnsel @!p2 vm0, $0x1388, v6;
	vm0 =	vlt.s32 @!p2 v2, $0x1388  }
0x168: {  	v3 =	vadd.s32 @p2 $0xFFFFEC78, v3;
	[tilespmem:$0xB0] =	vst @!p2 v4;
	v2 =	vnsel @!p2 vm0, $0x1388, v2;
	vm0 =	vlt.s32 @!p2 v1, $0x1388  }
0x169: {  	[tilespmem:$0xC0] =	vst @!p2 v2;
	v1 =	vnsel @!p2 vm0, $0x1388, v1;
	vm0 =	vlt.s32 @!p2 v9, $0x1388;
	vm2 =	vlt.s32 @!p2 v8, $0x1388  }
0x16a: {  	s6 =	sadd.s32 $0x2, s30;
	v2 =	vnsel @p2 vm1, $0x138F, v3;
	v3 =	vnsel @!p2 vm0, $0x1388, v9;
	[tilespmem:$0xD0] =	vst @!p2 v1;
	v1 =	vnsel @!p2 vm2, $0x1388, v8  }
0x16b: {  	p3 =	sge.u32 s6, s28;
	[tilespmem:$0xE0] =	vst @!p2 v3;
	v1 =	vpsel p2, v2, v1  }
0x16c: {  	s6 =	simm.s32 @!p3 $0x5;
	[tilespmem:$0xF0] =	vst v1  }
0x16d: {  	_ =	swait.ge @!p3 [sflag:s6], $0x4000  }
.Ltmp15:
0x16e: {  	s13 =	sshrl.u32 @!p3 s2, $0x3;
	[sflag:s6] =	ssyncset.done @!p3 $0x0;
	(pc) =	sbr.rel .LBB2_18-.Ltmp15, $4  }
0x16f: {  	[sflag:s6] =	ssyncadd.s32 @!p3 $0xFFFFC000;
	s6 =	sadd.s32 @!p3 s1, s13;
	s13 =	simm.s32 @!p3 $0x0  }
0x170: {  	[tilespmem:s13], [sflag:$0x1] =	stream.linear.gather @!p3 [hbm4b:s6+s13], $0x80, $0x38;
	[tilespmem:$0x15E00] =	vst v63  }
0x171: {  	_ = 	snop  }
0x172: {  	[spmem:s3] =	stream.indirect.scatter.add.f32 [tilespmem:s20], [sflag:$0x6], $0x80, s19, s19, $0xb8;
	[tilespmem:$0x15E00] =	vst v63  }
.LBB2_20:
0x173: {  	_ =	sfence.sel $0x180000  }
0x174: {  	[bflag:$0x0] =	sbarrier.arrive $0xFFFF  }
0x175: {  	_ =	strace $0x90000047  }
0x176: {  	s0 =	stileid.u32;
	[bflag:$0x2] =	sbarrier.arrive $0xFFFF  }
0x177: {  	p0 =	sne.s32 s0, $0x0;
	s0 =	rddreg [dreg:$0x5]  }
0x178: {  	s0 =	sadd.s32 @!p0 $0x100000, s0  }
0x179: {  	[sflag:s0] =	ssyncadd.tile.s32 @!p0 $0x1;
	_ =	shalt  }
.Lfunc_end2:
_tile_overlayer_lowered:
.L_overlay_start_2:
0x17a: {  	(tag) =	ssettag $0x2  }
0x17b: {  	s0 =	rddreg [dreg:$0x0];
	s2 =	stileid.u32  }
0x17c: {  	s1 =	rddreg [dreg:$0x1];
	p0 =	sne.s32 s2, $0x0  }
0x17d: {  	s3 =	rddreg [dreg:$0x2];
	[bflag:$0x3] =	sbarrier.arrive $0xFFFF;
	s2 =	simm.s32 @!p0 $0x1C07  }
0x17e: {  	[timem:s3], [sflag:s2] =	dma.local @!p0 [hbm:s0], s1  }
0x17f: {  	s0 =	simm.s32 @!p0 $0x7  }
0x180: {  	_ =	swait.ge @!p0 [sflag:s0], s1  }
0x181: {  	s1 =	ssub.s32 @!p0 $0x0, s1;
	[sflag:s0] =	ssyncset.done @!p0 $0x0  }
0x182: {  	[sflag:s0] =	ssyncadd.s32 @!p0 s1  }
0x183: {  	[bflag:$0x3] =	sbarrier.arrive $0xFFFF  }
0x184: {  	_ =	shalt  }

</sc_bundles>
